<compile_context>
chip_gen: v7x
topology: tpu7x:2x2x1
jax: 0.10.2.dev20260603
libtpu: 0.0.44.dev20260713+nightly
codegen_flags: <defaults>
</compile_context>

<pallas_src>
import functools
import jax
import jax.numpy as jnp
from jax import lax
from jax.experimental import pallas as pl
from jax.experimental.pallas import tpu as pltpu
from jax.experimental.pallas import tpu_sc as plsc

D = 2048
L = 16
SCALE = float(D) ** 0.5

_info = plsc.get_sparse_core_info()
NC = _info.num_cores
NS = _info.num_subcores
NW = NC * NS

B = 16384
BPW = B // NW
C = 8
NCHUNK = BPW // C
NBUF = 7
DEFER = 2

_mesh = plsc.VectorSubcoreMesh(core_axis_name="c", subcore_axis_name="s")


@functools.partial(
    pl.kernel,
    mesh=_mesh,
    out_type=jax.ShapeDtypeStruct((B, D), jnp.float32),
    scratch_types=[
        pltpu.VMEM((BPW,), jnp.int32),
        pltpu.VMEM((NBUF, C, D), jnp.float32),
        pltpu.SemaphoreType.DMA((NBUF,)),
        pltpu.SemaphoreType.DMA((NBUF,)),
    ],
)
def _embed(idx_hbm, table_hbm, out_hbm, idx_v, rows_v, gsem, ssem):
    wid = lax.axis_index("s") * NC + lax.axis_index("c")
    base = wid * BPW
    pltpu.sync_copy(idx_hbm.at[pl.ds(base, BPW)], idx_v)

    def g_copy(ci, buf):
        return pltpu.make_async_copy(
            table_hbm.at[idx_v.at[pl.ds(ci * C, C)]],
            rows_v.at[buf],
            gsem.at[buf],
        )

    def s_copy(ci, buf):
        return pltpu.make_async_copy(
            rows_v.at[buf],
            out_hbm.at[pl.ds(base + ci * C, C)],
            ssem.at[buf],
        )

    def scale(buf):
        def row_body(r, carry):
            for c in range(D // L):
                sl = pl.ds(c * L, L)
                rows_v[buf, r, sl] = rows_v[buf, r, sl] * SCALE
            return carry
        lax.fori_loop(0, C, row_body, 0)

    for b in range(NBUF):
        g_copy(b, b).start()

    def chunk_body(ci, carry):
        b = lax.rem(ci, NBUF)
        g_copy(ci, b).wait()
        scale(b)
        pb = lax.rem(b - DEFER + NBUF, NBUF)
        cj = ci + NBUF - DEFER

        @pl.when((ci >= DEFER) & (cj < NCHUNK))
        def _refill():
            s_copy(cj - NBUF, pb).wait()
            g_copy(cj, pb).start()

        s_copy(ci, b).start()
        return carry

    lax.fori_loop(0, NCHUNK, chunk_body, 0)

    for ci in range(NCHUNK - NBUF, NCHUNK):
        s_copy(ci, ci % NBUF).wait()


def kernel(input_ids, table):
    ids = input_ids.reshape(-1).astype(jnp.int32)
    out = _embed(ids, table)
    return out.reshape(input_ids.shape + (table.shape[1],))

# --- scband reference (transcript-rebuilt; emitter-appended) ---
"""Pipeline reference for scband-gemma4-scaled-embedding-13795434955050 (READ-ONLY COPY).

The authoritative reference and input builder live on the scoring server;
editing this copy changes nothing except your own understanding.
"""

import jax, jax.numpy as jnp
import numpy as np

NUM_EMBEDDINGS = 100000
EMBEDDING_DIM = 2048
PADDING_IDX = 0


def setup_inputs(seed: int = 0) -> dict:
    key = jax.random.key(seed)
    k1, k2 = jax.random.split(key)
    input_ids = jax.random.randint(k1, (4, 4096), 0, NUM_EMBEDDINGS, dtype=jnp.int64 if jax.config.jax_enable_x64 else jnp.int32)
    table = jax.random.normal(k2, (NUM_EMBEDDINGS, EMBEDDING_DIM), dtype=jnp.float32) * 0.02
    # padding_idx row is initialized to zeros, as in torch nn.Embedding
    table = table.at[PADDING_IDX].set(0.0)
    return {"input_ids": input_ids, "table": table}


def reference(input_ids, table):
    # Gemma4ScaledEmbedding: embedding lookup scaled by sqrt(hidden_size)
    embed_scale = float(table.shape[1]) ** 0.5
    emb = jnp.take(table, input_ids, axis=0)
    return emb * embed_scale

if __name__ == "__main__":
    import jax
    _d = setup_inputs()
    print(jax.jit(kernel)(*tuple(_d.values())))

</pallas_src>

<mosaic_0001>
#map = affine_map<(d0, d1) -> (0)>
#map1 = affine_map<(d0, d1) -> (0, 0)>
module attributes {stable_mosaic.version = 14 : i64} {
  func.func @_embed(%arg0: i32, %arg1: i32, %arg2: memref<16384xi32, #tpu.memory_space<hbm>>, %arg3: memref<100000x2048xf32, #tpu.memory_space<hbm>>, %arg4: memref<16384x2048xf32, #tpu.memory_space<hbm>>, %arg5: memref<512xi32, #tpu.memory_space<vmem>>, %arg6: memref<7x8x2048xf32, #tpu.memory_space<vmem>>, %arg7: memref<7x!tpu.dma_semaphore, #tpu.memory_space<semaphore_mem>>, %arg8: memref<7x!tpu.dma_semaphore, #tpu.memory_space<semaphore_mem>>) attributes {dimension_semantics = [#tpu.dimension_semantics<core_parallel>, #tpu.dimension_semantics<subcore_parallel>], iteration_bounds = array<i64: 2, 16>, scalar_prefetch = 0 : i64, scratch_operands = 4 : i64, tpu.core_type = #tpu.core_type<sc_vector_subcore>, window_params = [{transform_indices = #map}, {transform_indices = #map1}, {transform_indices = #map1}]} {
    %mul3A = arith.constant 2 : i32
    %mul3A_0 = arith.muli %arg1, %mul3A : i32
    %add3A = arith.addi %mul3A_0, %arg0 : i32
    %mul3A_1 = arith.constant 512 : i32
    %mul3A_2 = arith.muli %add3A, %mul3A_1 : i32
    "tpu.region"() ({
      %run_scoped3A = tpu.sem_alloc : memref<!tpu.dma_semaphore, #tpu.memory_space<semaphore_mem>>
      %dma_start3A_223 = tpu.memref_slice %arg2[%mul3A_2] : memref<16384xi32, #tpu.memory_space<hbm>> -> memref<512xi32, #tpu.memory_space<hbm>>
      %dma_start3A_224 = tpu.memref_slice %arg2[%mul3A_2] : memref<16384xi32, #tpu.memory_space<hbm>> -> memref<512xi32, #tpu.memory_space<hbm>>
      tpu.enqueue_dma source(%dma_start3A_224 : memref<512xi32, #tpu.memory_space<hbm>>) target(%arg5 : memref<512xi32, #tpu.memory_space<vmem>>) target_semaphore(%run_scoped3A : memref<!tpu.dma_semaphore, #tpu.memory_space<semaphore_mem>>)
      %dma_wait3A_225 = tpu.memref_slice %arg2[%mul3A_2] : memref<16384xi32, #tpu.memory_space<hbm>> -> memref<512xi32, #tpu.memory_space<hbm>>
      %dma_wait3A_226 = tpu.memref_slice %arg2[%mul3A_2] : memref<16384xi32, #tpu.memory_space<hbm>> -> memref<512xi32, #tpu.memory_space<hbm>>
      tpu.wait_dma2 semaphore(%run_scoped3A : memref<!tpu.dma_semaphore, #tpu.memory_space<semaphore_mem>>) src(%dma_wait3A_226 : memref<512xi32, #tpu.memory_space<hbm>>) dst(%arg5 : memref<512xi32, #tpu.memory_space<vmem>>)
      tpu.yield
    }) : () -> ()
    %dma_start3A = arith.constant 0 : i32
    %dma_start3A_3 = arith.constant 0 : i32
    %dma_start3A_4 = arith.constant 0 : i32
    %dma_start3A_5 = arith.constant 0 : i32
    %dma_start3A_6 = tpu.memref_slice %arg6[%dma_start3A, %dma_start3A_4, %dma_start3A_5] : memref<7x8x2048xf32, #tpu.memory_space<vmem>> -> memref<1x8x2048xf32, #tpu.memory_space<vmem>>
    %dma_start3A_7 = tpu.memref_squeeze %dma_start3A_6 : memref<1x8x2048xf32, #tpu.memory_space<vmem>> -> memref<8x2048xf32, #tpu.memory_space<vmem>>
    %dma_start3A_8 = arith.constant 0 : i32
    %dma_start3A_9 = tpu.memref_slice %arg5[%dma_start3A_8] : memref<512xi32, #tpu.memory_space<vmem>> -> memref<8xi32, #tpu.memory_space<vmem>>
    %dma_start3A_10 = arith.constant 0 : i32
    %dma_start3A_11 = arith.constant 0 : i32
    %dma_start3A_12 = tpu.memref_slice %arg3[%dma_start3A_10, %dma_start3A_11] : memref<100000x2048xf32, #tpu.memory_space<hbm>> -> memref<100000x2048xf32, #tpu.memory_space<hbm>>
    %dma_start3A_13 = tpu.memref_slice %arg7[%dma_start3A_3] : memref<7x!tpu.dma_semaphore, #tpu.memory_space<semaphore_mem>> -> memref<1x!tpu.dma_semaphore, #tpu.memory_space<semaphore_mem>>
    %dma_start3A_14 = tpu.memref_squeeze %dma_start3A_13 : memref<1x!tpu.dma_semaphore, #tpu.memory_space<semaphore_mem>> -> memref<!tpu.dma_semaphore, #tpu.memory_space<semaphore_mem>>
    tpu.enqueue_indirect_dma source(%dma_start3A_12 : memref<100000x2048xf32, #tpu.memory_space<hbm>>) target(%dma_start3A_7 : memref<8x2048xf32, #tpu.memory_space<vmem>>) offsets(%dma_start3A_9 : memref<8xi32, #tpu.memory_space<vmem>>) semaphore(%dma_start3A_14 : memref<!tpu.dma_semaphore, #tpu.memory_space<semaphore_mem>>)
    %dma_start3A_15 = arith.constant 1 : i32
    %dma_start3A_16 = arith.constant 1 : i32
    %dma_start3A_17 = arith.constant 0 : i32
    %dma_start3A_18 = arith.constant 0 : i32
    %dma_start3A_19 = tpu.memref_slice %arg6[%dma_start3A_15, %dma_start3A_17, %dma_start3A_18] : memref<7x8x2048xf32, #tpu.memory_space<vmem>> -> memref<1x8x2048xf32, #tpu.memory_space<vmem>>
    %dma_start3A_20 = tpu.memref_squeeze %dma_start3A_19 : memref<1x8x2048xf32, #tpu.memory_space<vmem>> -> memref<8x2048xf32, #tpu.memory_space<vmem>>
    %dma_start3A_21 = arith.constant 8 : i32
    %dma_start3A_22 = tpu.memref_slice %arg5[%dma_start3A_21] : memref<512xi32, #tpu.memory_space<vmem>> -> memref<8xi32, #tpu.memory_space<vmem>>
    %dma_start3A_23 = arith.constant 0 : i32
    %dma_start3A_24 = arith.constant 0 : i32
    %dma_start3A_25 = tpu.memref_slice %arg3[%dma_start3A_23, %dma_start3A_24] : memref<100000x2048xf32, #tpu.memory_space<hbm>> -> memref<100000x2048xf32, #tpu.memory_space<hbm>>
    %dma_start3A_26 = tpu.memref_slice %arg7[%dma_start3A_16] : memref<7x!tpu.dma_semaphore, #tpu.memory_space<semaphore_mem>> -> memref<1x!tpu.dma_semaphore, #tpu.memory_space<semaphore_mem>>
    %dma_start3A_27 = tpu.memref_squeeze %dma_start3A_26 : memref<1x!tpu.dma_semaphore, #tpu.memory_space<semaphore_mem>> -> memref<!tpu.dma_semaphore, #tpu.memory_space<semaphore_mem>>
    tpu.enqueue_indirect_dma source(%dma_start3A_25 : memref<100000x2048xf32, #tpu.memory_space<hbm>>) target(%dma_start3A_20 : memref<8x2048xf32, #tpu.memory_space<vmem>>) offsets(%dma_start3A_22 : memref<8xi32, #tpu.memory_space<vmem>>) semaphore(%dma_start3A_27 : memref<!tpu.dma_semaphore, #tpu.memory_space<semaphore_mem>>)
    %dma_start3A_28 = arith.constant 2 : i32
    %dma_start3A_29 = arith.constant 2 : i32
    %dma_start3A_30 = arith.constant 0 : i32
    %dma_start3A_31 = arith.constant 0 : i32
    %dma_start3A_32 = tpu.memref_slice %arg6[%dma_start3A_28, %dma_start3A_30, %dma_start3A_31] : memref<7x8x2048xf32, #tpu.memory_space<vmem>> -> memref<1x8x2048xf32, #tpu.memory_space<vmem>>
    %dma_start3A_33 = tpu.memref_squeeze %dma_start3A_32 : memref<1x8x2048xf32, #tpu.memory_space<vmem>> -> memref<8x2048xf32, #tpu.memory_space<vmem>>
    %dma_start3A_34 = arith.constant 16 : i32
    %dma_start3A_35 = tpu.memref_slice %arg5[%dma_start3A_34] : memref<512xi32, #tpu.memory_space<vmem>> -> memref<8xi32, #tpu.memory_space<vmem>>
    %dma_start3A_36 = arith.constant 0 : i32
    %dma_start3A_37 = arith.constant 0 : i32
    %dma_start3A_38 = tpu.memref_slice %arg3[%dma_start3A_36, %dma_start3A_37] : memref<100000x2048xf32, #tpu.memory_space<hbm>> -> memref<100000x2048xf32, #tpu.memory_space<hbm>>
    %dma_start3A_39 = tpu.memref_slice %arg7[%dma_start3A_29] : memref<7x!tpu.dma_semaphore, #tpu.memory_space<semaphore_mem>> -> memref<1x!tpu.dma_semaphore, #tpu.memory_space<semaphore_mem>>
    %dma_start3A_40 = tpu.memref_squeeze %dma_start3A_39 : memref<1x!tpu.dma_semaphore, #tpu.memory_space<semaphore_mem>> -> memref<!tpu.dma_semaphore, #tpu.memory_space<semaphore_mem>>
    tpu.enqueue_indirect_dma source(%dma_start3A_38 : memref<100000x2048xf32, #tpu.memory_space<hbm>>) target(%dma_start3A_33 : memref<8x2048xf32, #tpu.memory_space<vmem>>) offsets(%dma_start3A_35 : memref<8xi32, #tpu.memory_space<vmem>>) semaphore(%dma_start3A_40 : memref<!tpu.dma_semaphore, #tpu.memory_space<semaphore_mem>>)
    %dma_start3A_41 = arith.constant 3 : i32
    %dma_start3A_42 = arith.constant 3 : i32
    %dma_start3A_43 = arith.constant 0 : i32
    %dma_start3A_44 = arith.constant 0 : i32
    %dma_start3A_45 = tpu.memref_slice %arg6[%dma_start3A_41, %dma_start3A_43, %dma_start3A_44] : memref<7x8x2048xf32, #tpu.memory_space<vmem>> -> memref<1x8x2048xf32, #tpu.memory_space<vmem>>
    %dma_start3A_46 = tpu.memref_squeeze %dma_start3A_45 : memref<1x8x2048xf32, #tpu.memory_space<vmem>> -> memref<8x2048xf32, #tpu.memory_space<vmem>>
    %dma_start3A_47 = arith.constant 24 : i32
    %dma_start3A_48 = tpu.memref_slice %arg5[%dma_start3A_47] : memref<512xi32, #tpu.memory_space<vmem>> -> memref<8xi32, #tpu.memory_space<vmem>>
    %dma_start3A_49 = arith.constant 0 : i32
    %dma_start3A_50 = arith.constant 0 : i32
    %dma_start3A_51 = tpu.memref_slice %arg3[%dma_start3A_49, %dma_start3A_50] : memref<100000x2048xf32, #tpu.memory_space<hbm>> -> memref<100000x2048xf32, #tpu.memory_space<hbm>>
    %dma_start3A_52 = tpu.memref_slice %arg7[%dma_start3A_42] : memref<7x!tpu.dma_semaphore, #tpu.memory_space<semaphore_mem>> -> memref<1x!tpu.dma_semaphore, #tpu.memory_space<semaphore_mem>>
    %dma_start3A_53 = tpu.memref_squeeze %dma_start3A_52 : memref<1x!tpu.dma_semaphore, #tpu.memory_space<semaphore_mem>> -> memref<!tpu.dma_semaphore, #tpu.memory_space<semaphore_mem>>
    tpu.enqueue_indirect_dma source(%dma_start3A_51 : memref<100000x2048xf32, #tpu.memory_space<hbm>>) target(%dma_start3A_46 : memref<8x2048xf32, #tpu.memory_space<vmem>>) offsets(%dma_start3A_48 : memref<8xi32, #tpu.memory_space<vmem>>) semaphore(%dma_start3A_53 : memref<!tpu.dma_semaphore, #tpu.memory_space<semaphore_mem>>)
    %dma_start3A_54 = arith.constant 4 : i32
    %dma_start3A_55 = arith.constant 4 : i32
    %dma_start3A_56 = arith.constant 0 : i32
    %dma_start3A_57 = arith.constant 0 : i32
    %dma_start3A_58 = tpu.memref_slice %arg6[%dma_start3A_54, %dma_start3A_56, %dma_start3A_57] : memref<7x8x2048xf32, #tpu.memory_space<vmem>> -> memref<1x8x2048xf32, #tpu.memory_space<vmem>>
    %dma_start3A_59 = tpu.memref_squeeze %dma_start3A_58 : memref<1x8x2048xf32, #tpu.memory_space<vmem>> -> memref<8x2048xf32, #tpu.memory_space<vmem>>
    %dma_start3A_60 = arith.constant 32 : i32
    %dma_start3A_61 = tpu.memref_slice %arg5[%dma_start3A_60] : memref<512xi32, #tpu.memory_space<vmem>> -> memref<8xi32, #tpu.memory_space<vmem>>
    %dma_start3A_62 = arith.constant 0 : i32
    %dma_start3A_63 = arith.constant 0 : i32
    %dma_start3A_64 = tpu.memref_slice %arg3[%dma_start3A_62, %dma_start3A_63] : memref<100000x2048xf32, #tpu.memory_space<hbm>> -> memref<100000x2048xf32, #tpu.memory_space<hbm>>
    %dma_start3A_65 = tpu.memref_slice %arg7[%dma_start3A_55] : memref<7x!tpu.dma_semaphore, #tpu.memory_space<semaphore_mem>> -> memref<1x!tpu.dma_semaphore, #tpu.memory_space<semaphore_mem>>
    %dma_start3A_66 = tpu.memref_squeeze %dma_start3A_65 : memref<1x!tpu.dma_semaphore, #tpu.memory_space<semaphore_mem>> -> memref<!tpu.dma_semaphore, #tpu.memory_space<semaphore_mem>>
    tpu.enqueue_indirect_dma source(%dma_start3A_64 : memref<100000x2048xf32, #tpu.memory_space<hbm>>) target(%dma_start3A_59 : memref<8x2048xf32, #tpu.memory_space<vmem>>) offsets(%dma_start3A_61 : memref<8xi32, #tpu.memory_space<vmem>>) semaphore(%dma_start3A_66 : memref<!tpu.dma_semaphore, #tpu.memory_space<semaphore_mem>>)
    %dma_start3A_67 = arith.constant 5 : i32
    %dma_start3A_68 = arith.constant 5 : i32
    %dma_start3A_69 = arith.constant 0 : i32
    %dma_start3A_70 = arith.constant 0 : i32
    %dma_start3A_71 = tpu.memref_slice %arg6[%dma_start3A_67, %dma_start3A_69, %dma_start3A_70] : memref<7x8x2048xf32, #tpu.memory_space<vmem>> -> memref<1x8x2048xf32, #tpu.memory_space<vmem>>
    %dma_start3A_72 = tpu.memref_squeeze %dma_start3A_71 : memref<1x8x2048xf32, #tpu.memory_space<vmem>> -> memref<8x2048xf32, #tpu.memory_space<vmem>>
    %dma_start3A_73 = arith.constant 40 : i32
    %dma_start3A_74 = tpu.memref_slice %arg5[%dma_start3A_73] : memref<512xi32, #tpu.memory_space<vmem>> -> memref<8xi32, #tpu.memory_space<vmem>>
    %dma_start3A_75 = arith.constant 0 : i32
    %dma_start3A_76 = arith.constant 0 : i32
    %dma_start3A_77 = tpu.memref_slice %arg3[%dma_start3A_75, %dma_start3A_76] : memref<100000x2048xf32, #tpu.memory_space<hbm>> -> memref<100000x2048xf32, #tpu.memory_space<hbm>>
    %dma_start3A_78 = tpu.memref_slice %arg7[%dma_start3A_68] : memref<7x!tpu.dma_semaphore, #tpu.memory_space<semaphore_mem>> -> memref<1x!tpu.dma_semaphore, #tpu.memory_space<semaphore_mem>>
    %dma_start3A_79 = tpu.memref_squeeze %dma_start3A_78 : memref<1x!tpu.dma_semaphore, #tpu.memory_space<semaphore_mem>> -> memref<!tpu.dma_semaphore, #tpu.memory_space<semaphore_mem>>
    tpu.enqueue_indirect_dma source(%dma_start3A_77 : memref<100000x2048xf32, #tpu.memory_space<hbm>>) target(%dma_start3A_72 : memref<8x2048xf32, #tpu.memory_space<vmem>>) offsets(%dma_start3A_74 : memref<8xi32, #tpu.memory_space<vmem>>) semaphore(%dma_start3A_79 : memref<!tpu.dma_semaphore, #tpu.memory_space<semaphore_mem>>)
    %dma_start3A_80 = arith.constant 6 : i32
    %dma_start3A_81 = arith.constant 6 : i32
    %dma_start3A_82 = arith.constant 0 : i32
    %dma_start3A_83 = arith.constant 0 : i32
    %dma_start3A_84 = tpu.memref_slice %arg6[%dma_start3A_80, %dma_start3A_82, %dma_start3A_83] : memref<7x8x2048xf32, #tpu.memory_space<vmem>> -> memref<1x8x2048xf32, #tpu.memory_space<vmem>>
    %dma_start3A_85 = tpu.memref_squeeze %dma_start3A_84 : memref<1x8x2048xf32, #tpu.memory_space<vmem>> -> memref<8x2048xf32, #tpu.memory_space<vmem>>
    %dma_start3A_86 = arith.constant 48 : i32
    %dma_start3A_87 = tpu.memref_slice %arg5[%dma_start3A_86] : memref<512xi32, #tpu.memory_space<vmem>> -> memref<8xi32, #tpu.memory_space<vmem>>
    %dma_start3A_88 = arith.constant 0 : i32
    %dma_start3A_89 = arith.constant 0 : i32
    %dma_start3A_90 = tpu.memref_slice %arg3[%dma_start3A_88, %dma_start3A_89] : memref<100000x2048xf32, #tpu.memory_space<hbm>> -> memref<100000x2048xf32, #tpu.memory_space<hbm>>
    %dma_start3A_91 = tpu.memref_slice %arg7[%dma_start3A_81] : memref<7x!tpu.dma_semaphore, #tpu.memory_space<semaphore_mem>> -> memref<1x!tpu.dma_semaphore, #tpu.memory_space<semaphore_mem>>
    %dma_start3A_92 = tpu.memref_squeeze %dma_start3A_91 : memref<1x!tpu.dma_semaphore, #tpu.memory_space<semaphore_mem>> -> memref<!tpu.dma_semaphore, #tpu.memory_space<semaphore_mem>>
    tpu.enqueue_indirect_dma source(%dma_start3A_90 : memref<100000x2048xf32, #tpu.memory_space<hbm>>) target(%dma_start3A_85 : memref<8x2048xf32, #tpu.memory_space<vmem>>) offsets(%dma_start3A_87 : memref<8xi32, #tpu.memory_space<vmem>>) semaphore(%dma_start3A_92 : memref<!tpu.dma_semaphore, #tpu.memory_space<semaphore_mem>>)
    %scan3A = arith.constant 0 : i32
    %scan3A_93 = arith.constant 0 : i32
    %scan3A_94 = arith.constant 64 : i32
    %scan3A_95 = arith.addi %scan3A_93, %scan3A_94 : i32
    %scan3A_96 = arith.constant 1 : i32
    scf.for %scan3A_223 = %scan3A_93 to %scan3A_95 step %scan3A_96  : i32 {
      %rem3A = arith.constant 7 : i32
      %rem3A_224 = arith.remsi %scan3A_223, %rem3A : i32
      %mul3A_225 = arith.constant 8 : i32
      %mul3A_226 = arith.muli %scan3A_223, %mul3A_225 : i32
      %dma_wait3A_227 = arith.constant 0 : i32
      %dma_wait3A_228 = arith.constant 0 : i32
      %dma_wait3A_229 = tpu.memref_slice %arg6[%rem3A_224, %dma_wait3A_227, %dma_wait3A_228] : memref<7x8x2048xf32, #tpu.memory_space<vmem>> -> memref<1x8x2048xf32, #tpu.memory_space<vmem>>
      %dma_wait3A_230 = tpu.memref_squeeze %dma_wait3A_229 : memref<1x8x2048xf32, #tpu.memory_space<vmem>> -> memref<8x2048xf32, #tpu.memory_space<vmem>>
      %dma_wait3A_231 = tpu.memref_slice %arg5[%mul3A_226] : memref<512xi32, #tpu.memory_space<vmem>> -> memref<8xi32, #tpu.memory_space<vmem>>
      %dma_wait3A_232 = arith.constant 0 : i32
      %dma_wait3A_233 = arith.constant 0 : i32
      %dma_wait3A_234 = tpu.memref_slice %arg3[%dma_wait3A_232, %dma_wait3A_233] : memref<100000x2048xf32, #tpu.memory_space<hbm>> -> memref<100000x2048xf32, #tpu.memory_space<hbm>>
      %dma_wait3A_235 = tpu.memref_slice %arg7[%rem3A_224] : memref<7x!tpu.dma_semaphore, #tpu.memory_space<semaphore_mem>> -> memref<1x!tpu.dma_semaphore, #tpu.memory_space<semaphore_mem>>
      %dma_wait3A_236 = tpu.memref_squeeze %dma_wait3A_235 : memref<1x!tpu.dma_semaphore, #tpu.memory_space<semaphore_mem>> -> memref<!tpu.dma_semaphore, #tpu.memory_space<semaphore_mem>>
      tpu.wait_indirect_dma semaphore(%dma_wait3A_236 : memref<!tpu.dma_semaphore, #tpu.memory_space<semaphore_mem>>) src(%dma_wait3A_234 : memref<100000x2048xf32, #tpu.memory_space<hbm>>) dst(%dma_wait3A_230 : memref<8x2048xf32, #tpu.memory_space<vmem>>)
      %scan3A_237 = arith.constant 0 : i32
      %scan3A_238 = arith.constant 0 : i32
      %scan3A_239 = arith.constant 8 : i32
      %scan3A_240 = arith.addi %scan3A_238, %scan3A_239 : i32
      %scan3A_241 = arith.constant 1 : i32
      scf.for %scan3A_272 = %scan3A_238 to %scan3A_240 step %scan3A_241  : i32 {
        %get3A = arith.index_cast %rem3A_224 : i32 to index
        %get3A_273 = arith.index_cast %scan3A_272 : i32 to index
        %get3A_274 = arith.constant 0 : index
        %get3A_275 = tpu.vector_load %arg6[%get3A, %get3A_273, %get3A_274] {strides = array<i32>} : memref<7x8x2048xf32, #tpu.memory_space<vmem>>, vector<1x1x16xf32>,
        %get3A_276 = vector.shape_cast %get3A_275 : vector<1x1x16xf32> to vector<16xf32>
        %mul3A_277 = arith.constant 45.2548332 : f32
        %mul3A_278 = vector.broadcast %mul3A_277 : f32 to vector<16xf32>
        %mul3A_279 = arith.mulf %get3A_276, %mul3A_278 : vector<16xf32>
        %swap3A = arith.index_cast %rem3A_224 : i32 to index
        %swap3A_280 = arith.index_cast %scan3A_272 : i32 to index
        %swap3A_281 = arith.constant 0 : index
        %swap3A_282 = tpu.vector_load %arg6[%swap3A, %swap3A_280, %swap3A_281] {strides = array<i32>} : memref<7x8x2048xf32, #tpu.memory_space<vmem>>, vector<1x1x16xf32>,
        %swap3A_283 = vector.shape_cast %swap3A_282 : vector<1x1x16xf32> to vector<16xf32>
        %swap3A_284 = vector.shape_cast %mul3A_279 : vector<16xf32> to vector<1x1x16xf32>
        tpu.vector_store %arg6[%swap3A, %swap3A_280, %swap3A_281], %swap3A_284 {strides = array<i32>} : memref<7x8x2048xf32, #tpu.memory_space<vmem>>, vector<1x1x16xf32>,
        %get3A_285 = arith.index_cast %rem3A_224 : i32 to index
        %get3A_286 = arith.index_cast %scan3A_272 : i32 to index
        %get3A_287 = arith.constant 16 : index
        %get3A_288 = tpu.vector_load %arg6[%get3A_285, %get3A_286, %get3A_287] {strides = array<i32>} : memref<7x8x2048xf32, #tpu.memory_space<vmem>>, vector<1x1x16xf32>,
        %get3A_289 = vector.shape_cast %get3A_288 : vector<1x1x16xf32> to vector<16xf32>
        %mul3A_290 = arith.constant 45.2548332 : f32
        %mul3A_291 = vector.broadcast %mul3A_290 : f32 to vector<16xf32>
        %mul3A_292 = arith.mulf %get3A_289, %mul3A_291 : vector<16xf32>
        %swap3A_293 = arith.index_cast %rem3A_224 : i32 to index
        %swap3A_294 = arith.index_cast %scan3A_272 : i32 to index
        %swap3A_295 = arith.constant 16 : index
        %swap3A_296 = tpu.vector_load %arg6[%swap3A_293, %swap3A_294, %swap3A_295] {strides = array<i32>} : memref<7x8x2048xf32, #tpu.memory_space<vmem>>, vector<1x1x16xf32>,
        %swap3A_297 = vector.shape_cast %swap3A_296 : vector<1x1x16xf32> to vector<16xf32>
        %swap3A_298 = vector.shape_cast %mul3A_292 : vector<16xf32> to vector<1x1x16xf32>
        tpu.vector_store %arg6[%swap3A_293, %swap3A_294, %swap3A_295], %swap3A_298 {strides = array<i32>} : memref<7x8x2048xf32, #tpu.memory_space<vmem>>, vector<1x1x16xf32>,
        %get3A_299 = arith.index_cast %rem3A_224 : i32 to index
        %get3A_300 = arith.index_cast %scan3A_272 : i32 to index
        %get3A_301 = arith.constant 32 : index
        %get3A_302 = tpu.vector_load %arg6[%get3A_299, %get3A_300, %get3A_301] {strides = array<i32>} : memref<7x8x2048xf32, #tpu.memory_space<vmem>>, vector<1x1x16xf32>,
        %get3A_303 = vector.shape_cast %get3A_302 : vector<1x1x16xf32> to vector<16xf32>
        %mul3A_304 = arith.constant 45.2548332 : f32
        %mul3A_305 = vector.broadcast %mul3A_304 : f32 to vector<16xf32>
        %mul3A_306 = arith.mulf %get3A_303, %mul3A_305 : vector<16xf32>
        %swap3A_307 = arith.index_cast %rem3A_224 : i32 to index
        %swap3A_308 = arith.index_cast %scan3A_272 : i32 to index
        %swap3A_309 = arith.constant 32 : index
        %swap3A_310 = tpu.vector_load %arg6[%swap3A_307, %swap3A_308, %swap3A_309] {strides = array<i32>} : memref<7x8x2048xf32, #tpu.memory_space<vmem>>, vector<1x1x16xf32>,
        %swap3A_311 = vector.shape_cast %swap3A_310 : vector<1x1x16xf32> to vector<16xf32>
        %swap3A_312 = vector.shape_cast %mul3A_306 : vector<16xf32> to vector<1x1x16xf32>
        tpu.vector_store %arg6[%swap3A_307, %swap3A_308, %swap3A_309], %swap3A_312 {strides = array<i32>} : memref<7x8x2048xf32, #tpu.memory_space<vmem>>, vector<1x1x16xf32>,
        %get3A_313 = arith.index_cast %rem3A_224 : i32 to index
        %get3A_314 = arith.index_cast %scan3A_272 : i32 to index
        %get3A_315 = arith.constant 48 : index
        %get3A_316 = tpu.vector_load %arg6[%get3A_313, %get3A_314, %get3A_315] {strides = array<i32>} : memref<7x8x2048xf32, #tpu.memory_space<vmem>>, vector<1x1x16xf32>,
        %get3A_317 = vector.shape_cast %get3A_316 : vector<1x1x16xf32> to vector<16xf32>
        %mul3A_318 = arith.constant 45.2548332 : f32
        %mul3A_319 = vector.broadcast %mul3A_318 : f32 to vector<16xf32>
        %mul3A_320 = arith.mulf %get3A_317, %mul3A_319 : vector<16xf32>
        %swap3A_321 = arith.index_cast %rem3A_224 : i32 to index
        %swap3A_322 = arith.index_cast %scan3A_272 : i32 to index
        %swap3A_323 = arith.constant 48 : index
        %swap3A_324 = tpu.vector_load %arg6[%swap3A_321, %swap3A_322, %swap3A_323] {strides = array<i32>} : memref<7x8x2048xf32, #tpu.memory_space<vmem>>, vector<1x1x16xf32>,
        %swap3A_325 = vector.shape_cast %swap3A_324 : vector<1x1x16xf32> to vector<16xf32>
        %swap3A_326 = vector.shape_cast %mul3A_320 : vector<16xf32> to vector<1x1x16xf32>
        tpu.vector_store %arg6[%swap3A_321, %swap3A_322, %swap3A_323], %swap3A_326 {strides = array<i32>} : memref<7x8x2048xf32, #tpu.memory_space<vmem>>, vector<1x1x16xf32>,
        %get3A_327 = arith.index_cast %rem3A_224 : i32 to index
        %get3A_328 = arith.index_cast %scan3A_272 : i32 to index
        %get3A_329 = arith.constant 64 : index
        %get3A_330 = tpu.vector_load %arg6[%get3A_327, %get3A_328, %get3A_329] {strides = array<i32>} : memref<7x8x2048xf32, #tpu.memory_space<vmem>>, vector<1x1x16xf32>,
        %get3A_331 = vector.shape_cast %get3A_330 : vector<1x1x16xf32> to vector<16xf32>
        %mul3A_332 = arith.constant 45.2548332 : f32
        %mul3A_333 = vector.broadcast %mul3A_332 : f32 to vector<16xf32>
        %mul3A_334 = arith.mulf %get3A_331, %mul3A_333 : vector<16xf32>
        %swap3A_335 = arith.index_cast %rem3A_224 : i32 to index
        %swap3A_336 = arith.index_cast %scan3A_272 : i32 to index
        %swap3A_337 = arith.constant 64 : index
        %swap3A_338 = tpu.vector_load %arg6[%swap3A_335, %swap3A_336, %swap3A_337] {strides = array<i32>} : memref<7x8x2048xf32, #tpu.memory_space<vmem>>, vector<1x1x16xf32>,
        %swap3A_339 = vector.shape_cast %swap3A_338 : vector<1x1x16xf32> to vector<16xf32>
        %swap3A_340 = vector.shape_cast %mul3A_334 : vector<16xf32> to vector<1x1x16xf32>
        tpu.vector_store %arg6[%swap3A_335, %swap3A_336, %swap3A_337], %swap3A_340 {strides = array<i32>} : memref<7x8x2048xf32, #tpu.memory_space<vmem>>, vector<1x1x16xf32>,
        %get3A_341 = arith.index_cast %rem3A_224 : i32 to index
        %get3A_342 = arith.index_cast %scan3A_272 : i32 to index
        %get3A_343 = arith.constant 80 : index
        %get3A_344 = tpu.vector_load %arg6[%get3A_341, %get3A_342, %get3A_343] {strides = array<i32>} : memref<7x8x2048xf32, #tpu.memory_space<vmem>>, vector<1x1x16xf32>,
        %get3A_345 = vector.shape_cast %get3A_344 : vector<1x1x16xf32> to vector<16xf32>
        %mul3A_346 = arith.constant 45.2548332 : f32
        %mul3A_347 = vector.broadcast %mul3A_346 : f32 to vector<16xf32>
        %mul3A_348 = arith.mulf %get3A_345, %mul3A_347 : vector<16xf32>
        %swap3A_349 = arith.index_cast %rem3A_224 : i32 to index
        %swap3A_350 = arith.index_cast %scan3A_272 : i32 to index
        %swap3A_351 = arith.constant 80 : index
        %swap3A_352 = tpu.vector_load %arg6[%swap3A_349, %swap3A_350, %swap3A_351] {strides = array<i32>} : memref<7x8x2048xf32, #tpu.memory_space<vmem>>, vector<1x1x16xf32>,
        %swap3A_353 = vector.shape_cast %swap3A_352 : vector<1x1x16xf32> to vector<16xf32>
        %swap3A_354 = vector.shape_cast %mul3A_348 : vector<16xf32> to vector<1x1x16xf32>
        tpu.vector_store %arg6[%swap3A_349, %swap3A_350, %swap3A_351], %swap3A_354 {strides = array<i32>} : memref<7x8x2048xf32, #tpu.memory_space<vmem>>, vector<1x1x16xf32>,
        %get3A_355 = arith.index_cast %rem3A_224 : i32 to index
        %get3A_356 = arith.index_cast %scan3A_272 : i32 to index
        %get3A_357 = arith.constant 96 : index
        %get3A_358 = tpu.vector_load %arg6[%get3A_355, %get3A_356, %get3A_357] {strides = array<i32>} : memref<7x8x2048xf32, #tpu.memory_space<vmem>>, vector<1x1x16xf32>,
        %get3A_359 = vector.shape_cast %get3A_358 : vector<1x1x16xf32> to vector<16xf32>
        %mul3A_360 = arith.constant 45.2548332 : f32
        %mul3A_361 = vector.broadcast %mul3A_360 : f32 to vector<16xf32>
        %mul3A_362 = arith.mulf %get3A_359, %mul3A_361 : vector<16xf32>
        %swap3A_363 = arith.index_cast %rem3A_224 : i32 to index
        %swap3A_364 = arith.index_cast %scan3A_272 : i32 to index
        %swap3A_365 = arith.constant 96 : index
        %swap3A_366 = tpu.vector_load %arg6[%swap3A_363, %swap3A_364, %swap3A_365] {strides = array<i32>} : memref<7x8x2048xf32, #tpu.memory_space<vmem>>, vector<1x1x16xf32>,
        %swap3A_367 = vector.shape_cast %swap3A_366 : vector<1x1x16xf32> to vector<16xf32>
        %swap3A_368 = vector.shape_cast %mul3A_362 : vector<16xf32> to vector<1x1x16xf32>
        tpu.vector_store %arg6[%swap3A_363, %swap3A_364, %swap3A_365], %swap3A_368 {strides = array<i32>} : memref<7x8x2048xf32, #tpu.memory_space<vmem>>, vector<1x1x16xf32>,
        %get3A_369 = arith.index_cast %rem3A_224 : i32 to index
        %get3A_370 = arith.index_cast %scan3A_272 : i32 to index
        %get3A_371 = arith.constant 112 : index
        %get3A_372 = tpu.vector_load %arg6[%get3A_369, %get3A_370, %get3A_371] {strides = array<i32>} : memref<7x8x2048xf32, #tpu.memory_space<vmem>>, vector<1x1x16xf32>,
        %get3A_373 = vector.shape_cast %get3A_372 : vector<1x1x16xf32> to vector<16xf32>
        %mul3A_374 = arith.constant 45.2548332 : f32
        %mul3A_375 = vector.broadcast %mul3A_374 : f32 to vector<16xf32>
        %mul3A_376 = arith.mulf %get3A_373, %mul3A_375 : vector<16xf32>
        %swap3A_377 = arith.index_cast %rem3A_224 : i32 to index
        %swap3A_378 = arith.index_cast %scan3A_272 : i32 to index
        %swap3A_379 = arith.constant 112 : index
        %swap3A_380 = tpu.vector_load %arg6[%swap3A_377, %swap3A_378, %swap3A_379] {strides = array<i32>} : memref<7x8x2048xf32, #tpu.memory_space<vmem>>, vector<1x1x16xf32>,
        %swap3A_381 = vector.shape_cast %swap3A_380 : vector<1x1x16xf32> to vector<16xf32>
        %swap3A_382 = vector.shape_cast %mul3A_376 : vector<16xf32> to vector<1x1x16xf32>
        tpu.vector_store %arg6[%swap3A_377, %swap3A_378, %swap3A_379], %swap3A_382 {strides = array<i32>} : memref<7x8x2048xf32, #tpu.memory_space<vmem>>, vector<1x1x16xf32>,
        %get3A_383 = arith.index_cast %rem3A_224 : i32 to index
        %get3A_384 = arith.index_cast %scan3A_272 : i32 to index
        %get3A_385 = arith.constant 128 : index
        %get3A_386 = tpu.vector_load %arg6[%get3A_383, %get3A_384, %get3A_385] {strides = array<i32>} : memref<7x8x2048xf32, #tpu.memory_space<vmem>>, vector<1x1x16xf32>,
        %get3A_387 = vector.shape_cast %get3A_386 : vector<1x1x16xf32> to vector<16xf32>
        %mul3A_388 = arith.constant 45.2548332 : f32
        %mul3A_389 = vector.broadcast %mul3A_388 : f32 to vector<16xf32>
        %mul3A_390 = arith.mulf %get3A_387, %mul3A_389 : vector<16xf32>
        %swap3A_391 = arith.index_cast %rem3A_224 : i32 to index
        %swap3A_392 = arith.index_cast %scan3A_272 : i32 to index
        %swap3A_393 = arith.constant 128 : index
        %swap3A_394 = tpu.vector_load %arg6[%swap3A_391, %swap3A_392, %swap3A_393] {strides = array<i32>} : memref<7x8x2048xf32, #tpu.memory_space<vmem>>, vector<1x1x16xf32>,
        %swap3A_395 = vector.shape_cast %swap3A_394 : vector<1x1x16xf32> to vector<16xf32>
        %swap3A_396 = vector.shape_cast %mul3A_390 : vector<16xf32> to vector<1x1x16xf32>
        tpu.vector_store %arg6[%swap3A_391, %swap3A_392, %swap3A_393], %swap3A_396 {strides = array<i32>} : memref<7x8x2048xf32, #tpu.memory_space<vmem>>, vector<1x1x16xf32>,
        %get3A_397 = arith.index_cast %rem3A_224 : i32 to index
        %get3A_398 = arith.index_cast %scan3A_272 : i32 to index
        %get3A_399 = arith.constant 144 : index
        %get3A_400 = tpu.vector_load %arg6[%get3A_397, %get3A_398, %get3A_399] {strides = array<i32>} : memref<7x8x2048xf32, #tpu.memory_space<vmem>>, vector<1x1x16xf32>,
        %get3A_401 = vector.shape_cast %get3A_400 : vector<1x1x16xf32> to vector<16xf32>
        %mul3A_402 = arith.constant 45.2548332 : f32
        %mul3A_403 = vector.broadcast %mul3A_402 : f32 to vector<16xf32>
        %mul3A_404 = arith.mulf %get3A_401, %mul3A_403 : vector<16xf32>
        %swap3A_405 = arith.index_cast %rem3A_224 : i32 to index
        %swap3A_406 = arith.index_cast %scan3A_272 : i32 to index
        %swap3A_407 = arith.constant 144 : index
        %swap3A_408 = tpu.vector_load %arg6[%swap3A_405, %swap3A_406, %swap3A_407] {strides = array<i32>} : memref<7x8x2048xf32, #tpu.memory_space<vmem>>, vector<1x1x16xf32>,
        %swap3A_409 = vector.shape_cast %swap3A_408 : vector<1x1x16xf32> to vector<16xf32>
        %swap3A_410 = vector.shape_cast %mul3A_404 : vector<16xf32> to vector<1x1x16xf32>
        tpu.vector_store %arg6[%swap3A_405, %swap3A_406, %swap3A_407], %swap3A_410 {strides = array<i32>} : memref<7x8x2048xf32, #tpu.memory_space<vmem>>, vector<1x1x16xf32>,
        %get3A_411 = arith.index_cast %rem3A_224 : i32 to index
        %get3A_412 = arith.index_cast %scan3A_272 : i32 to index
        %get3A_413 = arith.constant 160 : index
        %get3A_414 = tpu.vector_load %arg6[%get3A_411, %get3A_412, %get3A_413] {strides = array<i32>} : memref<7x8x2048xf32, #tpu.memory_space<vmem>>, vector<1x1x16xf32>,
        %get3A_415 = vector.shape_cast %get3A_414 : vector<1x1x16xf32> to vector<16xf32>
        %mul3A_416 = arith.constant 45.2548332 : f32
        %mul3A_417 = vector.broadcast %mul3A_416 : f32 to vector<16xf32>
        %mul3A_418 = arith.mulf %get3A_415, %mul3A_417 : vector<16xf32>
        %swap3A_419 = arith.index_cast %rem3A_224 : i32 to index
        %swap3A_420 = arith.index_cast %scan3A_272 : i32 to index
        %swap3A_421 = arith.constant 160 : index
        %swap3A_422 = tpu.vector_load %arg6[%swap3A_419, %swap3A_420, %swap3A_421] {strides = array<i32>} : memref<7x8x2048xf32, #tpu.memory_space<vmem>>, vector<1x1x16xf32>,
        %swap3A_423 = vector.shape_cast %swap3A_422 : vector<1x1x16xf32> to vector<16xf32>
        %swap3A_424 = vector.shape_cast %mul3A_418 : vector<16xf32> to vector<1x1x16xf32>
        tpu.vector_store %arg6[%swap3A_419, %swap3A_420, %swap3A_421], %swap3A_424 {strides = array<i32>} : memref<7x8x2048xf32, #tpu.memory_space<vmem>>, vector<1x1x16xf32>,
        %get3A_425 = arith.index_cast %rem3A_224 : i32 to index
        %get3A_426 = arith.index_cast %scan3A_272 : i32 to index
        %get3A_427 = arith.constant 176 : index
        %get3A_428 = tpu.vector_load %arg6[%get3A_425, %get3A_426, %get3A_427] {strides = array<i32>} : memref<7x8x2048xf32, #tpu.memory_space<vmem>>, vector<1x1x16xf32>,
        %get3A_429 = vector.shape_cast %get3A_428 : vector<1x1x16xf32> to vector<16xf32>
        %mul3A_430 = arith.constant 45.2548332 : f32
        %mul3A_431 = vector.broadcast %mul3A_430 : f32 to vector<16xf32>
        %mul3A_432 = arith.mulf %get3A_429, %mul3A_431 : vector<16xf32>
        %swap3A_433 = arith.index_cast %rem3A_224 : i32 to index
        %swap3A_434 = arith.index_cast %scan3A_272 : i32 to index
        %swap3A_435 = arith.constant 176 : index
        %swap3A_436 = tpu.vector_load %arg6[%swap3A_433, %swap3A_434, %swap3A_435] {strides = array<i32>} : memref<7x8x2048xf32, #tpu.memory_space<vmem>>, vector<1x1x16xf32>,
        %swap3A_437 = vector.shape_cast %swap3A_436 : vector<1x1x16xf32> to vector<16xf32>
        %swap3A_438 = vector.shape_cast %mul3A_432 : vector<16xf32> to vector<1x1x16xf32>
        tpu.vector_store %arg6[%swap3A_433, %swap3A_434, %swap3A_435], %swap3A_438 {strides = array<i32>} : memref<7x8x2048xf32, #tpu.memory_space<vmem>>, vector<1x1x16xf32>,
        %get3A_439 = arith.index_cast %rem3A_224 : i32 to index
        %get3A_440 = arith.index_cast %scan3A_272 : i32 to index
        %get3A_441 = arith.constant 192 : index
        %get3A_442 = tpu.vector_load %arg6[%get3A_439, %get3A_440, %get3A_441] {strides = array<i32>} : memref<7x8x2048xf32, #tpu.memory_space<vmem>>, vector<1x1x16xf32>,
        %get3A_443 = vector.shape_cast %get3A_442 : vector<1x1x16xf32> to vector<16xf32>
        %mul3A_444 = arith.constant 45.2548332 : f32
        %mul3A_445 = vector.broadcast %mul3A_444 : f32 to vector<16xf32>
        %mul3A_446 = arith.mulf %get3A_443, %mul3A_445 : vector<16xf32>
        %swap3A_447 = arith.index_cast %rem3A_224 : i32 to index
        %swap3A_448 = arith.index_cast %scan3A_272 : i32 to index
        %swap3A_449 = arith.constant 192 : index
        %swap3A_450 = tpu.vector_load %arg6[%swap3A_447, %swap3A_448, %swap3A_449] {strides = array<i32>} : memref<7x8x2048xf32, #tpu.memory_space<vmem>>, vector<1x1x16xf32>,
        %swap3A_451 = vector.shape_cast %swap3A_450 : vector<1x1x16xf32> to vector<16xf32>
        %swap3A_452 = vector.shape_cast %mul3A_446 : vector<16xf32> to vector<1x1x16xf32>
        tpu.vector_store %arg6[%swap3A_447, %swap3A_448, %swap3A_449], %swap3A_452 {strides = array<i32>} : memref<7x8x2048xf32, #tpu.memory_space<vmem>>, vector<1x1x16xf32>,
        %get3A_453 = arith.index_cast %rem3A_224 : i32 to index
        %get3A_454 = arith.index_cast %scan3A_272 : i32 to index
        %get3A_455 = arith.constant 208 : index
        %get3A_456 = tpu.vector_load %arg6[%get3A_453, %get3A_454, %get3A_455] {strides = array<i32>} : memref<7x8x2048xf32, #tpu.memory_space<vmem>>, vector<1x1x16xf32>,
        %get3A_457 = vector.shape_cast %get3A_456 : vector<1x1x16xf32> to vector<16xf32>
        %mul3A_458 = arith.constant 45.2548332 : f32
        %mul3A_459 = vector.broadcast %mul3A_458 : f32 to vector<16xf32>
        %mul3A_460 = arith.mulf %get3A_457, %mul3A_459 : vector<16xf32>
        %swap3A_461 = arith.index_cast %rem3A_224 : i32 to index
        %swap3A_462 = arith.index_cast %scan3A_272 : i32 to index
        %swap3A_463 = arith.constant 208 : index
        %swap3A_464 = tpu.vector_load %arg6[%swap3A_461, %swap3A_462, %swap3A_463] {strides = array<i32>} : memref<7x8x2048xf32, #tpu.memory_space<vmem>>, vector<1x1x16xf32>,
        %swap3A_465 = vector.shape_cast %swap3A_464 : vector<1x1x16xf32> to vector<16xf32>
        %swap3A_466 = vector.shape_cast %mul3A_460 : vector<16xf32> to vector<1x1x16xf32>
        tpu.vector_store %arg6[%swap3A_461, %swap3A_462, %swap3A_463], %swap3A_466 {strides = array<i32>} : memref<7x8x2048xf32, #tpu.memory_space<vmem>>, vector<1x1x16xf32>,
        %get3A_467 = arith.index_cast %rem3A_224 : i32 to index
        %get3A_468 = arith.index_cast %scan3A_272 : i32 to index
        %get3A_469 = arith.constant 224 : index
        %get3A_470 = tpu.vector_load %arg6[%get3A_467, %get3A_468, %get3A_469] {strides = array<i32>} : memref<7x8x2048xf32, #tpu.memory_space<vmem>>, vector<1x1x16xf32>,
        %get3A_471 = vector.shape_cast %get3A_470 : vector<1x1x16xf32> to vector<16xf32>
        %mul3A_472 = arith.constant 45.2548332 : f32
        %mul3A_473 = vector.broadcast %mul3A_472 : f32 to vector<16xf32>
        %mul3A_474 = arith.mulf %get3A_471, %mul3A_473 : vector<16xf32>
        %swap3A_475 = arith.index_cast %rem3A_224 : i32 to index
        %swap3A_476 = arith.index_cast %scan3A_272 : i32 to index
        %swap3A_477 = arith.constant 224 : index
        %swap3A_478 = tpu.vector_load %arg6[%swap3A_475, %swap3A_476, %swap3A_477] {strides = array<i32>} : memref<7x8x2048xf32, #tpu.memory_space<vmem>>, vector<1x1x16xf32>,
        %swap3A_479 = vector.shape_cast %swap3A_478 : vector<1x1x16xf32> to vector<16xf32>
        %swap3A_480 = vector.shape_cast %mul3A_474 : vector<16xf32> to vector<1x1x16xf32>
        tpu.vector_store %arg6[%swap3A_475, %swap3A_476, %swap3A_477], %swap3A_480 {strides = array<i32>} : memref<7x8x2048xf32, #tpu.memory_space<vmem>>, vector<1x1x16xf32>,
        %get3A_481 = arith.index_cast %rem3A_224 : i32 to index
        %get3A_482 = arith.index_cast %scan3A_272 : i32 to index
        %get3A_483 = arith.constant 240 : index
        %get3A_484 = tpu.vector_load %arg6[%get3A_481, %get3A_482, %get3A_483] {strides = array<i32>} : memref<7x8x2048xf32, #tpu.memory_space<vmem>>, vector<1x1x16xf32>,
        %get3A_485 = vector.shape_cast %get3A_484 : vector<1x1x16xf32> to vector<16xf32>
        %mul3A_486 = arith.constant 45.2548332 : f32
        %mul3A_487 = vector.broadcast %mul3A_486 : f32 to vector<16xf32>
        %mul3A_488 = arith.mulf %get3A_485, %mul3A_487 : vector<16xf32>
        %swap3A_489 = arith.index_cast %rem3A_224 : i32 to index
        %swap3A_490 = arith.index_cast %scan3A_272 : i32 to index
        %swap3A_491 = arith.constant 240 : index
        %swap3A_492 = tpu.vector_load %arg6[%swap3A_489, %swap3A_490, %swap3A_491] {strides = array<i32>} : memref<7x8x2048xf32, #tpu.memory_space<vmem>>, vector<1x1x16xf32>,
        %swap3A_493 = vector.shape_cast %swap3A_492 : vector<1x1x16xf32> to vector<16xf32>
        %swap3A_494 = vector.shape_cast %mul3A_488 : vector<16xf32> to vector<1x1x16xf32>
        tpu.vector_store %arg6[%swap3A_489, %swap3A_490, %swap3A_491], %swap3A_494 {strides = array<i32>} : memref<7x8x2048xf32, #tpu.memory_space<vmem>>, vector<1x1x16xf32>,
        %get3A_495 = arith.index_cast %rem3A_224 : i32 to index
        %get3A_496 = arith.index_cast %scan3A_272 : i32 to index
        %get3A_497 = arith.constant 256 : index
        %get3A_498 = tpu.vector_load %arg6[%get3A_495, %get3A_496, %get3A_497] {strides = array<i32>} : memref<7x8x2048xf32, #tpu.memory_space<vmem>>, vector<1x1x16xf32>,
        %get3A_499 = vector.shape_cast %get3A_498 : vector<1x1x16xf32> to vector<16xf32>
        %mul3A_500 = arith.constant 45.2548332 : f32
        %mul3A_501 = vector.broadcast %mul3A_500 : f32 to vector<16xf32>
        %mul3A_502 = arith.mulf %get3A_499, %mul3A_501 : vector<16xf32>
        %swap3A_503 = arith.index_cast %rem3A_224 : i32 to index
        %swap3A_504 = arith.index_cast %scan3A_272 : i32 to index
        %swap3A_505 = arith.constant 256 : index
        %swap3A_506 = tpu.vector_load %arg6[%swap3A_503, %swap3A_504, %swap3A_505] {strides = array<i32>} : memref<7x8x2048xf32, #tpu.memory_space<vmem>>, vector<1x1x16xf32>,
        %swap3A_507 = vector.shape_cast %swap3A_506 : vector<1x1x16xf32> to vector<16xf32>
        %swap3A_508 = vector.shape_cast %mul3A_502 : vector<16xf32> to vector<1x1x16xf32>
        tpu.vector_store %arg6[%swap3A_503, %swap3A_504, %swap3A_505], %swap3A_508 {strides = array<i32>} : memref<7x8x2048xf32, #tpu.memory_space<vmem>>, vector<1x1x16xf32>,
        %get3A_509 = arith.index_cast %rem3A_224 : i32 to index
        %get3A_510 = arith.index_cast %scan3A_272 : i32 to index
        %get3A_511 = arith.constant 272 : index
        %get3A_512 = tpu.vector_load %arg6[%get3A_509, %get3A_510, %get3A_511] {strides = array<i32>} : memref<7x8x2048xf32, #tpu.memory_space<vmem>>, vector<1x1x16xf32>,
        %get3A_513 = vector.shape_cast %get3A_512 : vector<1x1x16xf32> to vector<16xf32>
        %mul3A_514 = arith.constant 45.2548332 : f32
        %mul3A_515 = vector.broadcast %mul3A_514 : f32 to vector<16xf32>
        %mul3A_516 = arith.mulf %get3A_513, %mul3A_515 : vector<16xf32>
        %swap3A_517 = arith.index_cast %rem3A_224 : i32 to index
        %swap3A_518 = arith.index_cast %scan3A_272 : i32 to index
        %swap3A_519 = arith.constant 272 : index
        %swap3A_520 = tpu.vector_load %arg6[%swap3A_517, %swap3A_518, %swap3A_519] {strides = array<i32>} : memref<7x8x2048xf32, #tpu.memory_space<vmem>>, vector<1x1x16xf32>,
        %swap3A_521 = vector.shape_cast %swap3A_520 : vector<1x1x16xf32> to vector<16xf32>
        %swap3A_522 = vector.shape_cast %mul3A_516 : vector<16xf32> to vector<1x1x16xf32>
        tpu.vector_store %arg6[%swap3A_517, %swap3A_518, %swap3A_519], %swap3A_522 {strides = array<i32>} : memref<7x8x2048xf32, #tpu.memory_space<vmem>>, vector<1x1x16xf32>,
        %get3A_523 = arith.index_cast %rem3A_224 : i32 to index
        %get3A_524 = arith.index_cast %scan3A_272 : i32 to index
        %get3A_525 = arith.constant 288 : index
        %get3A_526 = tpu.vector_load %arg6[%get3A_523, %get3A_524, %get3A_525] {strides = array<i32>} : memref<7x8x2048xf32, #tpu.memory_space<vmem>>, vector<1x1x16xf32>,
        %get3A_527 = vector.shape_cast %get3A_526 : vector<1x1x16xf32> to vector<16xf32>
        %mul3A_528 = arith.constant 45.2548332 : f32
        %mul3A_529 = vector.broadcast %mul3A_528 : f32 to vector<16xf32>
        %mul3A_530 = arith.mulf %get3A_527, %mul3A_529 : vector<16xf32>
        %swap3A_531 = arith.index_cast %rem3A_224 : i32 to index
        %swap3A_532 = arith.index_cast %scan3A_272 : i32 to index
        %swap3A_533 = arith.constant 288 : index
        %swap3A_534 = tpu.vector_load %arg6[%swap3A_531, %swap3A_532, %swap3A_533] {strides = array<i32>} : memref<7x8x2048xf32, #tpu.memory_space<vmem>>, vector<1x1x16xf32>,
        %swap3A_535 = vector.shape_cast %swap3A_534 : vector<1x1x16xf32> to vector<16xf32>
        %swap3A_536 = vector.shape_cast %mul3A_530 : vector<16xf32> to vector<1x1x16xf32>
        tpu.vector_store %arg6[%swap3A_531, %swap3A_532, %swap3A_533], %swap3A_536 {strides = array<i32>} : memref<7x8x2048xf32, #tpu.memory_space<vmem>>, vector<1x1x16xf32>,
        %get3A_537 = arith.index_cast %rem3A_224 : i32 to index
        %get3A_538 = arith.index_cast %scan3A_272 : i32 to index
        %get3A_539 = arith.constant 304 : index
        %get3A_540 = tpu.vector_load %arg6[%get3A_537, %get3A_538, %get3A_539] {strides = array<i32>} : memref<7x8x2048xf32, #tpu.memory_space<vmem>>, vector<1x1x16xf32>,
        %get3A_541 = vector.shape_cast %get3A_540 : vector<1x1x16xf32> to vector<16xf32>
        %mul3A_542 = arith.constant 45.2548332 : f32
        %mul3A_543 = vector.broadcast %mul3A_542 : f32 to vector<16xf32>
        %mul3A_544 = arith.mulf %get3A_541, %mul3A_543 : vector<16xf32>
        %swap3A_545 = arith.index_cast %rem3A_224 : i32 to index
        %swap3A_546 = arith.index_cast %scan3A_272 : i32 to index
        %swap3A_547 = arith.constant 304 : index
        %swap3A_548 = tpu.vector_load %arg6[%swap3A_545, %swap3A_546, %swap3A_547] {strides = array<i32>} : memref<7x8x2048xf32, #tpu.memory_space<vmem>>, vector<1x1x16xf32>,
        %swap3A_549 = vector.shape_cast %swap3A_548 : vector<1x1x16xf32> to vector<16xf32>
        %swap3A_550 = vector.shape_cast %mul3A_544 : vector<16xf32> to vector<1x1x16xf32>
        tpu.vector_store %arg6[%swap3A_545, %swap3A_546, %swap3A_547], %swap3A_550 {strides = array<i32>} : memref<7x8x2048xf32, #tpu.memory_space<vmem>>, vector<1x1x16xf32>,
        %get3A_551 = arith.index_cast %rem3A_224 : i32 to index
        %get3A_552 = arith.index_cast %scan3A_272 : i32 to index
        %get3A_553 = arith.constant 320 : index
        %get3A_554 = tpu.vector_load %arg6[%get3A_551, %get3A_552, %get3A_553] {strides = array<i32>} : memref<7x8x2048xf32, #tpu.memory_space<vmem>>, vector<1x1x16xf32>,
        %get3A_555 = vector.shape_cast %get3A_554 : vector<1x1x16xf32> to vector<16xf32>
        %mul3A_556 = arith.constant 45.2548332 : f32
        %mul3A_557 = vector.broadcast %mul3A_556 : f32 to vector<16xf32>
        %mul3A_558 = arith.mulf %get3A_555, %mul3A_557 : vector<16xf32>
        %swap3A_559 = arith.index_cast %rem3A_224 : i32 to index
        %swap3A_560 = arith.index_cast %scan3A_272 : i32 to index
        %swap3A_561 = arith.constant 320 : index
        %swap3A_562 = tpu.vector_load %arg6[%swap3A_559, %swap3A_560, %swap3A_561] {strides = array<i32>} : memref<7x8x2048xf32, #tpu.memory_space<vmem>>, vector<1x1x16xf32>,
        %swap3A_563 = vector.shape_cast %swap3A_562 : vector<1x1x16xf32> to vector<16xf32>
        %swap3A_564 = vector.shape_cast %mul3A_558 : vector<16xf32> to vector<1x1x16xf32>
        tpu.vector_store %arg6[%swap3A_559, %swap3A_560, %swap3A_561], %swap3A_564 {strides = array<i32>} : memref<7x8x2048xf32, #tpu.memory_space<vmem>>, vector<1x1x16xf32>,
        %get3A_565 = arith.index_cast %rem3A_224 : i32 to index
        %get3A_566 = arith.index_cast %scan3A_272 : i32 to index
        %get3A_567 = arith.constant 336 : index
        %get3A_568 = tpu.vector_load %arg6[%get3A_565, %get3A_566, %get3A_567] {strides = array<i32>} : memref<7x8x2048xf32, #tpu.memory_space<vmem>>, vector<1x1x16xf32>,
        %get3A_569 = vector.shape_cast %get3A_568 : vector<1x1x16xf32> to vector<16xf32>
        %mul3A_570 = arith.constant 45.2548332 : f32
        %mul3A_571 = vector.broadcast %mul3A_570 : f32 to vector<16xf32>
        %mul3A_572 = arith.mulf %get3A_569, %mul3A_571 : vector<16xf32>
        %swap3A_573 = arith.index_cast %rem3A_224 : i32 to index
        %swap3A_574 = arith.index_cast %scan3A_272 : i32 to index
        %swap3A_575 = arith.constant 336 : index
        %swap3A_576 = tpu.vector_load %arg6[%swap3A_573, %swap3A_574, %swap3A_575] {strides = array<i32>} : memref<7x8x2048xf32, #tpu.memory_space<vmem>>, vector<1x1x16xf32>,
        %swap3A_577 = vector.shape_cast %swap3A_576 : vector<1x1x16xf32> to vector<16xf32>
        %swap3A_578 = vector.shape_cast %mul3A_572 : vector<16xf32> to vector<1x1x16xf32>
        tpu.vector_store %arg6[%swap3A_573, %swap3A_574, %swap3A_575], %swap3A_578 {strides = array<i32>} : memref<7x8x2048xf32, #tpu.memory_space<vmem>>, vector<1x1x16xf32>,
        %get3A_579 = arith.index_cast %rem3A_224 : i32 to index
        %get3A_580 = arith.index_cast %scan3A_272 : i32 to index
        %get3A_581 = arith.constant 352 : index
        %get3A_582 = tpu.vector_load %arg6[%get3A_579, %get3A_580, %get3A_581] {strides = array<i32>} : memref<7x8x2048xf32, #tpu.memory_space<vmem>>, vector<1x1x16xf32>,
        %get3A_583 = vector.shape_cast %get3A_582 : vector<1x1x16xf32> to vector<16xf32>
        %mul3A_584 = arith.constant 45.2548332 : f32
        %mul3A_585 = vector.broadcast %mul3A_584 : f32 to vector<16xf32>
        %mul3A_586 = arith.mulf %get3A_583, %mul3A_585 : vector<16xf32>
        %swap3A_587 = arith.index_cast %rem3A_224 : i32 to index
        %swap3A_588 = arith.index_cast %scan3A_272 : i32 to index
        %swap3A_589 = arith.constant 352 : index
        %swap3A_590 = tpu.vector_load %arg6[%swap3A_587, %swap3A_588, %swap3A_589] {strides = array<i32>} : memref<7x8x2048xf32, #tpu.memory_space<vmem>>, vector<1x1x16xf32>,
        %swap3A_591 = vector.shape_cast %swap3A_590 : vector<1x1x16xf32> to vector<16xf32>
        %swap3A_592 = vector.shape_cast %mul3A_586 : vector<16xf32> to vector<1x1x16xf32>
        tpu.vector_store %arg6[%swap3A_587, %swap3A_588, %swap3A_589], %swap3A_592 {strides = array<i32>} : memref<7x8x2048xf32, #tpu.memory_space<vmem>>, vector<1x1x16xf32>,
        %get3A_593 = arith.index_cast %rem3A_224 : i32 to index
        %get3A_594 = arith.index_cast %scan3A_272 : i32 to index
        %get3A_595 = arith.constant 368 : index
        %get3A_596 = tpu.vector_load %arg6[%get3A_593, %get3A_594, %get3A_595] {strides = array<i32>} : memref<7x8x2048xf32, #tpu.memory_space<vmem>>, vector<1x1x16xf32>,
        %get3A_597 = vector.shape_cast %get3A_596 : vector<1x1x16xf32> to vector<16xf32>
        %mul3A_598 = arith.constant 45.2548332 : f32
        %mul3A_599 = vector.broadcast %mul3A_598 : f32 to vector<16xf32>
        %mul3A_600 = arith.mulf %get3A_597, %mul3A_599 : vector<16xf32>
        %swap3A_601 = arith.index_cast %rem3A_224 : i32 to index
        %swap3A_602 = arith.index_cast %scan3A_272 : i32 to index
        %swap3A_603 = arith.constant 368 : index
        %swap3A_604 = tpu.vector_load %arg6[%swap3A_601, %swap3A_602, %swap3A_603] {strides = array<i32>} : memref<7x8x2048xf32, #tpu.memory_space<vmem>>, vector<1x1x16xf32>,
        %swap3A_605 = vector.shape_cast %swap3A_604 : vector<1x1x16xf32> to vector<16xf32>
        %swap3A_606 = vector.shape_cast %mul3A_600 : vector<16xf32> to vector<1x1x16xf32>
        tpu.vector_store %arg6[%swap3A_601, %swap3A_602, %swap3A_603], %swap3A_606 {strides = array<i32>} : memref<7x8x2048xf32, #tpu.memory_space<vmem>>, vector<1x1x16xf32>,
        %get3A_607 = arith.index_cast %rem3A_224 : i32 to index
        %get3A_608 = arith.index_cast %scan3A_272 : i32 to index
        %get3A_609 = arith.constant 384 : index
        %get3A_610 = tpu.vector_load %arg6[%get3A_607, %get3A_608, %get3A_609] {strides = array<i32>} : memref<7x8x2048xf32, #tpu.memory_space<vmem>>, vector<1x1x16xf32>,
        %get3A_611 = vector.shape_cast %get3A_610 : vector<1x1x16xf32> to vector<16xf32>
        %mul3A_612 = arith.constant 45.2548332 : f32
        %mul3A_613 = vector.broadcast %mul3A_612 : f32 to vector<16xf32>
        %mul3A_614 = arith.mulf %get3A_611, %mul3A_613 : vector<16xf32>
        %swap3A_615 = arith.index_cast %rem3A_224 : i32 to index
        %swap3A_616 = arith.index_cast %scan3A_272 : i32 to index
        %swap3A_617 = arith.constant 384 : index
        %swap3A_618 = tpu.vector_load %arg6[%swap3A_615, %swap3A_616, %swap3A_617] {strides = array<i32>} : memref<7x8x2048xf32, #tpu.memory_space<vmem>>, vector<1x1x16xf32>,
        %swap3A_619 = vector.shape_cast %swap3A_618 : vector<1x1x16xf32> to vector<16xf32>
        %swap3A_620 = vector.shape_cast %mul3A_614 : vector<16xf32> to vector<1x1x16xf32>
        tpu.vector_store %arg6[%swap3A_615, %swap3A_616, %swap3A_617], %swap3A_620 {strides = array<i32>} : memref<7x8x2048xf32, #tpu.memory_space<vmem>>, vector<1x1x16xf32>,
        %get3A_621 = arith.index_cast %rem3A_224 : i32 to index
        %get3A_622 = arith.index_cast %scan3A_272 : i32 to index
        %get3A_623 = arith.constant 400 : index
        %get3A_624 = tpu.vector_load %arg6[%get3A_621, %get3A_622, %get3A_623] {strides = array<i32>} : memref<7x8x2048xf32, #tpu.memory_space<vmem>>, vector<1x1x16xf32>,
        %get3A_625 = vector.shape_cast %get3A_624 : vector<1x1x16xf32> to vector<16xf32>
        %mul3A_626 = arith.constant 45.2548332 : f32
        %mul3A_627 = vector.broadcast %mul3A_626 : f32 to vector<16xf32>
        %mul3A_628 = arith.mulf %get3A_625, %mul3A_627 : vector<16xf32>
        %swap3A_629 = arith.index_cast %rem3A_224 : i32 to index
        %swap3A_630 = arith.index_cast %scan3A_272 : i32 to index
        %swap3A_631 = arith.constant 400 : index
        %swap3A_632 = tpu.vector_load %arg6[%swap3A_629, %swap3A_630, %swap3A_631] {strides = array<i32>} : memref<7x8x2048xf32, #tpu.memory_space<vmem>>, vector<1x1x16xf32>,
        %swap3A_633 = vector.shape_cast %swap3A_632 : vector<1x1x16xf32> to vector<16xf32>
        %swap3A_634 = vector.shape_cast %mul3A_628 : vector<16xf32> to vector<1x1x16xf32>
        tpu.vector_store %arg6[%swap3A_629, %swap3A_630, %swap3A_631], %swap3A_634 {strides = array<i32>} : memref<7x8x2048xf32, #tpu.memory_space<vmem>>, vector<1x1x16xf32>,
        %get3A_635 = arith.index_cast %rem3A_224 : i32 to index
        %get3A_636 = arith.index_cast %scan3A_272 : i32 to index
        %get3A_637 = arith.constant 416 : index
        %get3A_638 = tpu.vector_load %arg6[%get3A_635, %get3A_636, %get3A_637] {strides = array<i32>} : memref<7x8x2048xf32, #tpu.memory_space<vmem>>, vector<1x1x16xf32>,
        %get3A_639 = vector.shape_cast %get3A_638 : vector<1x1x16xf32> to vector<16xf32>
        %mul3A_640 = arith.constant 45.2548332 : f32
        %mul3A_641 = vector.broadcast %mul3A_640 : f32 to vector<16xf32>
        %mul3A_642 = arith.mulf %get3A_639, %mul3A_641 : vector<16xf32>
        %swap3A_643 = arith.index_cast %rem3A_224 : i32 to index
        %swap3A_644 = arith.index_cast %scan3A_272 : i32 to index
        %swap3A_645 = arith.constant 416 : index
        %swap3A_646 = tpu.vector_load %arg6[%swap3A_643, %swap3A_644, %swap3A_645] {strides = array<i32>} : memref<7x8x2048xf32, #tpu.memory_space<vmem>>, vector<1x1x16xf32>,
        %swap3A_647 = vector.shape_cast %swap3A_646 : vector<1x1x16xf32> to vector<16xf32>
        %swap3A_648 = vector.shape_cast %mul3A_642 : vector<16xf32> to vector<1x1x16xf32>
        tpu.vector_store %arg6[%swap3A_643, %swap3A_644, %swap3A_645], %swap3A_648 {strides = array<i32>} : memref<7x8x2048xf32, #tpu.memory_space<vmem>>, vector<1x1x16xf32>,
        %get3A_649 = arith.index_cast %rem3A_224 : i32 to index
        %get3A_650 = arith.index_cast %scan3A_272 : i32 to index
        %get3A_651 = arith.constant 432 : index
        %get3A_652 = tpu.vector_load %arg6[%get3A_649, %get3A_650, %get3A_651] {strides = array<i32>} : memref<7x8x2048xf32, #tpu.memory_space<vmem>>, vector<1x1x16xf32>,
        %get3A_653 = vector.shape_cast %get3A_652 : vector<1x1x16xf32> to vector<16xf32>
        %mul3A_654 = arith.constant 45.2548332 : f32
        %mul3A_655 = vector.broadcast %mul3A_654 : f32 to vector<16xf32>
        %mul3A_656 = arith.mulf %get3A_653, %mul3A_655 : vector<16xf32>
        %swap3A_657 = arith.index_cast %rem3A_224 : i32 to index
        %swap3A_658 = arith.index_cast %scan3A_272 : i32 to index
        %swap3A_659 = arith.constant 432 : index
        %swap3A_660 = tpu.vector_load %arg6[%swap3A_657, %swap3A_658, %swap3A_659] {strides = array<i32>} : memref<7x8x2048xf32, #tpu.memory_space<vmem>>, vector<1x1x16xf32>,
        %swap3A_661 = vector.shape_cast %swap3A_660 : vector<1x1x16xf32> to vector<16xf32>
        %swap3A_662 = vector.shape_cast %mul3A_656 : vector<16xf32> to vector<1x1x16xf32>
        tpu.vector_store %arg6[%swap3A_657, %swap3A_658, %swap3A_659], %swap3A_662 {strides = array<i32>} : memref<7x8x2048xf32, #tpu.memory_space<vmem>>, vector<1x1x16xf32>,
        %get3A_663 = arith.index_cast %rem3A_224 : i32 to index
        %get3A_664 = arith.index_cast %scan3A_272 : i32 to index
        %get3A_665 = arith.constant 448 : index
        %get3A_666 = tpu.vector_load %arg6[%get3A_663, %get3A_664, %get3A_665] {strides = array<i32>} : memref<7x8x2048xf32, #tpu.memory_space<vmem>>, vector<1x1x16xf32>,
        %get3A_667 = vector.shape_cast %get3A_666 : vector<1x1x16xf32> to vector<16xf32>
        %mul3A_668 = arith.constant 45.2548332 : f32
        %mul3A_669 = vector.broadcast %mul3A_668 : f32 to vector<16xf32>
        %mul3A_670 = arith.mulf %get3A_667, %mul3A_669 : vector<16xf32>
        %swap3A_671 = arith.index_cast %rem3A_224 : i32 to index
        %swap3A_672 = arith.index_cast %scan3A_272 : i32 to index
        %swap3A_673 = arith.constant 448 : index
        %swap3A_674 = tpu.vector_load %arg6[%swap3A_671, %swap3A_672, %swap3A_673] {strides = array<i32>} : memref<7x8x2048xf32, #tpu.memory_space<vmem>>, vector<1x1x16xf32>,
        %swap3A_675 = vector.shape_cast %swap3A_674 : vector<1x1x16xf32> to vector<16xf32>
        %swap3A_676 = vector.shape_cast %mul3A_670 : vector<16xf32> to vector<1x1x16xf32>
        tpu.vector_store %arg6[%swap3A_671, %swap3A_672, %swap3A_673], %swap3A_676 {strides = array<i32>} : memref<7x8x2048xf32, #tpu.memory_space<vmem>>, vector<1x1x16xf32>,
        %get3A_677 = arith.index_cast %rem3A_224 : i32 to index
        %get3A_678 = arith.index_cast %scan3A_272 : i32 to index
        %get3A_679 = arith.constant 464 : index
        %get3A_680 = tpu.vector_load %arg6[%get3A_677, %get3A_678, %get3A_679] {strides = array<i32>} : memref<7x8x2048xf32, #tpu.memory_space<vmem>>, vector<1x1x16xf32>,
        %get3A_681 = vector.shape_cast %get3A_680 : vector<1x1x16xf32> to vector<16xf32>
        %mul3A_682 = arith.constant 45.2548332 : f32
        %mul3A_683 = vector.broadcast %mul3A_682 : f32 to vector<16xf32>
        %mul3A_684 = arith.mulf %get3A_681, %mul3A_683 : vector<16xf32>
        %swap3A_685 = arith.index_cast %rem3A_224 : i32 to index
        %swap3A_686 = arith.index_cast %scan3A_272 : i32 to index
        %swap3A_687 = arith.constant 464 : index
        %swap3A_688 = tpu.vector_load %arg6[%swap3A_685, %swap3A_686, %swap3A_687] {strides = array<i32>} : memref<7x8x2048xf32, #tpu.memory_space<vmem>>, vector<1x1x16xf32>,
        %swap3A_689 = vector.shape_cast %swap3A_688 : vector<1x1x16xf32> to vector<16xf32>
        %swap3A_690 = vector.shape_cast %mul3A_684 : vector<16xf32> to vector<1x1x16xf32>
        tpu.vector_store %arg6[%swap3A_685, %swap3A_686, %swap3A_687], %swap3A_690 {strides = array<i32>} : memref<7x8x2048xf32, #tpu.memory_space<vmem>>, vector<1x1x16xf32>,
        %get3A_691 = arith.index_cast %rem3A_224 : i32 to index
        %get3A_692 = arith.index_cast %scan3A_272 : i32 to index
        %get3A_693 = arith.constant 480 : index
        %get3A_694 = tpu.vector_load %arg6[%get3A_691, %get3A_692, %get3A_693] {strides = array<i32>} : memref<7x8x2048xf32, #tpu.memory_space<vmem>>, vector<1x1x16xf32>,
        %get3A_695 = vector.shape_cast %get3A_694 : vector<1x1x16xf32> to vector<16xf32>
        %mul3A_696 = arith.constant 45.2548332 : f32
        %mul3A_697 = vector.broadcast %mul3A_696 : f32 to vector<16xf32>
        %mul3A_698 = arith.mulf %get3A_695, %mul3A_697 : vector<16xf32>
        %swap3A_699 = arith.index_cast %rem3A_224 : i32 to index
        %swap3A_700 = arith.index_cast %scan3A_272 : i32 to index
        %swap3A_701 = arith.constant 480 : index
        %swap3A_702 = tpu.vector_load %arg6[%swap3A_699, %swap3A_700, %swap3A_701] {strides = array<i32>} : memref<7x8x2048xf32, #tpu.memory_space<vmem>>, vector<1x1x16xf32>,
        %swap3A_703 = vector.shape_cast %swap3A_702 : vector<1x1x16xf32> to vector<16xf32>
        %swap3A_704 = vector.shape_cast %mul3A_698 : vector<16xf32> to vector<1x1x16xf32>
        tpu.vector_store %arg6[%swap3A_699, %swap3A_700, %swap3A_701], %swap3A_704 {strides = array<i32>} : memref<7x8x2048xf32, #tpu.memory_space<vmem>>, vector<1x1x16xf32>,
        %get3A_705 = arith.index_cast %rem3A_224 : i32 to index
        %get3A_706 = arith.index_cast %scan3A_272 : i32 to index
        %get3A_707 = arith.constant 496 : index
        %get3A_708 = tpu.vector_load %arg6[%get3A_705, %get3A_706, %get3A_707] {strides = array<i32>} : memref<7x8x2048xf32, #tpu.memory_space<vmem>>, vector<1x1x16xf32>,
        %get3A_709 = vector.shape_cast %get3A_708 : vector<1x1x16xf32> to vector<16xf32>
        %mul3A_710 = arith.constant 45.2548332 : f32
        %mul3A_711 = vector.broadcast %mul3A_710 : f32 to vector<16xf32>
        %mul3A_712 = arith.mulf %get3A_709, %mul3A_711 : vector<16xf32>
        %swap3A_713 = arith.index_cast %rem3A_224 : i32 to index
        %swap3A_714 = arith.index_cast %scan3A_272 : i32 to index
        %swap3A_715 = arith.constant 496 : index
        %swap3A_716 = tpu.vector_load %arg6[%swap3A_713, %swap3A_714, %swap3A_715] {strides = array<i32>} : memref<7x8x2048xf32, #tpu.memory_space<vmem>>, vector<1x1x16xf32>,
        %swap3A_717 = vector.shape_cast %swap3A_716 : vector<1x1x16xf32> to vector<16xf32>
        %swap3A_718 = vector.shape_cast %mul3A_712 : vector<16xf32> to vector<1x1x16xf32>
        tpu.vector_store %arg6[%swap3A_713, %swap3A_714, %swap3A_715], %swap3A_718 {strides = array<i32>} : memref<7x8x2048xf32, #tpu.memory_space<vmem>>, vector<1x1x16xf32>,
        %get3A_719 = arith.index_cast %rem3A_224 : i32 to index
        %get3A_720 = arith.index_cast %scan3A_272 : i32 to index
        %get3A_721 = arith.constant 512 : index
        %get3A_722 = tpu.vector_load %arg6[%get3A_719, %get3A_720, %get3A_721] {strides = array<i32>} : memref<7x8x2048xf32, #tpu.memory_space<vmem>>, vector<1x1x16xf32>,
        %get3A_723 = vector.shape_cast %get3A_722 : vector<1x1x16xf32> to vector<16xf32>
        %mul3A_724 = arith.constant 45.2548332 : f32
        %mul3A_725 = vector.broadcast %mul3A_724 : f32 to vector<16xf32>
        %mul3A_726 = arith.mulf %get3A_723, %mul3A_725 : vector<16xf32>
        %swap3A_727 = arith.index_cast %rem3A_224 : i32 to index
        %swap3A_728 = arith.index_cast %scan3A_272 : i32 to index
        %swap3A_729 = arith.constant 512 : index
        %swap3A_730 = tpu.vector_load %arg6[%swap3A_727, %swap3A_728, %swap3A_729] {strides = array<i32>} : memref<7x8x2048xf32, #tpu.memory_space<vmem>>, vector<1x1x16xf32>,
        %swap3A_731 = vector.shape_cast %swap3A_730 : vector<1x1x16xf32> to vector<16xf32>
        %swap3A_732 = vector.shape_cast %mul3A_726 : vector<16xf32> to vector<1x1x16xf32>
        tpu.vector_store %arg6[%swap3A_727, %swap3A_728, %swap3A_729], %swap3A_732 {strides = array<i32>} : memref<7x8x2048xf32, #tpu.memory_space<vmem>>, vector<1x1x16xf32>,
        %get3A_733 = arith.index_cast %rem3A_224 : i32 to index
        %get3A_734 = arith.index_cast %scan3A_272 : i32 to index
        %get3A_735 = arith.constant 528 : index
        %get3A_736 = tpu.vector_load %arg6[%get3A_733, %get3A_734, %get3A_735] {strides = array<i32>} : memref<7x8x2048xf32, #tpu.memory_space<vmem>>, vector<1x1x16xf32>,
        %get3A_737 = vector.shape_cast %get3A_736 : vector<1x1x16xf32> to vector<16xf32>
        %mul3A_738 = arith.constant 45.2548332 : f32
        %mul3A_739 = vector.broadcast %mul3A_738 : f32 to vector<16xf32>
        %mul3A_740 = arith.mulf %get3A_737, %mul3A_739 : vector<16xf32>
        %swap3A_741 = arith.index_cast %rem3A_224 : i32 to index
        %swap3A_742 = arith.index_cast %scan3A_272 : i32 to index
        %swap3A_743 = arith.constant 528 : index
        %swap3A_744 = tpu.vector_load %arg6[%swap3A_741, %swap3A_742, %swap3A_743] {strides = array<i32>} : memref<7x8x2048xf32, #tpu.memory_space<vmem>>, vector<1x1x16xf32>,
        %swap3A_745 = vector.shape_cast %swap3A_744 : vector<1x1x16xf32> to vector<16xf32>
        %swap3A_746 = vector.shape_cast %mul3A_740 : vector<16xf32> to vector<1x1x16xf32>
        tpu.vector_store %arg6[%swap3A_741, %swap3A_742, %swap3A_743], %swap3A_746 {strides = array<i32>} : memref<7x8x2048xf32, #tpu.memory_space<vmem>>, vector<1x1x16xf32>,
        %get3A_747 = arith.index_cast %rem3A_224 : i32 to index
        %get3A_748 = arith.index_cast %scan3A_272 : i32 to index
        %get3A_749 = arith.constant 544 : index
        %get3A_750 = tpu.vector_load %arg6[%get3A_747, %get3A_748, %get3A_749] {strides = array<i32>} : memref<7x8x2048xf32, #tpu.memory_space<vmem>>, vector<1x1x16xf32>,
        %get3A_751 = vector.shape_cast %get3A_750 : vector<1x1x16xf32> to vector<16xf32>
        %mul3A_752 = arith.constant 45.2548332 : f32
        %mul3A_753 = vector.broadcast %mul3A_752 : f32 to vector<16xf32>
        %mul3A_754 = arith.mulf %get3A_751, %mul3A_753 : vector<16xf32>
        %swap3A_755 = arith.index_cast %rem3A_224 : i32 to index
        %swap3A_756 = arith.index_cast %scan3A_272 : i32 to index
        %swap3A_757 = arith.constant 544 : index
        %swap3A_758 = tpu.vector_load %arg6[%swap3A_755, %swap3A_756, %swap3A_757] {strides = array<i32>} : memref<7x8x2048xf32, #tpu.memory_space<vmem>>, vector<1x1x16xf32>,
        %swap3A_759 = vector.shape_cast %swap3A_758 : vector<1x1x16xf32> to vector<16xf32>
        %swap3A_760 = vector.shape_cast %mul3A_754 : vector<16xf32> to vector<1x1x16xf32>
        tpu.vector_store %arg6[%swap3A_755, %swap3A_756, %swap3A_757], %swap3A_760 {strides = array<i32>} : memref<7x8x2048xf32, #tpu.memory_space<vmem>>, vector<1x1x16xf32>,
        %get3A_761 = arith.index_cast %rem3A_224 : i32 to index
        %get3A_762 = arith.index_cast %scan3A_272 : i32 to index
        %get3A_763 = arith.constant 560 : index
        %get3A_764 = tpu.vector_load %arg6[%get3A_761, %get3A_762, %get3A_763] {strides = array<i32>} : memref<7x8x2048xf32, #tpu.memory_space<vmem>>, vector<1x1x16xf32>,
        %get3A_765 = vector.shape_cast %get3A_764 : vector<1x1x16xf32> to vector<16xf32>
        %mul3A_766 = arith.constant 45.2548332 : f32
        %mul3A_767 = vector.broadcast %mul3A_766 : f32 to vector<16xf32>
        %mul3A_768 = arith.mulf %get3A_765, %mul3A_767 : vector<16xf32>
        %swap3A_769 = arith.index_cast %rem3A_224 : i32 to index
        %swap3A_770 = arith.index_cast %scan3A_272 : i32 to index
        %swap3A_771 = arith.constant 560 : index
        %swap3A_772 = tpu.vector_load %arg6[%swap3A_769, %swap3A_770, %swap3A_771] {strides = array<i32>} : memref<7x8x2048xf32, #tpu.memory_space<vmem>>, vector<1x1x16xf32>,
        %swap3A_773 = vector.shape_cast %swap3A_772 : vector<1x1x16xf32> to vector<16xf32>
        %swap3A_774 = vector.shape_cast %mul3A_768 : vector<16xf32> to vector<1x1x16xf32>
        tpu.vector_store %arg6[%swap3A_769, %swap3A_770, %swap3A_771], %swap3A_774 {strides = array<i32>} : memref<7x8x2048xf32, #tpu.memory_space<vmem>>, vector<1x1x16xf32>,
        %get3A_775 = arith.index_cast %rem3A_224 : i32 to index
        %get3A_776 = arith.index_cast %scan3A_272 : i32 to index
        %get3A_777 = arith.constant 576 : index
        %get3A_778 = tpu.vector_load %arg6[%get3A_775, %get3A_776, %get3A_777] {strides = array<i32>} : memref<7x8x2048xf32, #tpu.memory_space<vmem>>, vector<1x1x16xf32>,
        %get3A_779 = vector.shape_cast %get3A_778 : vector<1x1x16xf32> to vector<16xf32>
        %mul3A_780 = arith.constant 45.2548332 : f32
        %mul3A_781 = vector.broadcast %mul3A_780 : f32 to vector<16xf32>
        %mul3A_782 = arith.mulf %get3A_779, %mul3A_781 : vector<16xf32>
        %swap3A_783 = arith.index_cast %rem3A_224 : i32 to index
        %swap3A_784 = arith.index_cast %scan3A_272 : i32 to index
        %swap3A_785 = arith.constant 576 : index
        %swap3A_786 = tpu.vector_load %arg6[%swap3A_783, %swap3A_784, %swap3A_785] {strides = array<i32>} : memref<7x8x2048xf32, #tpu.memory_space<vmem>>, vector<1x1x16xf32>,
        %swap3A_787 = vector.shape_cast %swap3A_786 : vector<1x1x16xf32> to vector<16xf32>
        %swap3A_788 = vector.shape_cast %mul3A_782 : vector<16xf32> to vector<1x1x16xf32>
        tpu.vector_store %arg6[%swap3A_783, %swap3A_784, %swap3A_785], %swap3A_788 {strides = array<i32>} : memref<7x8x2048xf32, #tpu.memory_space<vmem>>, vector<1x1x16xf32>,
        %get3A_789 = arith.index_cast %rem3A_224 : i32 to index
        %get3A_790 = arith.index_cast %scan3A_272 : i32 to index
        %get3A_791 = arith.constant 592 : index
        %get3A_792 = tpu.vector_load %arg6[%get3A_789, %get3A_790, %get3A_791] {strides = array<i32>} : memref<7x8x2048xf32, #tpu.memory_space<vmem>>, vector<1x1x16xf32>,
        %get3A_793 = vector.shape_cast %get3A_792 : vector<1x1x16xf32> to vector<16xf32>
        %mul3A_794 = arith.constant 45.2548332 : f32
        %mul3A_795 = vector.broadcast %mul3A_794 : f32 to vector<16xf32>
        %mul3A_796 = arith.mulf %get3A_793, %mul3A_795 : vector<16xf32>
        %swap3A_797 = arith.index_cast %rem3A_224 : i32 to index
        %swap3A_798 = arith.index_cast %scan3A_272 : i32 to index
        %swap3A_799 = arith.constant 592 : index
        %swap3A_800 = tpu.vector_load %arg6[%swap3A_797, %swap3A_798, %swap3A_799] {strides = array<i32>} : memref<7x8x2048xf32, #tpu.memory_space<vmem>>, vector<1x1x16xf32>,
        %swap3A_801 = vector.shape_cast %swap3A_800 : vector<1x1x16xf32> to vector<16xf32>
        %swap3A_802 = vector.shape_cast %mul3A_796 : vector<16xf32> to vector<1x1x16xf32>
        tpu.vector_store %arg6[%swap3A_797, %swap3A_798, %swap3A_799], %swap3A_802 {strides = array<i32>} : memref<7x8x2048xf32, #tpu.memory_space<vmem>>, vector<1x1x16xf32>,
        %get3A_803 = arith.index_cast %rem3A_224 : i32 to index
        %get3A_804 = arith.index_cast %scan3A_272 : i32 to index
        %get3A_805 = arith.constant 608 : index
        %get3A_806 = tpu.vector_load %arg6[%get3A_803, %get3A_804, %get3A_805] {strides = array<i32>} : memref<7x8x2048xf32, #tpu.memory_space<vmem>>, vector<1x1x16xf32>,
        %get3A_807 = vector.shape_cast %get3A_806 : vector<1x1x16xf32> to vector<16xf32>
        %mul3A_808 = arith.constant 45.2548332 : f32
        %mul3A_809 = vector.broadcast %mul3A_808 : f32 to vector<16xf32>
        %mul3A_810 = arith.mulf %get3A_807, %mul3A_809 : vector<16xf32>
        %swap3A_811 = arith.index_cast %rem3A_224 : i32 to index
        %swap3A_812 = arith.index_cast %scan3A_272 : i32 to index
        %swap3A_813 = arith.constant 608 : index
        %swap3A_814 = tpu.vector_load %arg6[%swap3A_811, %swap3A_812, %swap3A_813] {strides = array<i32>} : memref<7x8x2048xf32, #tpu.memory_space<vmem>>, vector<1x1x16xf32>,
        %swap3A_815 = vector.shape_cast %swap3A_814 : vector<1x1x16xf32> to vector<16xf32>
        %swap3A_816 = vector.shape_cast %mul3A_810 : vector<16xf32> to vector<1x1x16xf32>
        tpu.vector_store %arg6[%swap3A_811, %swap3A_812, %swap3A_813], %swap3A_816 {strides = array<i32>} : memref<7x8x2048xf32, #tpu.memory_space<vmem>>, vector<1x1x16xf32>,
        %get3A_817 = arith.index_cast %rem3A_224 : i32 to index
        %get3A_818 = arith.index_cast %scan3A_272 : i32 to index
        %get3A_819 = arith.constant 624 : index
        %get3A_820 = tpu.vector_load %arg6[%get3A_817, %get3A_818, %get3A_819] {strides = array<i32>} : memref<7x8x2048xf32, #tpu.memory_space<vmem>>, vector<1x1x16xf32>,
        %get3A_821 = vector.shape_cast %get3A_820 : vector<1x1x16xf32> to vector<16xf32>
        %mul3A_822 = arith.constant 45.2548332 : f32
        %mul3A_823 = vector.broadcast %mul3A_822 : f32 to vector<16xf32>
        %mul3A_824 = arith.mulf %get3A_821, %mul3A_823 : vector<16xf32>
        %swap3A_825 = arith.index_cast %rem3A_224 : i32 to index
        %swap3A_826 = arith.index_cast %scan3A_272 : i32 to index
        %swap3A_827 = arith.constant 624 : index
        %swap3A_828 = tpu.vector_load %arg6[%swap3A_825, %swap3A_826, %swap3A_827] {strides = array<i32>} : memref<7x8x2048xf32, #tpu.memory_space<vmem>>, vector<1x1x16xf32>,
        %swap3A_829 = vector.shape_cast %swap3A_828 : vector<1x1x16xf32> to vector<16xf32>
        %swap3A_830 = vector.shape_cast %mul3A_824 : vector<16xf32> to vector<1x1x16xf32>
        tpu.vector_store %arg6[%swap3A_825, %swap3A_826, %swap3A_827], %swap3A_830 {strides = array<i32>} : memref<7x8x2048xf32, #tpu.memory_space<vmem>>, vector<1x1x16xf32>,
        %get3A_831 = arith.index_cast %rem3A_224 : i32 to index
        %get3A_832 = arith.index_cast %scan3A_272 : i32 to index
        %get3A_833 = arith.constant 640 : index
        %get3A_834 = tpu.vector_load %arg6[%get3A_831, %get3A_832, %get3A_833] {strides = array<i32>} : memref<7x8x2048xf32, #tpu.memory_space<vmem>>, vector<1x1x16xf32>,
        %get3A_835 = vector.shape_cast %get3A_834 : vector<1x1x16xf32> to vector<16xf32>
        %mul3A_836 = arith.constant 45.2548332 : f32
        %mul3A_837 = vector.broadcast %mul3A_836 : f32 to vector<16xf32>
        %mul3A_838 = arith.mulf %get3A_835, %mul3A_837 : vector<16xf32>
        %swap3A_839 = arith.index_cast %rem3A_224 : i32 to index
        %swap3A_840 = arith.index_cast %scan3A_272 : i32 to index
        %swap3A_841 = arith.constant 640 : index
        %swap3A_842 = tpu.vector_load %arg6[%swap3A_839, %swap3A_840, %swap3A_841] {strides = array<i32>} : memref<7x8x2048xf32, #tpu.memory_space<vmem>>, vector<1x1x16xf32>,
        %swap3A_843 = vector.shape_cast %swap3A_842 : vector<1x1x16xf32> to vector<16xf32>
        %swap3A_844 = vector.shape_cast %mul3A_838 : vector<16xf32> to vector<1x1x16xf32>
        tpu.vector_store %arg6[%swap3A_839, %swap3A_840, %swap3A_841], %swap3A_844 {strides = array<i32>} : memref<7x8x2048xf32, #tpu.memory_space<vmem>>, vector<1x1x16xf32>,
        %get3A_845 = arith.index_cast %rem3A_224 : i32 to index
        %get3A_846 = arith.index_cast %scan3A_272 : i32 to index
        %get3A_847 = arith.constant 656 : index
        %get3A_848 = tpu.vector_load %arg6[%get3A_845, %get3A_846, %get3A_847] {strides = array<i32>} : memref<7x8x2048xf32, #tpu.memory_space<vmem>>, vector<1x1x16xf32>,
        %get3A_849 = vector.shape_cast %get3A_848 : vector<1x1x16xf32> to vector<16xf32>
        %mul3A_850 = arith.constant 45.2548332 : f32
        %mul3A_851 = vector.broadcast %mul3A_850 : f32 to vector<16xf32>
        %mul3A_852 = arith.mulf %get3A_849, %mul3A_851 : vector<16xf32>
        %swap3A_853 = arith.index_cast %rem3A_224 : i32 to index
        %swap3A_854 = arith.index_cast %scan3A_272 : i32 to index
        %swap3A_855 = arith.constant 656 : index
        %swap3A_856 = tpu.vector_load %arg6[%swap3A_853, %swap3A_854, %swap3A_855] {strides = array<i32>} : memref<7x8x2048xf32, #tpu.memory_space<vmem>>, vector<1x1x16xf32>,
        %swap3A_857 = vector.shape_cast %swap3A_856 : vector<1x1x16xf32> to vector<16xf32>
        %swap3A_858 = vector.shape_cast %mul3A_852 : vector<16xf32> to vector<1x1x16xf32>
        tpu.vector_store %arg6[%swap3A_853, %swap3A_854, %swap3A_855], %swap3A_858 {strides = array<i32>} : memref<7x8x2048xf32, #tpu.memory_space<vmem>>, vector<1x1x16xf32>,
        %get3A_859 = arith.index_cast %rem3A_224 : i32 to index
        %get3A_860 = arith.index_cast %scan3A_272 : i32 to index
        %get3A_861 = arith.constant 672 : index
        %get3A_862 = tpu.vector_load %arg6[%get3A_859, %get3A_860, %get3A_861] {strides = array<i32>} : memref<7x8x2048xf32, #tpu.memory_space<vmem>>, vector<1x1x16xf32>,
        %get3A_863 = vector.shape_cast %get3A_862 : vector<1x1x16xf32> to vector<16xf32>
        %mul3A_864 = arith.constant 45.2548332 : f32
        %mul3A_865 = vector.broadcast %mul3A_864 : f32 to vector<16xf32>
        %mul3A_866 = arith.mulf %get3A_863, %mul3A_865 : vector<16xf32>
        %swap3A_867 = arith.index_cast %rem3A_224 : i32 to index
        %swap3A_868 = arith.index_cast %scan3A_272 : i32 to index
        %swap3A_869 = arith.constant 672 : index
        %swap3A_870 = tpu.vector_load %arg6[%swap3A_867, %swap3A_868, %swap3A_869] {strides = array<i32>} : memref<7x8x2048xf32, #tpu.memory_space<vmem>>, vector<1x1x16xf32>,
        %swap3A_871 = vector.shape_cast %swap3A_870 : vector<1x1x16xf32> to vector<16xf32>
        %swap3A_872 = vector.shape_cast %mul3A_866 : vector<16xf32> to vector<1x1x16xf32>
        tpu.vector_store %arg6[%swap3A_867, %swap3A_868, %swap3A_869], %swap3A_872 {strides = array<i32>} : memref<7x8x2048xf32, #tpu.memory_space<vmem>>, vector<1x1x16xf32>,
        %get3A_873 = arith.index_cast %rem3A_224 : i32 to index
        %get3A_874 = arith.index_cast %scan3A_272 : i32 to index
        %get3A_875 = arith.constant 688 : index
        %get3A_876 = tpu.vector_load %arg6[%get3A_873, %get3A_874, %get3A_875] {strides = array<i32>} : memref<7x8x2048xf32, #tpu.memory_space<vmem>>, vector<1x1x16xf32>,
        %get3A_877 = vector.shape_cast %get3A_876 : vector<1x1x16xf32> to vector<16xf32>
        %mul3A_878 = arith.constant 45.2548332 : f32
        %mul3A_879 = vector.broadcast %mul3A_878 : f32 to vector<16xf32>
        %mul3A_880 = arith.mulf %get3A_877, %mul3A_879 : vector<16xf32>
        %swap3A_881 = arith.index_cast %rem3A_224 : i32 to index
        %swap3A_882 = arith.index_cast %scan3A_272 : i32 to index
        %swap3A_883 = arith.constant 688 : index
        %swap3A_884 = tpu.vector_load %arg6[%swap3A_881, %swap3A_882, %swap3A_883] {strides = array<i32>} : memref<7x8x2048xf32, #tpu.memory_space<vmem>>, vector<1x1x16xf32>,
        %swap3A_885 = vector.shape_cast %swap3A_884 : vector<1x1x16xf32> to vector<16xf32>
        %swap3A_886 = vector.shape_cast %mul3A_880 : vector<16xf32> to vector<1x1x16xf32>
        tpu.vector_store %arg6[%swap3A_881, %swap3A_882, %swap3A_883], %swap3A_886 {strides = array<i32>} : memref<7x8x2048xf32, #tpu.memory_space<vmem>>, vector<1x1x16xf32>,
        %get3A_887 = arith.index_cast %rem3A_224 : i32 to index
        %get3A_888 = arith.index_cast %scan3A_272 : i32 to index
        %get3A_889 = arith.constant 704 : index
        %get3A_890 = tpu.vector_load %arg6[%get3A_887, %get3A_888, %get3A_889] {strides = array<i32>} : memref<7x8x2048xf32, #tpu.memory_space<vmem>>, vector<1x1x16xf32>,
        %get3A_891 = vector.shape_cast %get3A_890 : vector<1x1x16xf32> to vector<16xf32>
        %mul3A_892 = arith.constant 45.2548332 : f32
        %mul3A_893 = vector.broadcast %mul3A_892 : f32 to vector<16xf32>
        %mul3A_894 = arith.mulf %get3A_891, %mul3A_893 : vector<16xf32>
        %swap3A_895 = arith.index_cast %rem3A_224 : i32 to index
        %swap3A_896 = arith.index_cast %scan3A_272 : i32 to index
        %swap3A_897 = arith.constant 704 : index
        %swap3A_898 = tpu.vector_load %arg6[%swap3A_895, %swap3A_896, %swap3A_897] {strides = array<i32>} : memref<7x8x2048xf32, #tpu.memory_space<vmem>>, vector<1x1x16xf32>,
        %swap3A_899 = vector.shape_cast %swap3A_898 : vector<1x1x16xf32> to vector<16xf32>
        %swap3A_900 = vector.shape_cast %mul3A_894 : vector<16xf32> to vector<1x1x16xf32>
        tpu.vector_store %arg6[%swap3A_895, %swap3A_896, %swap3A_897], %swap3A_900 {strides = array<i32>} : memref<7x8x2048xf32, #tpu.memory_space<vmem>>, vector<1x1x16xf32>,
        %get3A_901 = arith.index_cast %rem3A_224 : i32 to index
        %get3A_902 = arith.index_cast %scan3A_272 : i32 to index
        %get3A_903 = arith.constant 720 : index
        %get3A_904 = tpu.vector_load %arg6[%get3A_901, %get3A_902, %get3A_903] {strides = array<i32>} : memref<7x8x2048xf32, #tpu.memory_space<vmem>>, vector<1x1x16xf32>,
        %get3A_905 = vector.shape_cast %get3A_904 : vector<1x1x16xf32> to vector<16xf32>
        %mul3A_906 = arith.constant 45.2548332 : f32
        %mul3A_907 = vector.broadcast %mul3A_906 : f32 to vector<16xf32>
        %mul3A_908 = arith.mulf %get3A_905, %mul3A_907 : vector<16xf32>
        %swap3A_909 = arith.index_cast %rem3A_224 : i32 to index
        %swap3A_910 = arith.index_cast %scan3A_272 : i32 to index
        %swap3A_911 = arith.constant 720 : index
        %swap3A_912 = tpu.vector_load %arg6[%swap3A_909, %swap3A_910, %swap3A_911] {strides = array<i32>} : memref<7x8x2048xf32, #tpu.memory_space<vmem>>, vector<1x1x16xf32>,
        %swap3A_913 = vector.shape_cast %swap3A_912 : vector<1x1x16xf32> to vector<16xf32>
        %swap3A_914 = vector.shape_cast %mul3A_908 : vector<16xf32> to vector<1x1x16xf32>
        tpu.vector_store %arg6[%swap3A_909, %swap3A_910, %swap3A_911], %swap3A_914 {strides = array<i32>} : memref<7x8x2048xf32, #tpu.memory_space<vmem>>, vector<1x1x16xf32>,
        %get3A_915 = arith.index_cast %rem3A_224 : i32 to index
        %get3A_916 = arith.index_cast %scan3A_272 : i32 to index
        %get3A_917 = arith.constant 736 : index
        %get3A_918 = tpu.vector_load %arg6[%get3A_915, %get3A_916, %get3A_917] {strides = array<i32>} : memref<7x8x2048xf32, #tpu.memory_space<vmem>>, vector<1x1x16xf32>,
        %get3A_919 = vector.shape_cast %get3A_918 : vector<1x1x16xf32> to vector<16xf32>
        %mul3A_920 = arith.constant 45.2548332 : f32
        %mul3A_921 = vector.broadcast %mul3A_920 : f32 to vector<16xf32>
        %mul3A_922 = arith.mulf %get3A_919, %mul3A_921 : vector<16xf32>
        %swap3A_923 = arith.index_cast %rem3A_224 : i32 to index
        %swap3A_924 = arith.index_cast %scan3A_272 : i32 to index
        %swap3A_925 = arith.constant 736 : index
        %swap3A_926 = tpu.vector_load %arg6[%swap3A_923, %swap3A_924, %swap3A_925] {strides = array<i32>} : memref<7x8x2048xf32, #tpu.memory_space<vmem>>, vector<1x1x16xf32>,
        %swap3A_927 = vector.shape_cast %swap3A_926 : vector<1x1x16xf32> to vector<16xf32>
        %swap3A_928 = vector.shape_cast %mul3A_922 : vector<16xf32> to vector<1x1x16xf32>
        tpu.vector_store %arg6[%swap3A_923, %swap3A_924, %swap3A_925], %swap3A_928 {strides = array<i32>} : memref<7x8x2048xf32, #tpu.memory_space<vmem>>, vector<1x1x16xf32>,
        %get3A_929 = arith.index_cast %rem3A_224 : i32 to index
        %get3A_930 = arith.index_cast %scan3A_272 : i32 to index
        %get3A_931 = arith.constant 752 : index
        %get3A_932 = tpu.vector_load %arg6[%get3A_929, %get3A_930, %get3A_931] {strides = array<i32>} : memref<7x8x2048xf32, #tpu.memory_space<vmem>>, vector<1x1x16xf32>,
        %get3A_933 = vector.shape_cast %get3A_932 : vector<1x1x16xf32> to vector<16xf32>
        %mul3A_934 = arith.constant 45.2548332 : f32
        %mul3A_935 = vector.broadcast %mul3A_934 : f32 to vector<16xf32>
        %mul3A_936 = arith.mulf %get3A_933, %mul3A_935 : vector<16xf32>
        %swap3A_937 = arith.index_cast %rem3A_224 : i32 to index
        %swap3A_938 = arith.index_cast %scan3A_272 : i32 to index
        %swap3A_939 = arith.constant 752 : index
        %swap3A_940 = tpu.vector_load %arg6[%swap3A_937, %swap3A_938, %swap3A_939] {strides = array<i32>} : memref<7x8x2048xf32, #tpu.memory_space<vmem>>, vector<1x1x16xf32>,
        %swap3A_941 = vector.shape_cast %swap3A_940 : vector<1x1x16xf32> to vector<16xf32>
        %swap3A_942 = vector.shape_cast %mul3A_936 : vector<16xf32> to vector<1x1x16xf32>
        tpu.vector_store %arg6[%swap3A_937, %swap3A_938, %swap3A_939], %swap3A_942 {strides = array<i32>} : memref<7x8x2048xf32, #tpu.memory_space<vmem>>, vector<1x1x16xf32>,
        %get3A_943 = arith.index_cast %rem3A_224 : i32 to index
        %get3A_944 = arith.index_cast %scan3A_272 : i32 to index
        %get3A_945 = arith.constant 768 : index
        %get3A_946 = tpu.vector_load %arg6[%get3A_943, %get3A_944, %get3A_945] {strides = array<i32>} : memref<7x8x2048xf32, #tpu.memory_space<vmem>>, vector<1x1x16xf32>,
        %get3A_947 = vector.shape_cast %get3A_946 : vector<1x1x16xf32> to vector<16xf32>
        %mul3A_948 = arith.constant 45.2548332 : f32
        %mul3A_949 = vector.broadcast %mul3A_948 : f32 to vector<16xf32>
        %mul3A_950 = arith.mulf %get3A_947, %mul3A_949 : vector<16xf32>
        %swap3A_951 = arith.index_cast %rem3A_224 : i32 to index
        %swap3A_952 = arith.index_cast %scan3A_272 : i32 to index
        %swap3A_953 = arith.constant 768 : index
        %swap3A_954 = tpu.vector_load %arg6[%swap3A_951, %swap3A_952, %swap3A_953] {strides = array<i32>} : memref<7x8x2048xf32, #tpu.memory_space<vmem>>, vector<1x1x16xf32>,
        %swap3A_955 = vector.shape_cast %swap3A_954 : vector<1x1x16xf32> to vector<16xf32>
        %swap3A_956 = vector.shape_cast %mul3A_950 : vector<16xf32> to vector<1x1x16xf32>
        tpu.vector_store %arg6[%swap3A_951, %swap3A_952, %swap3A_953], %swap3A_956 {strides = array<i32>} : memref<7x8x2048xf32, #tpu.memory_space<vmem>>, vector<1x1x16xf32>,
        %get3A_957 = arith.index_cast %rem3A_224 : i32 to index
        %get3A_958 = arith.index_cast %scan3A_272 : i32 to index
        %get3A_959 = arith.constant 784 : index
        %get3A_960 = tpu.vector_load %arg6[%get3A_957, %get3A_958, %get3A_959] {strides = array<i32>} : memref<7x8x2048xf32, #tpu.memory_space<vmem>>, vector<1x1x16xf32>,
        %get3A_961 = vector.shape_cast %get3A_960 : vector<1x1x16xf32> to vector<16xf32>
        %mul3A_962 = arith.constant 45.2548332 : f32
        %mul3A_963 = vector.broadcast %mul3A_962 : f32 to vector<16xf32>
        %mul3A_964 = arith.mulf %get3A_961, %mul3A_963 : vector<16xf32>
        %swap3A_965 = arith.index_cast %rem3A_224 : i32 to index
        %swap3A_966 = arith.index_cast %scan3A_272 : i32 to index
        %swap3A_967 = arith.constant 784 : index
        %swap3A_968 = tpu.vector_load %arg6[%swap3A_965, %swap3A_966, %swap3A_967] {strides = array<i32>} : memref<7x8x2048xf32, #tpu.memory_space<vmem>>, vector<1x1x16xf32>,
        %swap3A_969 = vector.shape_cast %swap3A_968 : vector<1x1x16xf32> to vector<16xf32>
        %swap3A_970 = vector.shape_cast %mul3A_964 : vector<16xf32> to vector<1x1x16xf32>
        tpu.vector_store %arg6[%swap3A_965, %swap3A_966, %swap3A_967], %swap3A_970 {strides = array<i32>} : memref<7x8x2048xf32, #tpu.memory_space<vmem>>, vector<1x1x16xf32>,
        %get3A_971 = arith.index_cast %rem3A_224 : i32 to index
        %get3A_972 = arith.index_cast %scan3A_272 : i32 to index
        %get3A_973 = arith.constant 800 : index
        %get3A_974 = tpu.vector_load %arg6[%get3A_971, %get3A_972, %get3A_973] {strides = array<i32>} : memref<7x8x2048xf32, #tpu.memory_space<vmem>>, vector<1x1x16xf32>,
        %get3A_975 = vector.shape_cast %get3A_974 : vector<1x1x16xf32> to vector<16xf32>
        %mul3A_976 = arith.constant 45.2548332 : f32
        %mul3A_977 = vector.broadcast %mul3A_976 : f32 to vector<16xf32>
        %mul3A_978 = arith.mulf %get3A_975, %mul3A_977 : vector<16xf32>
        %swap3A_979 = arith.index_cast %rem3A_224 : i32 to index
        %swap3A_980 = arith.index_cast %scan3A_272 : i32 to index
        %swap3A_981 = arith.constant 800 : index
        %swap3A_982 = tpu.vector_load %arg6[%swap3A_979, %swap3A_980, %swap3A_981] {strides = array<i32>} : memref<7x8x2048xf32, #tpu.memory_space<vmem>>, vector<1x1x16xf32>,
        %swap3A_983 = vector.shape_cast %swap3A_982 : vector<1x1x16xf32> to vector<16xf32>
        %swap3A_984 = vector.shape_cast %mul3A_978 : vector<16xf32> to vector<1x1x16xf32>
        tpu.vector_store %arg6[%swap3A_979, %swap3A_980, %swap3A_981], %swap3A_984 {strides = array<i32>} : memref<7x8x2048xf32, #tpu.memory_space<vmem>>, vector<1x1x16xf32>,
        %get3A_985 = arith.index_cast %rem3A_224 : i32 to index
        %get3A_986 = arith.index_cast %scan3A_272 : i32 to index
        %get3A_987 = arith.constant 816 : index
        %get3A_988 = tpu.vector_load %arg6[%get3A_985, %get3A_986, %get3A_987] {strides = array<i32>} : memref<7x8x2048xf32, #tpu.memory_space<vmem>>, vector<1x1x16xf32>,
        %get3A_989 = vector.shape_cast %get3A_988 : vector<1x1x16xf32> to vector<16xf32>
        %mul3A_990 = arith.constant 45.2548332 : f32
        %mul3A_991 = vector.broadcast %mul3A_990 : f32 to vector<16xf32>
        %mul3A_992 = arith.mulf %get3A_989, %mul3A_991 : vector<16xf32>
        %swap3A_993 = arith.index_cast %rem3A_224 : i32 to index
        %swap3A_994 = arith.index_cast %scan3A_272 : i32 to index
        %swap3A_995 = arith.constant 816 : index
        %swap3A_996 = tpu.vector_load %arg6[%swap3A_993, %swap3A_994, %swap3A_995] {strides = array<i32>} : memref<7x8x2048xf32, #tpu.memory_space<vmem>>, vector<1x1x16xf32>,
        %swap3A_997 = vector.shape_cast %swap3A_996 : vector<1x1x16xf32> to vector<16xf32>
        %swap3A_998 = vector.shape_cast %mul3A_992 : vector<16xf32> to vector<1x1x16xf32>
        tpu.vector_store %arg6[%swap3A_993, %swap3A_994, %swap3A_995], %swap3A_998 {strides = array<i32>} : memref<7x8x2048xf32, #tpu.memory_space<vmem>>, vector<1x1x16xf32>,
        %get3A_999 = arith.index_cast %rem3A_224 : i32 to index
        %get3A_1000 = arith.index_cast %scan3A_272 : i32 to index
        %get3A_1001 = arith.constant 832 : index
        %get3A_1002 = tpu.vector_load %arg6[%get3A_999, %get3A_1000, %get3A_1001] {strides = array<i32>} : memref<7x8x2048xf32, #tpu.memory_space<vmem>>, vector<1x1x16xf32>,
        %get3A_1003 = vector.shape_cast %get3A_1002 : vector<1x1x16xf32> to vector<16xf32>
        %mul3A_1004 = arith.constant 45.2548332 : f32
        %mul3A_1005 = vector.broadcast %mul3A_1004 : f32 to vector<16xf32>
        %mul3A_1006 = arith.mulf %get3A_1003, %mul3A_1005 : vector<16xf32>
        %swap3A_1007 = arith.index_cast %rem3A_224 : i32 to index
        %swap3A_1008 = arith.index_cast %scan3A_272 : i32 to index
        %swap3A_1009 = arith.constant 832 : index
        %swap3A_1010 = tpu.vector_load %arg6[%swap3A_1007, %swap3A_1008, %swap3A_1009] {strides = array<i32>} : memref<7x8x2048xf32, #tpu.memory_space<vmem>>, vector<1x1x16xf32>,
        %swap3A_1011 = vector.shape_cast %swap3A_1010 : vector<1x1x16xf32> to vector<16xf32>
        %swap3A_1012 = vector.shape_cast %mul3A_1006 : vector<16xf32> to vector<1x1x16xf32>
        tpu.vector_store %arg6[%swap3A_1007, %swap3A_1008, %swap3A_1009], %swap3A_1012 {strides = array<i32>} : memref<7x8x2048xf32, #tpu.memory_space<vmem>>, vector<1x1x16xf32>,
        %get3A_1013 = arith.index_cast %rem3A_224 : i32 to index
        %get3A_1014 = arith.index_cast %scan3A_272 : i32 to index
        %get3A_1015 = arith.constant 848 : index
        %get3A_1016 = tpu.vector_load %arg6[%get3A_1013, %get3A_1014, %get3A_1015] {strides = array<i32>} : memref<7x8x2048xf32, #tpu.memory_space<vmem>>, vector<1x1x16xf32>,
        %get3A_1017 = vector.shape_cast %get3A_1016 : vector<1x1x16xf32> to vector<16xf32>
        %mul3A_1018 = arith.constant 45.2548332 : f32
        %mul3A_1019 = vector.broadcast %mul3A_1018 : f32 to vector<16xf32>
        %mul3A_1020 = arith.mulf %get3A_1017, %mul3A_1019 : vector<16xf32>
        %swap3A_1021 = arith.index_cast %rem3A_224 : i32 to index
        %swap3A_1022 = arith.index_cast %scan3A_272 : i32 to index
        %swap3A_1023 = arith.constant 848 : index
        %swap3A_1024 = tpu.vector_load %arg6[%swap3A_1021, %swap3A_1022, %swap3A_1023] {strides = array<i32>} : memref<7x8x2048xf32, #tpu.memory_space<vmem>>, vector<1x1x16xf32>,
        %swap3A_1025 = vector.shape_cast %swap3A_1024 : vector<1x1x16xf32> to vector<16xf32>
        %swap3A_1026 = vector.shape_cast %mul3A_1020 : vector<16xf32> to vector<1x1x16xf32>
        tpu.vector_store %arg6[%swap3A_1021, %swap3A_1022, %swap3A_1023], %swap3A_1026 {strides = array<i32>} : memref<7x8x2048xf32, #tpu.memory_space<vmem>>, vector<1x1x16xf32>,
        %get3A_1027 = arith.index_cast %rem3A_224 : i32 to index
        %get3A_1028 = arith.index_cast %scan3A_272 : i32 to index
        %get3A_1029 = arith.constant 864 : index
        %get3A_1030 = tpu.vector_load %arg6[%get3A_1027, %get3A_1028, %get3A_1029] {strides = array<i32>} : memref<7x8x2048xf32, #tpu.memory_space<vmem>>, vector<1x1x16xf32>,
        %get3A_1031 = vector.shape_cast %get3A_1030 : vector<1x1x16xf32> to vector<16xf32>
        %mul3A_1032 = arith.constant 45.2548332 : f32
        %mul3A_1033 = vector.broadcast %mul3A_1032 : f32 to vector<16xf32>
        %mul3A_1034 = arith.mulf %get3A_1031, %mul3A_1033 : vector<16xf32>
        %swap3A_1035 = arith.index_cast %rem3A_224 : i32 to index
        %swap3A_1036 = arith.index_cast %scan3A_272 : i32 to index
        %swap3A_1037 = arith.constant 864 : index
        %swap3A_1038 = tpu.vector_load %arg6[%swap3A_1035, %swap3A_1036, %swap3A_1037] {strides = array<i32>} : memref<7x8x2048xf32, #tpu.memory_space<vmem>>, vector<1x1x16xf32>,
        %swap3A_1039 = vector.shape_cast %swap3A_1038 : vector<1x1x16xf32> to vector<16xf32>
        %swap3A_1040 = vector.shape_cast %mul3A_1034 : vector<16xf32> to vector<1x1x16xf32>
        tpu.vector_store %arg6[%swap3A_1035, %swap3A_1036, %swap3A_1037], %swap3A_1040 {strides = array<i32>} : memref<7x8x2048xf32, #tpu.memory_space<vmem>>, vector<1x1x16xf32>,
        %get3A_1041 = arith.index_cast %rem3A_224 : i32 to index
        %get3A_1042 = arith.index_cast %scan3A_272 : i32 to index
        %get3A_1043 = arith.constant 880 : index
        %get3A_1044 = tpu.vector_load %arg6[%get3A_1041, %get3A_1042, %get3A_1043] {strides = array<i32>} : memref<7x8x2048xf32, #tpu.memory_space<vmem>>, vector<1x1x16xf32>,
        %get3A_1045 = vector.shape_cast %get3A_1044 : vector<1x1x16xf32> to vector<16xf32>
        %mul3A_1046 = arith.constant 45.2548332 : f32
        %mul3A_1047 = vector.broadcast %mul3A_1046 : f32 to vector<16xf32>
        %mul3A_1048 = arith.mulf %get3A_1045, %mul3A_1047 : vector<16xf32>
        %swap3A_1049 = arith.index_cast %rem3A_224 : i32 to index
        %swap3A_1050 = arith.index_cast %scan3A_272 : i32 to index
        %swap3A_1051 = arith.constant 880 : index
        %swap3A_1052 = tpu.vector_load %arg6[%swap3A_1049, %swap3A_1050, %swap3A_1051] {strides = array<i32>} : memref<7x8x2048xf32, #tpu.memory_space<vmem>>, vector<1x1x16xf32>,
        %swap3A_1053 = vector.shape_cast %swap3A_1052 : vector<1x1x16xf32> to vector<16xf32>
        %swap3A_1054 = vector.shape_cast %mul3A_1048 : vector<16xf32> to vector<1x1x16xf32>
        tpu.vector_store %arg6[%swap3A_1049, %swap3A_1050, %swap3A_1051], %swap3A_1054 {strides = array<i32>} : memref<7x8x2048xf32, #tpu.memory_space<vmem>>, vector<1x1x16xf32>,
        %get3A_1055 = arith.index_cast %rem3A_224 : i32 to index
        %get3A_1056 = arith.index_cast %scan3A_272 : i32 to index
        %get3A_1057 = arith.constant 896 : index
        %get3A_1058 = tpu.vector_load %arg6[%get3A_1055, %get3A_1056, %get3A_1057] {strides = array<i32>} : memref<7x8x2048xf32, #tpu.memory_space<vmem>>, vector<1x1x16xf32>,
        %get3A_1059 = vector.shape_cast %get3A_1058 : vector<1x1x16xf32> to vector<16xf32>
        %mul3A_1060 = arith.constant 45.2548332 : f32
        %mul3A_1061 = vector.broadcast %mul3A_1060 : f32 to vector<16xf32>
        %mul3A_1062 = arith.mulf %get3A_1059, %mul3A_1061 : vector<16xf32>
        %swap3A_1063 = arith.index_cast %rem3A_224 : i32 to index
        %swap3A_1064 = arith.index_cast %scan3A_272 : i32 to index
        %swap3A_1065 = arith.constant 896 : index
        %swap3A_1066 = tpu.vector_load %arg6[%swap3A_1063, %swap3A_1064, %swap3A_1065] {strides = array<i32>} : memref<7x8x2048xf32, #tpu.memory_space<vmem>>, vector<1x1x16xf32>,
        %swap3A_1067 = vector.shape_cast %swap3A_1066 : vector<1x1x16xf32> to vector<16xf32>
        %swap3A_1068 = vector.shape_cast %mul3A_1062 : vector<16xf32> to vector<1x1x16xf32>
        tpu.vector_store %arg6[%swap3A_1063, %swap3A_1064, %swap3A_1065], %swap3A_1068 {strides = array<i32>} : memref<7x8x2048xf32, #tpu.memory_space<vmem>>, vector<1x1x16xf32>,
        %get3A_1069 = arith.index_cast %rem3A_224 : i32 to index
        %get3A_1070 = arith.index_cast %scan3A_272 : i32 to index
        %get3A_1071 = arith.constant 912 : index
        %get3A_1072 = tpu.vector_load %arg6[%get3A_1069, %get3A_1070, %get3A_1071] {strides = array<i32>} : memref<7x8x2048xf32, #tpu.memory_space<vmem>>, vector<1x1x16xf32>,
        %get3A_1073 = vector.shape_cast %get3A_1072 : vector<1x1x16xf32> to vector<16xf32>
        %mul3A_1074 = arith.constant 45.2548332 : f32
        %mul3A_1075 = vector.broadcast %mul3A_1074 : f32 to vector<16xf32>
        %mul3A_1076 = arith.mulf %get3A_1073, %mul3A_1075 : vector<16xf32>
        %swap3A_1077 = arith.index_cast %rem3A_224 : i32 to index
        %swap3A_1078 = arith.index_cast %scan3A_272 : i32 to index
        %swap3A_1079 = arith.constant 912 : index
        %swap3A_1080 = tpu.vector_load %arg6[%swap3A_1077, %swap3A_1078, %swap3A_1079] {strides = array<i32>} : memref<7x8x2048xf32, #tpu.memory_space<vmem>>, vector<1x1x16xf32>,
        %swap3A_1081 = vector.shape_cast %swap3A_1080 : vector<1x1x16xf32> to vector<16xf32>
        %swap3A_1082 = vector.shape_cast %mul3A_1076 : vector<16xf32> to vector<1x1x16xf32>
        tpu.vector_store %arg6[%swap3A_1077, %swap3A_1078, %swap3A_1079], %swap3A_1082 {strides = array<i32>} : memref<7x8x2048xf32, #tpu.memory_space<vmem>>, vector<1x1x16xf32>,
        %get3A_1083 = arith.index_cast %rem3A_224 : i32 to index
        %get3A_1084 = arith.index_cast %scan3A_272 : i32 to index
        %get3A_1085 = arith.constant 928 : index
        %get3A_1086 = tpu.vector_load %arg6[%get3A_1083, %get3A_1084, %get3A_1085] {strides = array<i32>} : memref<7x8x2048xf32, #tpu.memory_space<vmem>>, vector<1x1x16xf32>,
        %get3A_1087 = vector.shape_cast %get3A_1086 : vector<1x1x16xf32> to vector<16xf32>
        %mul3A_1088 = arith.constant 45.2548332 : f32
        %mul3A_1089 = vector.broadcast %mul3A_1088 : f32 to vector<16xf32>
        %mul3A_1090 = arith.mulf %get3A_1087, %mul3A_1089 : vector<16xf32>
        %swap3A_1091 = arith.index_cast %rem3A_224 : i32 to index
        %swap3A_1092 = arith.index_cast %scan3A_272 : i32 to index
        %swap3A_1093 = arith.constant 928 : index
        %swap3A_1094 = tpu.vector_load %arg6[%swap3A_1091, %swap3A_1092, %swap3A_1093] {strides = array<i32>} : memref<7x8x2048xf32, #tpu.memory_space<vmem>>, vector<1x1x16xf32>,
        %swap3A_1095 = vector.shape_cast %swap3A_1094 : vector<1x1x16xf32> to vector<16xf32>
        %swap3A_1096 = vector.shape_cast %mul3A_1090 : vector<16xf32> to vector<1x1x16xf32>
        tpu.vector_store %arg6[%swap3A_1091, %swap3A_1092, %swap3A_1093], %swap3A_1096 {strides = array<i32>} : memref<7x8x2048xf32, #tpu.memory_space<vmem>>, vector<1x1x16xf32>,
        %get3A_1097 = arith.index_cast %rem3A_224 : i32 to index
        %get3A_1098 = arith.index_cast %scan3A_272 : i32 to index
        %get3A_1099 = arith.constant 944 : index
        %get3A_1100 = tpu.vector_load %arg6[%get3A_1097, %get3A_1098, %get3A_1099] {strides = array<i32>} : memref<7x8x2048xf32, #tpu.memory_space<vmem>>, vector<1x1x16xf32>,
        %get3A_1101 = vector.shape_cast %get3A_1100 : vector<1x1x16xf32> to vector<16xf32>
        %mul3A_1102 = arith.constant 45.2548332 : f32
        %mul3A_1103 = vector.broadcast %mul3A_1102 : f32 to vector<16xf32>
        %mul3A_1104 = arith.mulf %get3A_1101, %mul3A_1103 : vector<16xf32>
        %swap3A_1105 = arith.index_cast %rem3A_224 : i32 to index
        %swap3A_1106 = arith.index_cast %scan3A_272 : i32 to index
        %swap3A_1107 = arith.constant 944 : index
        %swap3A_1108 = tpu.vector_load %arg6[%swap3A_1105, %swap3A_1106, %swap3A_1107] {strides = array<i32>} : memref<7x8x2048xf32, #tpu.memory_space<vmem>>, vector<1x1x16xf32>,
        %swap3A_1109 = vector.shape_cast %swap3A_1108 : vector<1x1x16xf32> to vector<16xf32>
        %swap3A_1110 = vector.shape_cast %mul3A_1104 : vector<16xf32> to vector<1x1x16xf32>
        tpu.vector_store %arg6[%swap3A_1105, %swap3A_1106, %swap3A_1107], %swap3A_1110 {strides = array<i32>} : memref<7x8x2048xf32, #tpu.memory_space<vmem>>, vector<1x1x16xf32>,
        %get3A_1111 = arith.index_cast %rem3A_224 : i32 to index
        %get3A_1112 = arith.index_cast %scan3A_272 : i32 to index
        %get3A_1113 = arith.constant 960 : index
        %get3A_1114 = tpu.vector_load %arg6[%get3A_1111, %get3A_1112, %get3A_1113] {strides = array<i32>} : memref<7x8x2048xf32, #tpu.memory_space<vmem>>, vector<1x1x16xf32>,
        %get3A_1115 = vector.shape_cast %get3A_1114 : vector<1x1x16xf32> to vector<16xf32>
        %mul3A_1116 = arith.constant 45.2548332 : f32
        %mul3A_1117 = vector.broadcast %mul3A_1116 : f32 to vector<16xf32>
        %mul3A_1118 = arith.mulf %get3A_1115, %mul3A_1117 : vector<16xf32>
        %swap3A_1119 = arith.index_cast %rem3A_224 : i32 to index
        %swap3A_1120 = arith.index_cast %scan3A_272 : i32 to index
        %swap3A_1121 = arith.constant 960 : index
        %swap3A_1122 = tpu.vector_load %arg6[%swap3A_1119, %swap3A_1120, %swap3A_1121] {strides = array<i32>} : memref<7x8x2048xf32, #tpu.memory_space<vmem>>, vector<1x1x16xf32>,
        %swap3A_1123 = vector.shape_cast %swap3A_1122 : vector<1x1x16xf32> to vector<16xf32>
        %swap3A_1124 = vector.shape_cast %mul3A_1118 : vector<16xf32> to vector<1x1x16xf32>
        tpu.vector_store %arg6[%swap3A_1119, %swap3A_1120, %swap3A_1121], %swap3A_1124 {strides = array<i32>} : memref<7x8x2048xf32, #tpu.memory_space<vmem>>, vector<1x1x16xf32>,
        %get3A_1125 = arith.index_cast %rem3A_224 : i32 to index
        %get3A_1126 = arith.index_cast %scan3A_272 : i32 to index
        %get3A_1127 = arith.constant 976 : index
        %get3A_1128 = tpu.vector_load %arg6[%get3A_1125, %get3A_1126, %get3A_1127] {strides = array<i32>} : memref<7x8x2048xf32, #tpu.memory_space<vmem>>, vector<1x1x16xf32>,
        %get3A_1129 = vector.shape_cast %get3A_1128 : vector<1x1x16xf32> to vector<16xf32>
        %mul3A_1130 = arith.constant 45.2548332 : f32
        %mul3A_1131 = vector.broadcast %mul3A_1130 : f32 to vector<16xf32>
        %mul3A_1132 = arith.mulf %get3A_1129, %mul3A_1131 : vector<16xf32>
        %swap3A_1133 = arith.index_cast %rem3A_224 : i32 to index
        %swap3A_1134 = arith.index_cast %scan3A_272 : i32 to index
        %swap3A_1135 = arith.constant 976 : index
        %swap3A_1136 = tpu.vector_load %arg6[%swap3A_1133, %swap3A_1134, %swap3A_1135] {strides = array<i32>} : memref<7x8x2048xf32, #tpu.memory_space<vmem>>, vector<1x1x16xf32>,
        %swap3A_1137 = vector.shape_cast %swap3A_1136 : vector<1x1x16xf32> to vector<16xf32>
        %swap3A_1138 = vector.shape_cast %mul3A_1132 : vector<16xf32> to vector<1x1x16xf32>
        tpu.vector_store %arg6[%swap3A_1133, %swap3A_1134, %swap3A_1135], %swap3A_1138 {strides = array<i32>} : memref<7x8x2048xf32, #tpu.memory_space<vmem>>, vector<1x1x16xf32>,
        %get3A_1139 = arith.index_cast %rem3A_224 : i32 to index
        %get3A_1140 = arith.index_cast %scan3A_272 : i32 to index
        %get3A_1141 = arith.constant 992 : index
        %get3A_1142 = tpu.vector_load %arg6[%get3A_1139, %get3A_1140, %get3A_1141] {strides = array<i32>} : memref<7x8x2048xf32, #tpu.memory_space<vmem>>, vector<1x1x16xf32>,
        %get3A_1143 = vector.shape_cast %get3A_1142 : vector<1x1x16xf32> to vector<16xf32>
        %mul3A_1144 = arith.constant 45.2548332 : f32
        %mul3A_1145 = vector.broadcast %mul3A_1144 : f32 to vector<16xf32>
        %mul3A_1146 = arith.mulf %get3A_1143, %mul3A_1145 : vector<16xf32>
        %swap3A_1147 = arith.index_cast %rem3A_224 : i32 to index
        %swap3A_1148 = arith.index_cast %scan3A_272 : i32 to index
        %swap3A_1149 = arith.constant 992 : index
        %swap3A_1150 = tpu.vector_load %arg6[%swap3A_1147, %swap3A_1148, %swap3A_1149] {strides = array<i32>} : memref<7x8x2048xf32, #tpu.memory_space<vmem>>, vector<1x1x16xf32>,
        %swap3A_1151 = vector.shape_cast %swap3A_1150 : vector<1x1x16xf32> to vector<16xf32>
        %swap3A_1152 = vector.shape_cast %mul3A_1146 : vector<16xf32> to vector<1x1x16xf32>
        tpu.vector_store %arg6[%swap3A_1147, %swap3A_1148, %swap3A_1149], %swap3A_1152 {strides = array<i32>} : memref<7x8x2048xf32, #tpu.memory_space<vmem>>, vector<1x1x16xf32>,
        %get3A_1153 = arith.index_cast %rem3A_224 : i32 to index
        %get3A_1154 = arith.index_cast %scan3A_272 : i32 to index
        %get3A_1155 = arith.constant 1008 : index
        %get3A_1156 = tpu.vector_load %arg6[%get3A_1153, %get3A_1154, %get3A_1155] {strides = array<i32>} : memref<7x8x2048xf32, #tpu.memory_space<vmem>>, vector<1x1x16xf32>,
        %get3A_1157 = vector.shape_cast %get3A_1156 : vector<1x1x16xf32> to vector<16xf32>
        %mul3A_1158 = arith.constant 45.2548332 : f32
        %mul3A_1159 = vector.broadcast %mul3A_1158 : f32 to vector<16xf32>
        %mul3A_1160 = arith.mulf %get3A_1157, %mul3A_1159 : vector<16xf32>
        %swap3A_1161 = arith.index_cast %rem3A_224 : i32 to index
        %swap3A_1162 = arith.index_cast %scan3A_272 : i32 to index
        %swap3A_1163 = arith.constant 1008 : index
        %swap3A_1164 = tpu.vector_load %arg6[%swap3A_1161, %swap3A_1162, %swap3A_1163] {strides = array<i32>} : memref<7x8x2048xf32, #tpu.memory_space<vmem>>, vector<1x1x16xf32>,
        %swap3A_1165 = vector.shape_cast %swap3A_1164 : vector<1x1x16xf32> to vector<16xf32>
        %swap3A_1166 = vector.shape_cast %mul3A_1160 : vector<16xf32> to vector<1x1x16xf32>
        tpu.vector_store %arg6[%swap3A_1161, %swap3A_1162, %swap3A_1163], %swap3A_1166 {strides = array<i32>} : memref<7x8x2048xf32, #tpu.memory_space<vmem>>, vector<1x1x16xf32>,
        %get3A_1167 = arith.index_cast %rem3A_224 : i32 to index
        %get3A_1168 = arith.index_cast %scan3A_272 : i32 to index
        %get3A_1169 = arith.constant 1024 : index
        %get3A_1170 = tpu.vector_load %arg6[%get3A_1167, %get3A_1168, %get3A_1169] {strides = array<i32>} : memref<7x8x2048xf32, #tpu.memory_space<vmem>>, vector<1x1x16xf32>,
        %get3A_1171 = vector.shape_cast %get3A_1170 : vector<1x1x16xf32> to vector<16xf32>
        %mul3A_1172 = arith.constant 45.2548332 : f32
        %mul3A_1173 = vector.broadcast %mul3A_1172 : f32 to vector<16xf32>
        %mul3A_1174 = arith.mulf %get3A_1171, %mul3A_1173 : vector<16xf32>
        %swap3A_1175 = arith.index_cast %rem3A_224 : i32 to index
        %swap3A_1176 = arith.index_cast %scan3A_272 : i32 to index
        %swap3A_1177 = arith.constant 1024 : index
        %swap3A_1178 = tpu.vector_load %arg6[%swap3A_1175, %swap3A_1176, %swap3A_1177] {strides = array<i32>} : memref<7x8x2048xf32, #tpu.memory_space<vmem>>, vector<1x1x16xf32>,
        %swap3A_1179 = vector.shape_cast %swap3A_1178 : vector<1x1x16xf32> to vector<16xf32>
        %swap3A_1180 = vector.shape_cast %mul3A_1174 : vector<16xf32> to vector<1x1x16xf32>
        tpu.vector_store %arg6[%swap3A_1175, %swap3A_1176, %swap3A_1177], %swap3A_1180 {strides = array<i32>} : memref<7x8x2048xf32, #tpu.memory_space<vmem>>, vector<1x1x16xf32>,
        %get3A_1181 = arith.index_cast %rem3A_224 : i32 to index
        %get3A_1182 = arith.index_cast %scan3A_272 : i32 to index
        %get3A_1183 = arith.constant 1040 : index
        %get3A_1184 = tpu.vector_load %arg6[%get3A_1181, %get3A_1182, %get3A_1183] {strides = array<i32>} : memref<7x8x2048xf32, #tpu.memory_space<vmem>>, vector<1x1x16xf32>,
        %get3A_1185 = vector.shape_cast %get3A_1184 : vector<1x1x16xf32> to vector<16xf32>
        %mul3A_1186 = arith.constant 45.2548332 : f32
        %mul3A_1187 = vector.broadcast %mul3A_1186 : f32 to vector<16xf32>
        %mul3A_1188 = arith.mulf %get3A_1185, %mul3A_1187 : vector<16xf32>
        %swap3A_1189 = arith.index_cast %rem3A_224 : i32 to index
        %swap3A_1190 = arith.index_cast %scan3A_272 : i32 to index
        %swap3A_1191 = arith.constant 1040 : index
        %swap3A_1192 = tpu.vector_load %arg6[%swap3A_1189, %swap3A_1190, %swap3A_1191] {strides = array<i32>} : memref<7x8x2048xf32, #tpu.memory_space<vmem>>, vector<1x1x16xf32>,
        %swap3A_1193 = vector.shape_cast %swap3A_1192 : vector<1x1x16xf32> to vector<16xf32>
        %swap3A_1194 = vector.shape_cast %mul3A_1188 : vector<16xf32> to vector<1x1x16xf32>
        tpu.vector_store %arg6[%swap3A_1189, %swap3A_1190, %swap3A_1191], %swap3A_1194 {strides = array<i32>} : memref<7x8x2048xf32, #tpu.memory_space<vmem>>, vector<1x1x16xf32>,
        %get3A_1195 = arith.index_cast %rem3A_224 : i32 to index
        %get3A_1196 = arith.index_cast %scan3A_272 : i32 to index
        %get3A_1197 = arith.constant 1056 : index
        %get3A_1198 = tpu.vector_load %arg6[%get3A_1195, %get3A_1196, %get3A_1197] {strides = array<i32>} : memref<7x8x2048xf32, #tpu.memory_space<vmem>>, vector<1x1x16xf32>,
        %get3A_1199 = vector.shape_cast %get3A_1198 : vector<1x1x16xf32> to vector<16xf32>
        %mul3A_1200 = arith.constant 45.2548332 : f32
        %mul3A_1201 = vector.broadcast %mul3A_1200 : f32 to vector<16xf32>
        %mul3A_1202 = arith.mulf %get3A_1199, %mul3A_1201 : vector<16xf32>
        %swap3A_1203 = arith.index_cast %rem3A_224 : i32 to index
        %swap3A_1204 = arith.index_cast %scan3A_272 : i32 to index
        %swap3A_1205 = arith.constant 1056 : index
        %swap3A_1206 = tpu.vector_load %arg6[%swap3A_1203, %swap3A_1204, %swap3A_1205] {strides = array<i32>} : memref<7x8x2048xf32, #tpu.memory_space<vmem>>, vector<1x1x16xf32>,
        %swap3A_1207 = vector.shape_cast %swap3A_1206 : vector<1x1x16xf32> to vector<16xf32>
        %swap3A_1208 = vector.shape_cast %mul3A_1202 : vector<16xf32> to vector<1x1x16xf32>
        tpu.vector_store %arg6[%swap3A_1203, %swap3A_1204, %swap3A_1205], %swap3A_1208 {strides = array<i32>} : memref<7x8x2048xf32, #tpu.memory_space<vmem>>, vector<1x1x16xf32>,
        %get3A_1209 = arith.index_cast %rem3A_224 : i32 to index
        %get3A_1210 = arith.index_cast %scan3A_272 : i32 to index
        %get3A_1211 = arith.constant 1072 : index
        %get3A_1212 = tpu.vector_load %arg6[%get3A_1209, %get3A_1210, %get3A_1211] {strides = array<i32>} : memref<7x8x2048xf32, #tpu.memory_space<vmem>>, vector<1x1x16xf32>,
        %get3A_1213 = vector.shape_cast %get3A_1212 : vector<1x1x16xf32> to vector<16xf32>
        %mul3A_1214 = arith.constant 45.2548332 : f32
        %mul3A_1215 = vector.broadcast %mul3A_1214 : f32 to vector<16xf32>
        %mul3A_1216 = arith.mulf %get3A_1213, %mul3A_1215 : vector<16xf32>
        %swap3A_1217 = arith.index_cast %rem3A_224 : i32 to index
        %swap3A_1218 = arith.index_cast %scan3A_272 : i32 to index
        %swap3A_1219 = arith.constant 1072 : index
        %swap3A_1220 = tpu.vector_load %arg6[%swap3A_1217, %swap3A_1218, %swap3A_1219] {strides = array<i32>} : memref<7x8x2048xf32, #tpu.memory_space<vmem>>, vector<1x1x16xf32>,
        %swap3A_1221 = vector.shape_cast %swap3A_1220 : vector<1x1x16xf32> to vector<16xf32>
        %swap3A_1222 = vector.shape_cast %mul3A_1216 : vector<16xf32> to vector<1x1x16xf32>
        tpu.vector_store %arg6[%swap3A_1217, %swap3A_1218, %swap3A_1219], %swap3A_1222 {strides = array<i32>} : memref<7x8x2048xf32, #tpu.memory_space<vmem>>, vector<1x1x16xf32>,
        %get3A_1223 = arith.index_cast %rem3A_224 : i32 to index
        %get3A_1224 = arith.index_cast %scan3A_272 : i32 to index
        %get3A_1225 = arith.constant 1088 : index
        %get3A_1226 = tpu.vector_load %arg6[%get3A_1223, %get3A_1224, %get3A_1225] {strides = array<i32>} : memref<7x8x2048xf32, #tpu.memory_space<vmem>>, vector<1x1x16xf32>,
        %get3A_1227 = vector.shape_cast %get3A_1226 : vector<1x1x16xf32> to vector<16xf32>
        %mul3A_1228 = arith.constant 45.2548332 : f32
        %mul3A_1229 = vector.broadcast %mul3A_1228 : f32 to vector<16xf32>
        %mul3A_1230 = arith.mulf %get3A_1227, %mul3A_1229 : vector<16xf32>
        %swap3A_1231 = arith.index_cast %rem3A_224 : i32 to index
        %swap3A_1232 = arith.index_cast %scan3A_272 : i32 to index
        %swap3A_1233 = arith.constant 1088 : index
        %swap3A_1234 = tpu.vector_load %arg6[%swap3A_1231, %swap3A_1232, %swap3A_1233] {strides = array<i32>} : memref<7x8x2048xf32, #tpu.memory_space<vmem>>, vector<1x1x16xf32>,
        %swap3A_1235 = vector.shape_cast %swap3A_1234 : vector<1x1x16xf32> to vector<16xf32>
        %swap3A_1236 = vector.shape_cast %mul3A_1230 : vector<16xf32> to vector<1x1x16xf32>
        tpu.vector_store %arg6[%swap3A_1231, %swap3A_1232, %swap3A_1233], %swap3A_1236 {strides = array<i32>} : memref<7x8x2048xf32, #tpu.memory_space<vmem>>, vector<1x1x16xf32>,
        %get3A_1237 = arith.index_cast %rem3A_224 : i32 to index
        %get3A_1238 = arith.index_cast %scan3A_272 : i32 to index
        %get3A_1239 = arith.constant 1104 : index
        %get3A_1240 = tpu.vector_load %arg6[%get3A_1237, %get3A_1238, %get3A_1239] {strides = array<i32>} : memref<7x8x2048xf32, #tpu.memory_space<vmem>>, vector<1x1x16xf32>,
        %get3A_1241 = vector.shape_cast %get3A_1240 : vector<1x1x16xf32> to vector<16xf32>
        %mul3A_1242 = arith.constant 45.2548332 : f32
        %mul3A_1243 = vector.broadcast %mul3A_1242 : f32 to vector<16xf32>
        %mul3A_1244 = arith.mulf %get3A_1241, %mul3A_1243 : vector<16xf32>
        %swap3A_1245 = arith.index_cast %rem3A_224 : i32 to index
        %swap3A_1246 = arith.index_cast %scan3A_272 : i32 to index
        %swap3A_1247 = arith.constant 1104 : index
        %swap3A_1248 = tpu.vector_load %arg6[%swap3A_1245, %swap3A_1246, %swap3A_1247] {strides = array<i32>} : memref<7x8x2048xf32, #tpu.memory_space<vmem>>, vector<1x1x16xf32>,
        %swap3A_1249 = vector.shape_cast %swap3A_1248 : vector<1x1x16xf32> to vector<16xf32>
        %swap3A_1250 = vector.shape_cast %mul3A_1244 : vector<16xf32> to vector<1x1x16xf32>
        tpu.vector_store %arg6[%swap3A_1245, %swap3A_1246, %swap3A_1247], %swap3A_1250 {strides = array<i32>} : memref<7x8x2048xf32, #tpu.memory_space<vmem>>, vector<1x1x16xf32>,
        %get3A_1251 = arith.index_cast %rem3A_224 : i32 to index
        %get3A_1252 = arith.index_cast %scan3A_272 : i32 to index
        %get3A_1253 = arith.constant 1120 : index
        %get3A_1254 = tpu.vector_load %arg6[%get3A_1251, %get3A_1252, %get3A_1253] {strides = array<i32>} : memref<7x8x2048xf32, #tpu.memory_space<vmem>>, vector<1x1x16xf32>,
        %get3A_1255 = vector.shape_cast %get3A_1254 : vector<1x1x16xf32> to vector<16xf32>
        %mul3A_1256 = arith.constant 45.2548332 : f32
        %mul3A_1257 = vector.broadcast %mul3A_1256 : f32 to vector<16xf32>
        %mul3A_1258 = arith.mulf %get3A_1255, %mul3A_1257 : vector<16xf32>
        %swap3A_1259 = arith.index_cast %rem3A_224 : i32 to index
        %swap3A_1260 = arith.index_cast %scan3A_272 : i32 to index
        %swap3A_1261 = arith.constant 1120 : index
        %swap3A_1262 = tpu.vector_load %arg6[%swap3A_1259, %swap3A_1260, %swap3A_1261] {strides = array<i32>} : memref<7x8x2048xf32, #tpu.memory_space<vmem>>, vector<1x1x16xf32>,
        %swap3A_1263 = vector.shape_cast %swap3A_1262 : vector<1x1x16xf32> to vector<16xf32>
        %swap3A_1264 = vector.shape_cast %mul3A_1258 : vector<16xf32> to vector<1x1x16xf32>
        tpu.vector_store %arg6[%swap3A_1259, %swap3A_1260, %swap3A_1261], %swap3A_1264 {strides = array<i32>} : memref<7x8x2048xf32, #tpu.memory_space<vmem>>, vector<1x1x16xf32>,
        %get3A_1265 = arith.index_cast %rem3A_224 : i32 to index
        %get3A_1266 = arith.index_cast %scan3A_272 : i32 to index
        %get3A_1267 = arith.constant 1136 : index
        %get3A_1268 = tpu.vector_load %arg6[%get3A_1265, %get3A_1266, %get3A_1267] {strides = array<i32>} : memref<7x8x2048xf32, #tpu.memory_space<vmem>>, vector<1x1x16xf32>,
        %get3A_1269 = vector.shape_cast %get3A_1268 : vector<1x1x16xf32> to vector<16xf32>
        %mul3A_1270 = arith.constant 45.2548332 : f32
        %mul3A_1271 = vector.broadcast %mul3A_1270 : f32 to vector<16xf32>
        %mul3A_1272 = arith.mulf %get3A_1269, %mul3A_1271 : vector<16xf32>
        %swap3A_1273 = arith.index_cast %rem3A_224 : i32 to index
        %swap3A_1274 = arith.index_cast %scan3A_272 : i32 to index
        %swap3A_1275 = arith.constant 1136 : index
        %swap3A_1276 = tpu.vector_load %arg6[%swap3A_1273, %swap3A_1274, %swap3A_1275] {strides = array<i32>} : memref<7x8x2048xf32, #tpu.memory_space<vmem>>, vector<1x1x16xf32>,
        %swap3A_1277 = vector.shape_cast %swap3A_1276 : vector<1x1x16xf32> to vector<16xf32>
        %swap3A_1278 = vector.shape_cast %mul3A_1272 : vector<16xf32> to vector<1x1x16xf32>
        tpu.vector_store %arg6[%swap3A_1273, %swap3A_1274, %swap3A_1275], %swap3A_1278 {strides = array<i32>} : memref<7x8x2048xf32, #tpu.memory_space<vmem>>, vector<1x1x16xf32>,
        %get3A_1279 = arith.index_cast %rem3A_224 : i32 to index
        %get3A_1280 = arith.index_cast %scan3A_272 : i32 to index
        %get3A_1281 = arith.constant 1152 : index
        %get3A_1282 = tpu.vector_load %arg6[%get3A_1279, %get3A_1280, %get3A_1281] {strides = array<i32>} : memref<7x8x2048xf32, #tpu.memory_space<vmem>>, vector<1x1x16xf32>,
        %get3A_1283 = vector.shape_cast %get3A_1282 : vector<1x1x16xf32> to vector<16xf32>
        %mul3A_1284 = arith.constant 45.2548332 : f32
        %mul3A_1285 = vector.broadcast %mul3A_1284 : f32 to vector<16xf32>
        %mul3A_1286 = arith.mulf %get3A_1283, %mul3A_1285 : vector<16xf32>
        %swap3A_1287 = arith.index_cast %rem3A_224 : i32 to index
        %swap3A_1288 = arith.index_cast %scan3A_272 : i32 to index
        %swap3A_1289 = arith.constant 1152 : index
        %swap3A_1290 = tpu.vector_load %arg6[%swap3A_1287, %swap3A_1288, %swap3A_1289] {strides = array<i32>} : memref<7x8x2048xf32, #tpu.memory_space<vmem>>, vector<1x1x16xf32>,
        %swap3A_1291 = vector.shape_cast %swap3A_1290 : vector<1x1x16xf32> to vector<16xf32>
        %swap3A_1292 = vector.shape_cast %mul3A_1286 : vector<16xf32> to vector<1x1x16xf32>
        tpu.vector_store %arg6[%swap3A_1287, %swap3A_1288, %swap3A_1289], %swap3A_1292 {strides = array<i32>} : memref<7x8x2048xf32, #tpu.memory_space<vmem>>, vector<1x1x16xf32>,
        %get3A_1293 = arith.index_cast %rem3A_224 : i32 to index
        %get3A_1294 = arith.index_cast %scan3A_272 : i32 to index
        %get3A_1295 = arith.constant 1168 : index
        %get3A_1296 = tpu.vector_load %arg6[%get3A_1293, %get3A_1294, %get3A_1295] {strides = array<i32>} : memref<7x8x2048xf32, #tpu.memory_space<vmem>>, vector<1x1x16xf32>,
        %get3A_1297 = vector.shape_cast %get3A_1296 : vector<1x1x16xf32> to vector<16xf32>
        %mul3A_1298 = arith.constant 45.2548332 : f32
        %mul3A_1299 = vector.broadcast %mul3A_1298 : f32 to vector<16xf32>
        %mul3A_1300 = arith.mulf %get3A_1297, %mul3A_1299 : vector<16xf32>
        %swap3A_1301 = arith.index_cast %rem3A_224 : i32 to index
        %swap3A_1302 = arith.index_cast %scan3A_272 : i32 to index
        %swap3A_1303 = arith.constant 1168 : index
        %swap3A_1304 = tpu.vector_load %arg6[%swap3A_1301, %swap3A_1302, %swap3A_1303] {strides = array<i32>} : memref<7x8x2048xf32, #tpu.memory_space<vmem>>, vector<1x1x16xf32>,
        %swap3A_1305 = vector.shape_cast %swap3A_1304 : vector<1x1x16xf32> to vector<16xf32>
        %swap3A_1306 = vector.shape_cast %mul3A_1300 : vector<16xf32> to vector<1x1x16xf32>
        tpu.vector_store %arg6[%swap3A_1301, %swap3A_1302, %swap3A_1303], %swap3A_1306 {strides = array<i32>} : memref<7x8x2048xf32, #tpu.memory_space<vmem>>, vector<1x1x16xf32>,
        %get3A_1307 = arith.index_cast %rem3A_224 : i32 to index
        %get3A_1308 = arith.index_cast %scan3A_272 : i32 to index
        %get3A_1309 = arith.constant 1184 : index
        %get3A_1310 = tpu.vector_load %arg6[%get3A_1307, %get3A_1308, %get3A_1309] {strides = array<i32>} : memref<7x8x2048xf32, #tpu.memory_space<vmem>>, vector<1x1x16xf32>,
        %get3A_1311 = vector.shape_cast %get3A_1310 : vector<1x1x16xf32> to vector<16xf32>
        %mul3A_1312 = arith.constant 45.2548332 : f32
        %mul3A_1313 = vector.broadcast %mul3A_1312 : f32 to vector<16xf32>
        %mul3A_1314 = arith.mulf %get3A_1311, %mul3A_1313 : vector<16xf32>
        %swap3A_1315 = arith.index_cast %rem3A_224 : i32 to index
        %swap3A_1316 = arith.index_cast %scan3A_272 : i32 to index
        %swap3A_1317 = arith.constant 1184 : index
        %swap3A_1318 = tpu.vector_load %arg6[%swap3A_1315, %swap3A_1316, %swap3A_1317] {strides = array<i32>} : memref<7x8x2048xf32, #tpu.memory_space<vmem>>, vector<1x1x16xf32>,
        %swap3A_1319 = vector.shape_cast %swap3A_1318 : vector<1x1x16xf32> to vector<16xf32>
        %swap3A_1320 = vector.shape_cast %mul3A_1314 : vector<16xf32> to vector<1x1x16xf32>
        tpu.vector_store %arg6[%swap3A_1315, %swap3A_1316, %swap3A_1317], %swap3A_1320 {strides = array<i32>} : memref<7x8x2048xf32, #tpu.memory_space<vmem>>, vector<1x1x16xf32>,
        %get3A_1321 = arith.index_cast %rem3A_224 : i32 to index
        %get3A_1322 = arith.index_cast %scan3A_272 : i32 to index
        %get3A_1323 = arith.constant 1200 : index
        %get3A_1324 = tpu.vector_load %arg6[%get3A_1321, %get3A_1322, %get3A_1323] {strides = array<i32>} : memref<7x8x2048xf32, #tpu.memory_space<vmem>>, vector<1x1x16xf32>,
        %get3A_1325 = vector.shape_cast %get3A_1324 : vector<1x1x16xf32> to vector<16xf32>
        %mul3A_1326 = arith.constant 45.2548332 : f32
        %mul3A_1327 = vector.broadcast %mul3A_1326 : f32 to vector<16xf32>
        %mul3A_1328 = arith.mulf %get3A_1325, %mul3A_1327 : vector<16xf32>
        %swap3A_1329 = arith.index_cast %rem3A_224 : i32 to index
        %swap3A_1330 = arith.index_cast %scan3A_272 : i32 to index
        %swap3A_1331 = arith.constant 1200 : index
        %swap3A_1332 = tpu.vector_load %arg6[%swap3A_1329, %swap3A_1330, %swap3A_1331] {strides = array<i32>} : memref<7x8x2048xf32, #tpu.memory_space<vmem>>, vector<1x1x16xf32>,
        %swap3A_1333 = vector.shape_cast %swap3A_1332 : vector<1x1x16xf32> to vector<16xf32>
        %swap3A_1334 = vector.shape_cast %mul3A_1328 : vector<16xf32> to vector<1x1x16xf32>
        tpu.vector_store %arg6[%swap3A_1329, %swap3A_1330, %swap3A_1331], %swap3A_1334 {strides = array<i32>} : memref<7x8x2048xf32, #tpu.memory_space<vmem>>, vector<1x1x16xf32>,
        %get3A_1335 = arith.index_cast %rem3A_224 : i32 to index
        %get3A_1336 = arith.index_cast %scan3A_272 : i32 to index
        %get3A_1337 = arith.constant 1216 : index
        %get3A_1338 = tpu.vector_load %arg6[%get3A_1335, %get3A_1336, %get3A_1337] {strides = array<i32>} : memref<7x8x2048xf32, #tpu.memory_space<vmem>>, vector<1x1x16xf32>,
        %get3A_1339 = vector.shape_cast %get3A_1338 : vector<1x1x16xf32> to vector<16xf32>
        %mul3A_1340 = arith.constant 45.2548332 : f32
        %mul3A_1341 = vector.broadcast %mul3A_1340 : f32 to vector<16xf32>
        %mul3A_1342 = arith.mulf %get3A_1339, %mul3A_1341 : vector<16xf32>
        %swap3A_1343 = arith.index_cast %rem3A_224 : i32 to index
        %swap3A_1344 = arith.index_cast %scan3A_272 : i32 to index
        %swap3A_1345 = arith.constant 1216 : index
        %swap3A_1346 = tpu.vector_load %arg6[%swap3A_1343, %swap3A_1344, %swap3A_1345] {strides = array<i32>} : memref<7x8x2048xf32, #tpu.memory_space<vmem>>, vector<1x1x16xf32>,
        %swap3A_1347 = vector.shape_cast %swap3A_1346 : vector<1x1x16xf32> to vector<16xf32>
        %swap3A_1348 = vector.shape_cast %mul3A_1342 : vector<16xf32> to vector<1x1x16xf32>
        tpu.vector_store %arg6[%swap3A_1343, %swap3A_1344, %swap3A_1345], %swap3A_1348 {strides = array<i32>} : memref<7x8x2048xf32, #tpu.memory_space<vmem>>, vector<1x1x16xf32>,
        %get3A_1349 = arith.index_cast %rem3A_224 : i32 to index
        %get3A_1350 = arith.index_cast %scan3A_272 : i32 to index
        %get3A_1351 = arith.constant 1232 : index
        %get3A_1352 = tpu.vector_load %arg6[%get3A_1349, %get3A_1350, %get3A_1351] {strides = array<i32>} : memref<7x8x2048xf32, #tpu.memory_space<vmem>>, vector<1x1x16xf32>,
        %get3A_1353 = vector.shape_cast %get3A_1352 : vector<1x1x16xf32> to vector<16xf32>
        %mul3A_1354 = arith.constant 45.2548332 : f32
        %mul3A_1355 = vector.broadcast %mul3A_1354 : f32 to vector<16xf32>
        %mul3A_1356 = arith.mulf %get3A_1353, %mul3A_1355 : vector<16xf32>
        %swap3A_1357 = arith.index_cast %rem3A_224 : i32 to index
        %swap3A_1358 = arith.index_cast %scan3A_272 : i32 to index
        %swap3A_1359 = arith.constant 1232 : index
        %swap3A_1360 = tpu.vector_load %arg6[%swap3A_1357, %swap3A_1358, %swap3A_1359] {strides = array<i32>} : memref<7x8x2048xf32, #tpu.memory_space<vmem>>, vector<1x1x16xf32>,
        %swap3A_1361 = vector.shape_cast %swap3A_1360 : vector<1x1x16xf32> to vector<16xf32>
        %swap3A_1362 = vector.shape_cast %mul3A_1356 : vector<16xf32> to vector<1x1x16xf32>
        tpu.vector_store %arg6[%swap3A_1357, %swap3A_1358, %swap3A_1359], %swap3A_1362 {strides = array<i32>} : memref<7x8x2048xf32, #tpu.memory_space<vmem>>, vector<1x1x16xf32>,
        %get3A_1363 = arith.index_cast %rem3A_224 : i32 to index
        %get3A_1364 = arith.index_cast %scan3A_272 : i32 to index
        %get3A_1365 = arith.constant 1248 : index
        %get3A_1366 = tpu.vector_load %arg6[%get3A_1363, %get3A_1364, %get3A_1365] {strides = array<i32>} : memref<7x8x2048xf32, #tpu.memory_space<vmem>>, vector<1x1x16xf32>,
        %get3A_1367 = vector.shape_cast %get3A_1366 : vector<1x1x16xf32> to vector<16xf32>
        %mul3A_1368 = arith.constant 45.2548332 : f32
        %mul3A_1369 = vector.broadcast %mul3A_1368 : f32 to vector<16xf32>
        %mul3A_1370 = arith.mulf %get3A_1367, %mul3A_1369 : vector<16xf32>
        %swap3A_1371 = arith.index_cast %rem3A_224 : i32 to index
        %swap3A_1372 = arith.index_cast %scan3A_272 : i32 to index
        %swap3A_1373 = arith.constant 1248 : index
        %swap3A_1374 = tpu.vector_load %arg6[%swap3A_1371, %swap3A_1372, %swap3A_1373] {strides = array<i32>} : memref<7x8x2048xf32, #tpu.memory_space<vmem>>, vector<1x1x16xf32>,
        %swap3A_1375 = vector.shape_cast %swap3A_1374 : vector<1x1x16xf32> to vector<16xf32>
        %swap3A_1376 = vector.shape_cast %mul3A_1370 : vector<16xf32> to vector<1x1x16xf32>
        tpu.vector_store %arg6[%swap3A_1371, %swap3A_1372, %swap3A_1373], %swap3A_1376 {strides = array<i32>} : memref<7x8x2048xf32, #tpu.memory_space<vmem>>, vector<1x1x16xf32>,
        %get3A_1377 = arith.index_cast %rem3A_224 : i32 to index
        %get3A_1378 = arith.index_cast %scan3A_272 : i32 to index
        %get3A_1379 = arith.constant 1264 : index
        %get3A_1380 = tpu.vector_load %arg6[%get3A_1377, %get3A_1378, %get3A_1379] {strides = array<i32>} : memref<7x8x2048xf32, #tpu.memory_space<vmem>>, vector<1x1x16xf32>,
        %get3A_1381 = vector.shape_cast %get3A_1380 : vector<1x1x16xf32> to vector<16xf32>
        %mul3A_1382 = arith.constant 45.2548332 : f32
        %mul3A_1383 = vector.broadcast %mul3A_1382 : f32 to vector<16xf32>
        %mul3A_1384 = arith.mulf %get3A_1381, %mul3A_1383 : vector<16xf32>
        %swap3A_1385 = arith.index_cast %rem3A_224 : i32 to index
        %swap3A_1386 = arith.index_cast %scan3A_272 : i32 to index
        %swap3A_1387 = arith.constant 1264 : index
        %swap3A_1388 = tpu.vector_load %arg6[%swap3A_1385, %swap3A_1386, %swap3A_1387] {strides = array<i32>} : memref<7x8x2048xf32, #tpu.memory_space<vmem>>, vector<1x1x16xf32>,
        %swap3A_1389 = vector.shape_cast %swap3A_1388 : vector<1x1x16xf32> to vector<16xf32>
        %swap3A_1390 = vector.shape_cast %mul3A_1384 : vector<16xf32> to vector<1x1x16xf32>
        tpu.vector_store %arg6[%swap3A_1385, %swap3A_1386, %swap3A_1387], %swap3A_1390 {strides = array<i32>} : memref<7x8x2048xf32, #tpu.memory_space<vmem>>, vector<1x1x16xf32>,
        %get3A_1391 = arith.index_cast %rem3A_224 : i32 to index
        %get3A_1392 = arith.index_cast %scan3A_272 : i32 to index
        %get3A_1393 = arith.constant 1280 : index
        %get3A_1394 = tpu.vector_load %arg6[%get3A_1391, %get3A_1392, %get3A_1393] {strides = array<i32>} : memref<7x8x2048xf32, #tpu.memory_space<vmem>>, vector<1x1x16xf32>,
        %get3A_1395 = vector.shape_cast %get3A_1394 : vector<1x1x16xf32> to vector<16xf32>
        %mul3A_1396 = arith.constant 45.2548332 : f32
        %mul3A_1397 = vector.broadcast %mul3A_1396 : f32 to vector<16xf32>
        %mul3A_1398 = arith.mulf %get3A_1395, %mul3A_1397 : vector<16xf32>
        %swap3A_1399 = arith.index_cast %rem3A_224 : i32 to index
        %swap3A_1400 = arith.index_cast %scan3A_272 : i32 to index
        %swap3A_1401 = arith.constant 1280 : index
        %swap3A_1402 = tpu.vector_load %arg6[%swap3A_1399, %swap3A_1400, %swap3A_1401] {strides = array<i32>} : memref<7x8x2048xf32, #tpu.memory_space<vmem>>, vector<1x1x16xf32>,
        %swap3A_1403 = vector.shape_cast %swap3A_1402 : vector<1x1x16xf32> to vector<16xf32>
        %swap3A_1404 = vector.shape_cast %mul3A_1398 : vector<16xf32> to vector<1x1x16xf32>
        tpu.vector_store %arg6[%swap3A_1399, %swap3A_1400, %swap3A_1401], %swap3A_1404 {strides = array<i32>} : memref<7x8x2048xf32, #tpu.memory_space<vmem>>, vector<1x1x16xf32>,
        %get3A_1405 = arith.index_cast %rem3A_224 : i32 to index
        %get3A_1406 = arith.index_cast %scan3A_272 : i32 to index
        %get3A_1407 = arith.constant 1296 : index
        %get3A_1408 = tpu.vector_load %arg6[%get3A_1405, %get3A_1406, %get3A_1407] {strides = array<i32>} : memref<7x8x2048xf32, #tpu.memory_space<vmem>>, vector<1x1x16xf32>,
        %get3A_1409 = vector.shape_cast %get3A_1408 : vector<1x1x16xf32> to vector<16xf32>
        %mul3A_1410 = arith.constant 45.2548332 : f32
        %mul3A_1411 = vector.broadcast %mul3A_1410 : f32 to vector<16xf32>
        %mul3A_1412 = arith.mulf %get3A_1409, %mul3A_1411 : vector<16xf32>
        %swap3A_1413 = arith.index_cast %rem3A_224 : i32 to index
        %swap3A_1414 = arith.index_cast %scan3A_272 : i32 to index
        %swap3A_1415 = arith.constant 1296 : index
        %swap3A_1416 = tpu.vector_load %arg6[%swap3A_1413, %swap3A_1414, %swap3A_1415] {strides = array<i32>} : memref<7x8x2048xf32, #tpu.memory_space<vmem>>, vector<1x1x16xf32>,
        %swap3A_1417 = vector.shape_cast %swap3A_1416 : vector<1x1x16xf32> to vector<16xf32>
        %swap3A_1418 = vector.shape_cast %mul3A_1412 : vector<16xf32> to vector<1x1x16xf32>
        tpu.vector_store %arg6[%swap3A_1413, %swap3A_1414, %swap3A_1415], %swap3A_1418 {strides = array<i32>} : memref<7x8x2048xf32, #tpu.memory_space<vmem>>, vector<1x1x16xf32>,
        %get3A_1419 = arith.index_cast %rem3A_224 : i32 to index
        %get3A_1420 = arith.index_cast %scan3A_272 : i32 to index
        %get3A_1421 = arith.constant 1312 : index
        %get3A_1422 = tpu.vector_load %arg6[%get3A_1419, %get3A_1420, %get3A_1421] {strides = array<i32>} : memref<7x8x2048xf32, #tpu.memory_space<vmem>>, vector<1x1x16xf32>,
        %get3A_1423 = vector.shape_cast %get3A_1422 : vector<1x1x16xf32> to vector<16xf32>
        %mul3A_1424 = arith.constant 45.2548332 : f32
        %mul3A_1425 = vector.broadcast %mul3A_1424 : f32 to vector<16xf32>
        %mul3A_1426 = arith.mulf %get3A_1423, %mul3A_1425 : vector<16xf32>
        %swap3A_1427 = arith.index_cast %rem3A_224 : i32 to index
        %swap3A_1428 = arith.index_cast %scan3A_272 : i32 to index
        %swap3A_1429 = arith.constant 1312 : index
        %swap3A_1430 = tpu.vector_load %arg6[%swap3A_1427, %swap3A_1428, %swap3A_1429] {strides = array<i32>} : memref<7x8x2048xf32, #tpu.memory_space<vmem>>, vector<1x1x16xf32>,
        %swap3A_1431 = vector.shape_cast %swap3A_1430 : vector<1x1x16xf32> to vector<16xf32>
        %swap3A_1432 = vector.shape_cast %mul3A_1426 : vector<16xf32> to vector<1x1x16xf32>
        tpu.vector_store %arg6[%swap3A_1427, %swap3A_1428, %swap3A_1429], %swap3A_1432 {strides = array<i32>} : memref<7x8x2048xf32, #tpu.memory_space<vmem>>, vector<1x1x16xf32>,
        %get3A_1433 = arith.index_cast %rem3A_224 : i32 to index
        %get3A_1434 = arith.index_cast %scan3A_272 : i32 to index
        %get3A_1435 = arith.constant 1328 : index
        %get3A_1436 = tpu.vector_load %arg6[%get3A_1433, %get3A_1434, %get3A_1435] {strides = array<i32>} : memref<7x8x2048xf32, #tpu.memory_space<vmem>>, vector<1x1x16xf32>,
        %get3A_1437 = vector.shape_cast %get3A_1436 : vector<1x1x16xf32> to vector<16xf32>
        %mul3A_1438 = arith.constant 45.2548332 : f32
        %mul3A_1439 = vector.broadcast %mul3A_1438 : f32 to vector<16xf32>
        %mul3A_1440 = arith.mulf %get3A_1437, %mul3A_1439 : vector<16xf32>
        %swap3A_1441 = arith.index_cast %rem3A_224 : i32 to index
        %swap3A_1442 = arith.index_cast %scan3A_272 : i32 to index
        %swap3A_1443 = arith.constant 1328 : index
        %swap3A_1444 = tpu.vector_load %arg6[%swap3A_1441, %swap3A_1442, %swap3A_1443] {strides = array<i32>} : memref<7x8x2048xf32, #tpu.memory_space<vmem>>, vector<1x1x16xf32>,
        %swap3A_1445 = vector.shape_cast %swap3A_1444 : vector<1x1x16xf32> to vector<16xf32>
        %swap3A_1446 = vector.shape_cast %mul3A_1440 : vector<16xf32> to vector<1x1x16xf32>
        tpu.vector_store %arg6[%swap3A_1441, %swap3A_1442, %swap3A_1443], %swap3A_1446 {strides = array<i32>} : memref<7x8x2048xf32, #tpu.memory_space<vmem>>, vector<1x1x16xf32>,
        %get3A_1447 = arith.index_cast %rem3A_224 : i32 to index
        %get3A_1448 = arith.index_cast %scan3A_272 : i32 to index
        %get3A_1449 = arith.constant 1344 : index
        %get3A_1450 = tpu.vector_load %arg6[%get3A_1447, %get3A_1448, %get3A_1449] {strides = array<i32>} : memref<7x8x2048xf32, #tpu.memory_space<vmem>>, vector<1x1x16xf32>,
        %get3A_1451 = vector.shape_cast %get3A_1450 : vector<1x1x16xf32> to vector<16xf32>
        %mul3A_1452 = arith.constant 45.2548332 : f32
        %mul3A_1453 = vector.broadcast %mul3A_1452 : f32 to vector<16xf32>
        %mul3A_1454 = arith.mulf %get3A_1451, %mul3A_1453 : vector<16xf32>
        %swap3A_1455 = arith.index_cast %rem3A_224 : i32 to index
        %swap3A_1456 = arith.index_cast %scan3A_272 : i32 to index
        %swap3A_1457 = arith.constant 1344 : index
        %swap3A_1458 = tpu.vector_load %arg6[%swap3A_1455, %swap3A_1456, %swap3A_1457] {strides = array<i32>} : memref<7x8x2048xf32, #tpu.memory_space<vmem>>, vector<1x1x16xf32>,
        %swap3A_1459 = vector.shape_cast %swap3A_1458 : vector<1x1x16xf32> to vector<16xf32>
        %swap3A_1460 = vector.shape_cast %mul3A_1454 : vector<16xf32> to vector<1x1x16xf32>
        tpu.vector_store %arg6[%swap3A_1455, %swap3A_1456, %swap3A_1457], %swap3A_1460 {strides = array<i32>} : memref<7x8x2048xf32, #tpu.memory_space<vmem>>, vector<1x1x16xf32>,
        %get3A_1461 = arith.index_cast %rem3A_224 : i32 to index
        %get3A_1462 = arith.index_cast %scan3A_272 : i32 to index
        %get3A_1463 = arith.constant 1360 : index
        %get3A_1464 = tpu.vector_load %arg6[%get3A_1461, %get3A_1462, %get3A_1463] {strides = array<i32>} : memref<7x8x2048xf32, #tpu.memory_space<vmem>>, vector<1x1x16xf32>,
        %get3A_1465 = vector.shape_cast %get3A_1464 : vector<1x1x16xf32> to vector<16xf32>
        %mul3A_1466 = arith.constant 45.2548332 : f32
        %mul3A_1467 = vector.broadcast %mul3A_1466 : f32 to vector<16xf32>
        %mul3A_1468 = arith.mulf %get3A_1465, %mul3A_1467 : vector<16xf32>
        %swap3A_1469 = arith.index_cast %rem3A_224 : i32 to index
        %swap3A_1470 = arith.index_cast %scan3A_272 : i32 to index
        %swap3A_1471 = arith.constant 1360 : index
        %swap3A_1472 = tpu.vector_load %arg6[%swap3A_1469, %swap3A_1470, %swap3A_1471] {strides = array<i32>} : memref<7x8x2048xf32, #tpu.memory_space<vmem>>, vector<1x1x16xf32>,
        %swap3A_1473 = vector.shape_cast %swap3A_1472 : vector<1x1x16xf32> to vector<16xf32>
        %swap3A_1474 = vector.shape_cast %mul3A_1468 : vector<16xf32> to vector<1x1x16xf32>
        tpu.vector_store %arg6[%swap3A_1469, %swap3A_1470, %swap3A_1471], %swap3A_1474 {strides = array<i32>} : memref<7x8x2048xf32, #tpu.memory_space<vmem>>, vector<1x1x16xf32>,
        %get3A_1475 = arith.index_cast %rem3A_224 : i32 to index
        %get3A_1476 = arith.index_cast %scan3A_272 : i32 to index
        %get3A_1477 = arith.constant 1376 : index
        %get3A_1478 = tpu.vector_load %arg6[%get3A_1475, %get3A_1476, %get3A_1477] {strides = array<i32>} : memref<7x8x2048xf32, #tpu.memory_space<vmem>>, vector<1x1x16xf32>,
        %get3A_1479 = vector.shape_cast %get3A_1478 : vector<1x1x16xf32> to vector<16xf32>
        %mul3A_1480 = arith.constant 45.2548332 : f32
        %mul3A_1481 = vector.broadcast %mul3A_1480 : f32 to vector<16xf32>
        %mul3A_1482 = arith.mulf %get3A_1479, %mul3A_1481 : vector<16xf32>
        %swap3A_1483 = arith.index_cast %rem3A_224 : i32 to index
        %swap3A_1484 = arith.index_cast %scan3A_272 : i32 to index
        %swap3A_1485 = arith.constant 1376 : index
        %swap3A_1486 = tpu.vector_load %arg6[%swap3A_1483, %swap3A_1484, %swap3A_1485] {strides = array<i32>} : memref<7x8x2048xf32, #tpu.memory_space<vmem>>, vector<1x1x16xf32>,
        %swap3A_1487 = vector.shape_cast %swap3A_1486 : vector<1x1x16xf32> to vector<16xf32>
        %swap3A_1488 = vector.shape_cast %mul3A_1482 : vector<16xf32> to vector<1x1x16xf32>
        tpu.vector_store %arg6[%swap3A_1483, %swap3A_1484, %swap3A_1485], %swap3A_1488 {strides = array<i32>} : memref<7x8x2048xf32, #tpu.memory_space<vmem>>, vector<1x1x16xf32>,
        %get3A_1489 = arith.index_cast %rem3A_224 : i32 to index
        %get3A_1490 = arith.index_cast %scan3A_272 : i32 to index
        %get3A_1491 = arith.constant 1392 : index
        %get3A_1492 = tpu.vector_load %arg6[%get3A_1489, %get3A_1490, %get3A_1491] {strides = array<i32>} : memref<7x8x2048xf32, #tpu.memory_space<vmem>>, vector<1x1x16xf32>,
        %get3A_1493 = vector.shape_cast %get3A_1492 : vector<1x1x16xf32> to vector<16xf32>
        %mul3A_1494 = arith.constant 45.2548332 : f32
        %mul3A_1495 = vector.broadcast %mul3A_1494 : f32 to vector<16xf32>
        %mul3A_1496 = arith.mulf %get3A_1493, %mul3A_1495 : vector<16xf32>
        %swap3A_1497 = arith.index_cast %rem3A_224 : i32 to index
        %swap3A_1498 = arith.index_cast %scan3A_272 : i32 to index
        %swap3A_1499 = arith.constant 1392 : index
        %swap3A_1500 = tpu.vector_load %arg6[%swap3A_1497, %swap3A_1498, %swap3A_1499] {strides = array<i32>} : memref<7x8x2048xf32, #tpu.memory_space<vmem>>, vector<1x1x16xf32>,
        %swap3A_1501 = vector.shape_cast %swap3A_1500 : vector<1x1x16xf32> to vector<16xf32>
        %swap3A_1502 = vector.shape_cast %mul3A_1496 : vector<16xf32> to vector<1x1x16xf32>
        tpu.vector_store %arg6[%swap3A_1497, %swap3A_1498, %swap3A_1499], %swap3A_1502 {strides = array<i32>} : memref<7x8x2048xf32, #tpu.memory_space<vmem>>, vector<1x1x16xf32>,
        %get3A_1503 = arith.index_cast %rem3A_224 : i32 to index
        %get3A_1504 = arith.index_cast %scan3A_272 : i32 to index
        %get3A_1505 = arith.constant 1408 : index
        %get3A_1506 = tpu.vector_load %arg6[%get3A_1503, %get3A_1504, %get3A_1505] {strides = array<i32>} : memref<7x8x2048xf32, #tpu.memory_space<vmem>>, vector<1x1x16xf32>,
        %get3A_1507 = vector.shape_cast %get3A_1506 : vector<1x1x16xf32> to vector<16xf32>
        %mul3A_1508 = arith.constant 45.2548332 : f32
        %mul3A_1509 = vector.broadcast %mul3A_1508 : f32 to vector<16xf32>
        %mul3A_1510 = arith.mulf %get3A_1507, %mul3A_1509 : vector<16xf32>
        %swap3A_1511 = arith.index_cast %rem3A_224 : i32 to index
        %swap3A_1512 = arith.index_cast %scan3A_272 : i32 to index
        %swap3A_1513 = arith.constant 1408 : index
        %swap3A_1514 = tpu.vector_load %arg6[%swap3A_1511, %swap3A_1512, %swap3A_1513] {strides = array<i32>} : memref<7x8x2048xf32, #tpu.memory_space<vmem>>, vector<1x1x16xf32>,
        %swap3A_1515 = vector.shape_cast %swap3A_1514 : vector<1x1x16xf32> to vector<16xf32>
        %swap3A_1516 = vector.shape_cast %mul3A_1510 : vector<16xf32> to vector<1x1x16xf32>
        tpu.vector_store %arg6[%swap3A_1511, %swap3A_1512, %swap3A_1513], %swap3A_1516 {strides = array<i32>} : memref<7x8x2048xf32, #tpu.memory_space<vmem>>, vector<1x1x16xf32>,
        %get3A_1517 = arith.index_cast %rem3A_224 : i32 to index
        %get3A_1518 = arith.index_cast %scan3A_272 : i32 to index
        %get3A_1519 = arith.constant 1424 : index
        %get3A_1520 = tpu.vector_load %arg6[%get3A_1517, %get3A_1518, %get3A_1519] {strides = array<i32>} : memref<7x8x2048xf32, #tpu.memory_space<vmem>>, vector<1x1x16xf32>,
        %get3A_1521 = vector.shape_cast %get3A_1520 : vector<1x1x16xf32> to vector<16xf32>
        %mul3A_1522 = arith.constant 45.2548332 : f32
        %mul3A_1523 = vector.broadcast %mul3A_1522 : f32 to vector<16xf32>
        %mul3A_1524 = arith.mulf %get3A_1521, %mul3A_1523 : vector<16xf32>
        %swap3A_1525 = arith.index_cast %rem3A_224 : i32 to index
        %swap3A_1526 = arith.index_cast %scan3A_272 : i32 to index
        %swap3A_1527 = arith.constant 1424 : index
        %swap3A_1528 = tpu.vector_load %arg6[%swap3A_1525, %swap3A_1526, %swap3A_1527] {strides = array<i32>} : memref<7x8x2048xf32, #tpu.memory_space<vmem>>, vector<1x1x16xf32>,
        %swap3A_1529 = vector.shape_cast %swap3A_1528 : vector<1x1x16xf32> to vector<16xf32>
        %swap3A_1530 = vector.shape_cast %mul3A_1524 : vector<16xf32> to vector<1x1x16xf32>
        tpu.vector_store %arg6[%swap3A_1525, %swap3A_1526, %swap3A_1527], %swap3A_1530 {strides = array<i32>} : memref<7x8x2048xf32, #tpu.memory_space<vmem>>, vector<1x1x16xf32>,
        %get3A_1531 = arith.index_cast %rem3A_224 : i32 to index
        %get3A_1532 = arith.index_cast %scan3A_272 : i32 to index
        %get3A_1533 = arith.constant 1440 : index
        %get3A_1534 = tpu.vector_load %arg6[%get3A_1531, %get3A_1532, %get3A_1533] {strides = array<i32>} : memref<7x8x2048xf32, #tpu.memory_space<vmem>>, vector<1x1x16xf32>,
        %get3A_1535 = vector.shape_cast %get3A_1534 : vector<1x1x16xf32> to vector<16xf32>
        %mul3A_1536 = arith.constant 45.2548332 : f32
        %mul3A_1537 = vector.broadcast %mul3A_1536 : f32 to vector<16xf32>
        %mul3A_1538 = arith.mulf %get3A_1535, %mul3A_1537 : vector<16xf32>
        %swap3A_1539 = arith.index_cast %rem3A_224 : i32 to index
        %swap3A_1540 = arith.index_cast %scan3A_272 : i32 to index
        %swap3A_1541 = arith.constant 1440 : index
        %swap3A_1542 = tpu.vector_load %arg6[%swap3A_1539, %swap3A_1540, %swap3A_1541] {strides = array<i32>} : memref<7x8x2048xf32, #tpu.memory_space<vmem>>, vector<1x1x16xf32>,
        %swap3A_1543 = vector.shape_cast %swap3A_1542 : vector<1x1x16xf32> to vector<16xf32>
        %swap3A_1544 = vector.shape_cast %mul3A_1538 : vector<16xf32> to vector<1x1x16xf32>
        tpu.vector_store %arg6[%swap3A_1539, %swap3A_1540, %swap3A_1541], %swap3A_1544 {strides = array<i32>} : memref<7x8x2048xf32, #tpu.memory_space<vmem>>, vector<1x1x16xf32>,
        %get3A_1545 = arith.index_cast %rem3A_224 : i32 to index
        %get3A_1546 = arith.index_cast %scan3A_272 : i32 to index
        %get3A_1547 = arith.constant 1456 : index
        %get3A_1548 = tpu.vector_load %arg6[%get3A_1545, %get3A_1546, %get3A_1547] {strides = array<i32>} : memref<7x8x2048xf32, #tpu.memory_space<vmem>>, vector<1x1x16xf32>,
        %get3A_1549 = vector.shape_cast %get3A_1548 : vector<1x1x16xf32> to vector<16xf32>
        %mul3A_1550 = arith.constant 45.2548332 : f32
        %mul3A_1551 = vector.broadcast %mul3A_1550 : f32 to vector<16xf32>
        %mul3A_1552 = arith.mulf %get3A_1549, %mul3A_1551 : vector<16xf32>
        %swap3A_1553 = arith.index_cast %rem3A_224 : i32 to index
        %swap3A_1554 = arith.index_cast %scan3A_272 : i32 to index
        %swap3A_1555 = arith.constant 1456 : index
        %swap3A_1556 = tpu.vector_load %arg6[%swap3A_1553, %swap3A_1554, %swap3A_1555] {strides = array<i32>} : memref<7x8x2048xf32, #tpu.memory_space<vmem>>, vector<1x1x16xf32>,
        %swap3A_1557 = vector.shape_cast %swap3A_1556 : vector<1x1x16xf32> to vector<16xf32>
        %swap3A_1558 = vector.shape_cast %mul3A_1552 : vector<16xf32> to vector<1x1x16xf32>
        tpu.vector_store %arg6[%swap3A_1553, %swap3A_1554, %swap3A_1555], %swap3A_1558 {strides = array<i32>} : memref<7x8x2048xf32, #tpu.memory_space<vmem>>, vector<1x1x16xf32>,
        %get3A_1559 = arith.index_cast %rem3A_224 : i32 to index
        %get3A_1560 = arith.index_cast %scan3A_272 : i32 to index
        %get3A_1561 = arith.constant 1472 : index
        %get3A_1562 = tpu.vector_load %arg6[%get3A_1559, %get3A_1560, %get3A_1561] {strides = array<i32>} : memref<7x8x2048xf32, #tpu.memory_space<vmem>>, vector<1x1x16xf32>,
        %get3A_1563 = vector.shape_cast %get3A_1562 : vector<1x1x16xf32> to vector<16xf32>
        %mul3A_1564 = arith.constant 45.2548332 : f32
        %mul3A_1565 = vector.broadcast %mul3A_1564 : f32 to vector<16xf32>
        %mul3A_1566 = arith.mulf %get3A_1563, %mul3A_1565 : vector<16xf32>
        %swap3A_1567 = arith.index_cast %rem3A_224 : i32 to index
        %swap3A_1568 = arith.index_cast %scan3A_272 : i32 to index
        %swap3A_1569 = arith.constant 1472 : index
        %swap3A_1570 = tpu.vector_load %arg6[%swap3A_1567, %swap3A_1568, %swap3A_1569] {strides = array<i32>} : memref<7x8x2048xf32, #tpu.memory_space<vmem>>, vector<1x1x16xf32>,
        %swap3A_1571 = vector.shape_cast %swap3A_1570 : vector<1x1x16xf32> to vector<16xf32>
        %swap3A_1572 = vector.shape_cast %mul3A_1566 : vector<16xf32> to vector<1x1x16xf32>
        tpu.vector_store %arg6[%swap3A_1567, %swap3A_1568, %swap3A_1569], %swap3A_1572 {strides = array<i32>} : memref<7x8x2048xf32, #tpu.memory_space<vmem>>, vector<1x1x16xf32>,
        %get3A_1573 = arith.index_cast %rem3A_224 : i32 to index
        %get3A_1574 = arith.index_cast %scan3A_272 : i32 to index
        %get3A_1575 = arith.constant 1488 : index
        %get3A_1576 = tpu.vector_load %arg6[%get3A_1573, %get3A_1574, %get3A_1575] {strides = array<i32>} : memref<7x8x2048xf32, #tpu.memory_space<vmem>>, vector<1x1x16xf32>,
        %get3A_1577 = vector.shape_cast %get3A_1576 : vector<1x1x16xf32> to vector<16xf32>
        %mul3A_1578 = arith.constant 45.2548332 : f32
        %mul3A_1579 = vector.broadcast %mul3A_1578 : f32 to vector<16xf32>
        %mul3A_1580 = arith.mulf %get3A_1577, %mul3A_1579 : vector<16xf32>
        %swap3A_1581 = arith.index_cast %rem3A_224 : i32 to index
        %swap3A_1582 = arith.index_cast %scan3A_272 : i32 to index
        %swap3A_1583 = arith.constant 1488 : index
        %swap3A_1584 = tpu.vector_load %arg6[%swap3A_1581, %swap3A_1582, %swap3A_1583] {strides = array<i32>} : memref<7x8x2048xf32, #tpu.memory_space<vmem>>, vector<1x1x16xf32>,
        %swap3A_1585 = vector.shape_cast %swap3A_1584 : vector<1x1x16xf32> to vector<16xf32>
        %swap3A_1586 = vector.shape_cast %mul3A_1580 : vector<16xf32> to vector<1x1x16xf32>
        tpu.vector_store %arg6[%swap3A_1581, %swap3A_1582, %swap3A_1583], %swap3A_1586 {strides = array<i32>} : memref<7x8x2048xf32, #tpu.memory_space<vmem>>, vector<1x1x16xf32>,
        %get3A_1587 = arith.index_cast %rem3A_224 : i32 to index
        %get3A_1588 = arith.index_cast %scan3A_272 : i32 to index
        %get3A_1589 = arith.constant 1504 : index
        %get3A_1590 = tpu.vector_load %arg6[%get3A_1587, %get3A_1588, %get3A_1589] {strides = array<i32>} : memref<7x8x2048xf32, #tpu.memory_space<vmem>>, vector<1x1x16xf32>,
        %get3A_1591 = vector.shape_cast %get3A_1590 : vector<1x1x16xf32> to vector<16xf32>
        %mul3A_1592 = arith.constant 45.2548332 : f32
        %mul3A_1593 = vector.broadcast %mul3A_1592 : f32 to vector<16xf32>
        %mul3A_1594 = arith.mulf %get3A_1591, %mul3A_1593 : vector<16xf32>
        %swap3A_1595 = arith.index_cast %rem3A_224 : i32 to index
        %swap3A_1596 = arith.index_cast %scan3A_272 : i32 to index
        %swap3A_1597 = arith.constant 1504 : index
        %swap3A_1598 = tpu.vector_load %arg6[%swap3A_1595, %swap3A_1596, %swap3A_1597] {strides = array<i32>} : memref<7x8x2048xf32, #tpu.memory_space<vmem>>, vector<1x1x16xf32>,
        %swap3A_1599 = vector.shape_cast %swap3A_1598 : vector<1x1x16xf32> to vector<16xf32>
        %swap3A_1600 = vector.shape_cast %mul3A_1594 : vector<16xf32> to vector<1x1x16xf32>
        tpu.vector_store %arg6[%swap3A_1595, %swap3A_1596, %swap3A_1597], %swap3A_1600 {strides = array<i32>} : memref<7x8x2048xf32, #tpu.memory_space<vmem>>, vector<1x1x16xf32>,
        %get3A_1601 = arith.index_cast %rem3A_224 : i32 to index
        %get3A_1602 = arith.index_cast %scan3A_272 : i32 to index
        %get3A_1603 = arith.constant 1520 : index
        %get3A_1604 = tpu.vector_load %arg6[%get3A_1601, %get3A_1602, %get3A_1603] {strides = array<i32>} : memref<7x8x2048xf32, #tpu.memory_space<vmem>>, vector<1x1x16xf32>,
        %get3A_1605 = vector.shape_cast %get3A_1604 : vector<1x1x16xf32> to vector<16xf32>
        %mul3A_1606 = arith.constant 45.2548332 : f32
        %mul3A_1607 = vector.broadcast %mul3A_1606 : f32 to vector<16xf32>
        %mul3A_1608 = arith.mulf %get3A_1605, %mul3A_1607 : vector<16xf32>
        %swap3A_1609 = arith.index_cast %rem3A_224 : i32 to index
        %swap3A_1610 = arith.index_cast %scan3A_272 : i32 to index
        %swap3A_1611 = arith.constant 1520 : index
        %swap3A_1612 = tpu.vector_load %arg6[%swap3A_1609, %swap3A_1610, %swap3A_1611] {strides = array<i32>} : memref<7x8x2048xf32, #tpu.memory_space<vmem>>, vector<1x1x16xf32>,
        %swap3A_1613 = vector.shape_cast %swap3A_1612 : vector<1x1x16xf32> to vector<16xf32>
        %swap3A_1614 = vector.shape_cast %mul3A_1608 : vector<16xf32> to vector<1x1x16xf32>
        tpu.vector_store %arg6[%swap3A_1609, %swap3A_1610, %swap3A_1611], %swap3A_1614 {strides = array<i32>} : memref<7x8x2048xf32, #tpu.memory_space<vmem>>, vector<1x1x16xf32>,
        %get3A_1615 = arith.index_cast %rem3A_224 : i32 to index
        %get3A_1616 = arith.index_cast %scan3A_272 : i32 to index
        %get3A_1617 = arith.constant 1536 : index
        %get3A_1618 = tpu.vector_load %arg6[%get3A_1615, %get3A_1616, %get3A_1617] {strides = array<i32>} : memref<7x8x2048xf32, #tpu.memory_space<vmem>>, vector<1x1x16xf32>,
        %get3A_1619 = vector.shape_cast %get3A_1618 : vector<1x1x16xf32> to vector<16xf32>
        %mul3A_1620 = arith.constant 45.2548332 : f32
        %mul3A_1621 = vector.broadcast %mul3A_1620 : f32 to vector<16xf32>
        %mul3A_1622 = arith.mulf %get3A_1619, %mul3A_1621 : vector<16xf32>
        %swap3A_1623 = arith.index_cast %rem3A_224 : i32 to index
        %swap3A_1624 = arith.index_cast %scan3A_272 : i32 to index
        %swap3A_1625 = arith.constant 1536 : index
        %swap3A_1626 = tpu.vector_load %arg6[%swap3A_1623, %swap3A_1624, %swap3A_1625] {strides = array<i32>} : memref<7x8x2048xf32, #tpu.memory_space<vmem>>, vector<1x1x16xf32>,
        %swap3A_1627 = vector.shape_cast %swap3A_1626 : vector<1x1x16xf32> to vector<16xf32>
        %swap3A_1628 = vector.shape_cast %mul3A_1622 : vector<16xf32> to vector<1x1x16xf32>
        tpu.vector_store %arg6[%swap3A_1623, %swap3A_1624, %swap3A_1625], %swap3A_1628 {strides = array<i32>} : memref<7x8x2048xf32, #tpu.memory_space<vmem>>, vector<1x1x16xf32>,
        %get3A_1629 = arith.index_cast %rem3A_224 : i32 to index
        %get3A_1630 = arith.index_cast %scan3A_272 : i32 to index
        %get3A_1631 = arith.constant 1552 : index
        %get3A_1632 = tpu.vector_load %arg6[%get3A_1629, %get3A_1630, %get3A_1631] {strides = array<i32>} : memref<7x8x2048xf32, #tpu.memory_space<vmem>>, vector<1x1x16xf32>,
        %get3A_1633 = vector.shape_cast %get3A_1632 : vector<1x1x16xf32> to vector<16xf32>
        %mul3A_1634 = arith.constant 45.2548332 : f32
        %mul3A_1635 = vector.broadcast %mul3A_1634 : f32 to vector<16xf32>
        %mul3A_1636 = arith.mulf %get3A_1633, %mul3A_1635 : vector<16xf32>
        %swap3A_1637 = arith.index_cast %rem3A_224 : i32 to index
        %swap3A_1638 = arith.index_cast %scan3A_272 : i32 to index
        %swap3A_1639 = arith.constant 1552 : index
        %swap3A_1640 = tpu.vector_load %arg6[%swap3A_1637, %swap3A_1638, %swap3A_1639] {strides = array<i32>} : memref<7x8x2048xf32, #tpu.memory_space<vmem>>, vector<1x1x16xf32>,
        %swap3A_1641 = vector.shape_cast %swap3A_1640 : vector<1x1x16xf32> to vector<16xf32>
        %swap3A_1642 = vector.shape_cast %mul3A_1636 : vector<16xf32> to vector<1x1x16xf32>
        tpu.vector_store %arg6[%swap3A_1637, %swap3A_1638, %swap3A_1639], %swap3A_1642 {strides = array<i32>} : memref<7x8x2048xf32, #tpu.memory_space<vmem>>, vector<1x1x16xf32>,
        %get3A_1643 = arith.index_cast %rem3A_224 : i32 to index
        %get3A_1644 = arith.index_cast %scan3A_272 : i32 to index
        %get3A_1645 = arith.constant 1568 : index
        %get3A_1646 = tpu.vector_load %arg6[%get3A_1643, %get3A_1644, %get3A_1645] {strides = array<i32>} : memref<7x8x2048xf32, #tpu.memory_space<vmem>>, vector<1x1x16xf32>,
        %get3A_1647 = vector.shape_cast %get3A_1646 : vector<1x1x16xf32> to vector<16xf32>
        %mul3A_1648 = arith.constant 45.2548332 : f32
        %mul3A_1649 = vector.broadcast %mul3A_1648 : f32 to vector<16xf32>
        %mul3A_1650 = arith.mulf %get3A_1647, %mul3A_1649 : vector<16xf32>
        %swap3A_1651 = arith.index_cast %rem3A_224 : i32 to index
        %swap3A_1652 = arith.index_cast %scan3A_272 : i32 to index
        %swap3A_1653 = arith.constant 1568 : index
        %swap3A_1654 = tpu.vector_load %arg6[%swap3A_1651, %swap3A_1652, %swap3A_1653] {strides = array<i32>} : memref<7x8x2048xf32, #tpu.memory_space<vmem>>, vector<1x1x16xf32>,
        %swap3A_1655 = vector.shape_cast %swap3A_1654 : vector<1x1x16xf32> to vector<16xf32>
        %swap3A_1656 = vector.shape_cast %mul3A_1650 : vector<16xf32> to vector<1x1x16xf32>
        tpu.vector_store %arg6[%swap3A_1651, %swap3A_1652, %swap3A_1653], %swap3A_1656 {strides = array<i32>} : memref<7x8x2048xf32, #tpu.memory_space<vmem>>, vector<1x1x16xf32>,
        %get3A_1657 = arith.index_cast %rem3A_224 : i32 to index
        %get3A_1658 = arith.index_cast %scan3A_272 : i32 to index
        %get3A_1659 = arith.constant 1584 : index
        %get3A_1660 = tpu.vector_load %arg6[%get3A_1657, %get3A_1658, %get3A_1659] {strides = array<i32>} : memref<7x8x2048xf32, #tpu.memory_space<vmem>>, vector<1x1x16xf32>,
        %get3A_1661 = vector.shape_cast %get3A_1660 : vector<1x1x16xf32> to vector<16xf32>
        %mul3A_1662 = arith.constant 45.2548332 : f32
        %mul3A_1663 = vector.broadcast %mul3A_1662 : f32 to vector<16xf32>
        %mul3A_1664 = arith.mulf %get3A_1661, %mul3A_1663 : vector<16xf32>
        %swap3A_1665 = arith.index_cast %rem3A_224 : i32 to index
        %swap3A_1666 = arith.index_cast %scan3A_272 : i32 to index
        %swap3A_1667 = arith.constant 1584 : index
        %swap3A_1668 = tpu.vector_load %arg6[%swap3A_1665, %swap3A_1666, %swap3A_1667] {strides = array<i32>} : memref<7x8x2048xf32, #tpu.memory_space<vmem>>, vector<1x1x16xf32>,
        %swap3A_1669 = vector.shape_cast %swap3A_1668 : vector<1x1x16xf32> to vector<16xf32>
        %swap3A_1670 = vector.shape_cast %mul3A_1664 : vector<16xf32> to vector<1x1x16xf32>
        tpu.vector_store %arg6[%swap3A_1665, %swap3A_1666, %swap3A_1667], %swap3A_1670 {strides = array<i32>} : memref<7x8x2048xf32, #tpu.memory_space<vmem>>, vector<1x1x16xf32>,
        %get3A_1671 = arith.index_cast %rem3A_224 : i32 to index
        %get3A_1672 = arith.index_cast %scan3A_272 : i32 to index
        %get3A_1673 = arith.constant 1600 : index
        %get3A_1674 = tpu.vector_load %arg6[%get3A_1671, %get3A_1672, %get3A_1673] {strides = array<i32>} : memref<7x8x2048xf32, #tpu.memory_space<vmem>>, vector<1x1x16xf32>,
        %get3A_1675 = vector.shape_cast %get3A_1674 : vector<1x1x16xf32> to vector<16xf32>
        %mul3A_1676 = arith.constant 45.2548332 : f32
        %mul3A_1677 = vector.broadcast %mul3A_1676 : f32 to vector<16xf32>
        %mul3A_1678 = arith.mulf %get3A_1675, %mul3A_1677 : vector<16xf32>
        %swap3A_1679 = arith.index_cast %rem3A_224 : i32 to index
        %swap3A_1680 = arith.index_cast %scan3A_272 : i32 to index
        %swap3A_1681 = arith.constant 1600 : index
        %swap3A_1682 = tpu.vector_load %arg6[%swap3A_1679, %swap3A_1680, %swap3A_1681] {strides = array<i32>} : memref<7x8x2048xf32, #tpu.memory_space<vmem>>, vector<1x1x16xf32>,
        %swap3A_1683 = vector.shape_cast %swap3A_1682 : vector<1x1x16xf32> to vector<16xf32>
        %swap3A_1684 = vector.shape_cast %mul3A_1678 : vector<16xf32> to vector<1x1x16xf32>
        tpu.vector_store %arg6[%swap3A_1679, %swap3A_1680, %swap3A_1681], %swap3A_1684 {strides = array<i32>} : memref<7x8x2048xf32, #tpu.memory_space<vmem>>, vector<1x1x16xf32>,
        %get3A_1685 = arith.index_cast %rem3A_224 : i32 to index
        %get3A_1686 = arith.index_cast %scan3A_272 : i32 to index
        %get3A_1687 = arith.constant 1616 : index
        %get3A_1688 = tpu.vector_load %arg6[%get3A_1685, %get3A_1686, %get3A_1687] {strides = array<i32>} : memref<7x8x2048xf32, #tpu.memory_space<vmem>>, vector<1x1x16xf32>,
        %get3A_1689 = vector.shape_cast %get3A_1688 : vector<1x1x16xf32> to vector<16xf32>
        %mul3A_1690 = arith.constant 45.2548332 : f32
        %mul3A_1691 = vector.broadcast %mul3A_1690 : f32 to vector<16xf32>
        %mul3A_1692 = arith.mulf %get3A_1689, %mul3A_1691 : vector<16xf32>
        %swap3A_1693 = arith.index_cast %rem3A_224 : i32 to index
        %swap3A_1694 = arith.index_cast %scan3A_272 : i32 to index
        %swap3A_1695 = arith.constant 1616 : index
        %swap3A_1696 = tpu.vector_load %arg6[%swap3A_1693, %swap3A_1694, %swap3A_1695] {strides = array<i32>} : memref<7x8x2048xf32, #tpu.memory_space<vmem>>, vector<1x1x16xf32>,
        %swap3A_1697 = vector.shape_cast %swap3A_1696 : vector<1x1x16xf32> to vector<16xf32>
        %swap3A_1698 = vector.shape_cast %mul3A_1692 : vector<16xf32> to vector<1x1x16xf32>
        tpu.vector_store %arg6[%swap3A_1693, %swap3A_1694, %swap3A_1695], %swap3A_1698 {strides = array<i32>} : memref<7x8x2048xf32, #tpu.memory_space<vmem>>, vector<1x1x16xf32>,
        %get3A_1699 = arith.index_cast %rem3A_224 : i32 to index
        %get3A_1700 = arith.index_cast %scan3A_272 : i32 to index
        %get3A_1701 = arith.constant 1632 : index
        %get3A_1702 = tpu.vector_load %arg6[%get3A_1699, %get3A_1700, %get3A_1701] {strides = array<i32>} : memref<7x8x2048xf32, #tpu.memory_space<vmem>>, vector<1x1x16xf32>,
        %get3A_1703 = vector.shape_cast %get3A_1702 : vector<1x1x16xf32> to vector<16xf32>
        %mul3A_1704 = arith.constant 45.2548332 : f32
        %mul3A_1705 = vector.broadcast %mul3A_1704 : f32 to vector<16xf32>
        %mul3A_1706 = arith.mulf %get3A_1703, %mul3A_1705 : vector<16xf32>
        %swap3A_1707 = arith.index_cast %rem3A_224 : i32 to index
        %swap3A_1708 = arith.index_cast %scan3A_272 : i32 to index
        %swap3A_1709 = arith.constant 1632 : index
        %swap3A_1710 = tpu.vector_load %arg6[%swap3A_1707, %swap3A_1708, %swap3A_1709] {strides = array<i32>} : memref<7x8x2048xf32, #tpu.memory_space<vmem>>, vector<1x1x16xf32>,
        %swap3A_1711 = vector.shape_cast %swap3A_1710 : vector<1x1x16xf32> to vector<16xf32>
        %swap3A_1712 = vector.shape_cast %mul3A_1706 : vector<16xf32> to vector<1x1x16xf32>
        tpu.vector_store %arg6[%swap3A_1707, %swap3A_1708, %swap3A_1709], %swap3A_1712 {strides = array<i32>} : memref<7x8x2048xf32, #tpu.memory_space<vmem>>, vector<1x1x16xf32>,
        %get3A_1713 = arith.index_cast %rem3A_224 : i32 to index
        %get3A_1714 = arith.index_cast %scan3A_272 : i32 to index
        %get3A_1715 = arith.constant 1648 : index
        %get3A_1716 = tpu.vector_load %arg6[%get3A_1713, %get3A_1714, %get3A_1715] {strides = array<i32>} : memref<7x8x2048xf32, #tpu.memory_space<vmem>>, vector<1x1x16xf32>,
        %get3A_1717 = vector.shape_cast %get3A_1716 : vector<1x1x16xf32> to vector<16xf32>
        %mul3A_1718 = arith.constant 45.2548332 : f32
        %mul3A_1719 = vector.broadcast %mul3A_1718 : f32 to vector<16xf32>
        %mul3A_1720 = arith.mulf %get3A_1717, %mul3A_1719 : vector<16xf32>
        %swap3A_1721 = arith.index_cast %rem3A_224 : i32 to index
        %swap3A_1722 = arith.index_cast %scan3A_272 : i32 to index
        %swap3A_1723 = arith.constant 1648 : index
        %swap3A_1724 = tpu.vector_load %arg6[%swap3A_1721, %swap3A_1722, %swap3A_1723] {strides = array<i32>} : memref<7x8x2048xf32, #tpu.memory_space<vmem>>, vector<1x1x16xf32>,
        %swap3A_1725 = vector.shape_cast %swap3A_1724 : vector<1x1x16xf32> to vector<16xf32>
        %swap3A_1726 = vector.shape_cast %mul3A_1720 : vector<16xf32> to vector<1x1x16xf32>
        tpu.vector_store %arg6[%swap3A_1721, %swap3A_1722, %swap3A_1723], %swap3A_1726 {strides = array<i32>} : memref<7x8x2048xf32, #tpu.memory_space<vmem>>, vector<1x1x16xf32>,
        %get3A_1727 = arith.index_cast %rem3A_224 : i32 to index
        %get3A_1728 = arith.index_cast %scan3A_272 : i32 to index
        %get3A_1729 = arith.constant 1664 : index
        %get3A_1730 = tpu.vector_load %arg6[%get3A_1727, %get3A_1728, %get3A_1729] {strides = array<i32>} : memref<7x8x2048xf32, #tpu.memory_space<vmem>>, vector<1x1x16xf32>,
        %get3A_1731 = vector.shape_cast %get3A_1730 : vector<1x1x16xf32> to vector<16xf32>
        %mul3A_1732 = arith.constant 45.2548332 : f32
        %mul3A_1733 = vector.broadcast %mul3A_1732 : f32 to vector<16xf32>
        %mul3A_1734 = arith.mulf %get3A_1731, %mul3A_1733 : vector<16xf32>
        %swap3A_1735 = arith.index_cast %rem3A_224 : i32 to index
        %swap3A_1736 = arith.index_cast %scan3A_272 : i32 to index
        %swap3A_1737 = arith.constant 1664 : index
        %swap3A_1738 = tpu.vector_load %arg6[%swap3A_1735, %swap3A_1736, %swap3A_1737] {strides = array<i32>} : memref<7x8x2048xf32, #tpu.memory_space<vmem>>, vector<1x1x16xf32>,
        %swap3A_1739 = vector.shape_cast %swap3A_1738 : vector<1x1x16xf32> to vector<16xf32>
        %swap3A_1740 = vector.shape_cast %mul3A_1734 : vector<16xf32> to vector<1x1x16xf32>
        tpu.vector_store %arg6[%swap3A_1735, %swap3A_1736, %swap3A_1737], %swap3A_1740 {strides = array<i32>} : memref<7x8x2048xf32, #tpu.memory_space<vmem>>, vector<1x1x16xf32>,
        %get3A_1741 = arith.index_cast %rem3A_224 : i32 to index
        %get3A_1742 = arith.index_cast %scan3A_272 : i32 to index
        %get3A_1743 = arith.constant 1680 : index
        %get3A_1744 = tpu.vector_load %arg6[%get3A_1741, %get3A_1742, %get3A_1743] {strides = array<i32>} : memref<7x8x2048xf32, #tpu.memory_space<vmem>>, vector<1x1x16xf32>,
        %get3A_1745 = vector.shape_cast %get3A_1744 : vector<1x1x16xf32> to vector<16xf32>
        %mul3A_1746 = arith.constant 45.2548332 : f32
        %mul3A_1747 = vector.broadcast %mul3A_1746 : f32 to vector<16xf32>
        %mul3A_1748 = arith.mulf %get3A_1745, %mul3A_1747 : vector<16xf32>
        %swap3A_1749 = arith.index_cast %rem3A_224 : i32 to index
        %swap3A_1750 = arith.index_cast %scan3A_272 : i32 to index
        %swap3A_1751 = arith.constant 1680 : index
        %swap3A_1752 = tpu.vector_load %arg6[%swap3A_1749, %swap3A_1750, %swap3A_1751] {strides = array<i32>} : memref<7x8x2048xf32, #tpu.memory_space<vmem>>, vector<1x1x16xf32>,
        %swap3A_1753 = vector.shape_cast %swap3A_1752 : vector<1x1x16xf32> to vector<16xf32>
        %swap3A_1754 = vector.shape_cast %mul3A_1748 : vector<16xf32> to vector<1x1x16xf32>
        tpu.vector_store %arg6[%swap3A_1749, %swap3A_1750, %swap3A_1751], %swap3A_1754 {strides = array<i32>} : memref<7x8x2048xf32, #tpu.memory_space<vmem>>, vector<1x1x16xf32>,
        %get3A_1755 = arith.index_cast %rem3A_224 : i32 to index
        %get3A_1756 = arith.index_cast %scan3A_272 : i32 to index
        %get3A_1757 = arith.constant 1696 : index
        %get3A_1758 = tpu.vector_load %arg6[%get3A_1755, %get3A_1756, %get3A_1757] {strides = array<i32>} : memref<7x8x2048xf32, #tpu.memory_space<vmem>>, vector<1x1x16xf32>,
        %get3A_1759 = vector.shape_cast %get3A_1758 : vector<1x1x16xf32> to vector<16xf32>
        %mul3A_1760 = arith.constant 45.2548332 : f32
        %mul3A_1761 = vector.broadcast %mul3A_1760 : f32 to vector<16xf32>
        %mul3A_1762 = arith.mulf %get3A_1759, %mul3A_1761 : vector<16xf32>
        %swap3A_1763 = arith.index_cast %rem3A_224 : i32 to index
        %swap3A_1764 = arith.index_cast %scan3A_272 : i32 to index
        %swap3A_1765 = arith.constant 1696 : index
        %swap3A_1766 = tpu.vector_load %arg6[%swap3A_1763, %swap3A_1764, %swap3A_1765] {strides = array<i32>} : memref<7x8x2048xf32, #tpu.memory_space<vmem>>, vector<1x1x16xf32>,
        %swap3A_1767 = vector.shape_cast %swap3A_1766 : vector<1x1x16xf32> to vector<16xf32>
        %swap3A_1768 = vector.shape_cast %mul3A_1762 : vector<16xf32> to vector<1x1x16xf32>
        tpu.vector_store %arg6[%swap3A_1763, %swap3A_1764, %swap3A_1765], %swap3A_1768 {strides = array<i32>} : memref<7x8x2048xf32, #tpu.memory_space<vmem>>, vector<1x1x16xf32>,
        %get3A_1769 = arith.index_cast %rem3A_224 : i32 to index
        %get3A_1770 = arith.index_cast %scan3A_272 : i32 to index
        %get3A_1771 = arith.constant 1712 : index
        %get3A_1772 = tpu.vector_load %arg6[%get3A_1769, %get3A_1770, %get3A_1771] {strides = array<i32>} : memref<7x8x2048xf32, #tpu.memory_space<vmem>>, vector<1x1x16xf32>,
        %get3A_1773 = vector.shape_cast %get3A_1772 : vector<1x1x16xf32> to vector<16xf32>
        %mul3A_1774 = arith.constant 45.2548332 : f32
        %mul3A_1775 = vector.broadcast %mul3A_1774 : f32 to vector<16xf32>
        %mul3A_1776 = arith.mulf %get3A_1773, %mul3A_1775 : vector<16xf32>
        %swap3A_1777 = arith.index_cast %rem3A_224 : i32 to index
        %swap3A_1778 = arith.index_cast %scan3A_272 : i32 to index
        %swap3A_1779 = arith.constant 1712 : index
        %swap3A_1780 = tpu.vector_load %arg6[%swap3A_1777, %swap3A_1778, %swap3A_1779] {strides = array<i32>} : memref<7x8x2048xf32, #tpu.memory_space<vmem>>, vector<1x1x16xf32>,
        %swap3A_1781 = vector.shape_cast %swap3A_1780 : vector<1x1x16xf32> to vector<16xf32>
        %swap3A_1782 = vector.shape_cast %mul3A_1776 : vector<16xf32> to vector<1x1x16xf32>
        tpu.vector_store %arg6[%swap3A_1777, %swap3A_1778, %swap3A_1779], %swap3A_1782 {strides = array<i32>} : memref<7x8x2048xf32, #tpu.memory_space<vmem>>, vector<1x1x16xf32>,
        %get3A_1783 = arith.index_cast %rem3A_224 : i32 to index
        %get3A_1784 = arith.index_cast %scan3A_272 : i32 to index
        %get3A_1785 = arith.constant 1728 : index
        %get3A_1786 = tpu.vector_load %arg6[%get3A_1783, %get3A_1784, %get3A_1785] {strides = array<i32>} : memref<7x8x2048xf32, #tpu.memory_space<vmem>>, vector<1x1x16xf32>,
        %get3A_1787 = vector.shape_cast %get3A_1786 : vector<1x1x16xf32> to vector<16xf32>
        %mul3A_1788 = arith.constant 45.2548332 : f32
        %mul3A_1789 = vector.broadcast %mul3A_1788 : f32 to vector<16xf32>
        %mul3A_1790 = arith.mulf %get3A_1787, %mul3A_1789 : vector<16xf32>
        %swap3A_1791 = arith.index_cast %rem3A_224 : i32 to index
        %swap3A_1792 = arith.index_cast %scan3A_272 : i32 to index
        %swap3A_1793 = arith.constant 1728 : index
        %swap3A_1794 = tpu.vector_load %arg6[%swap3A_1791, %swap3A_1792, %swap3A_1793] {strides = array<i32>} : memref<7x8x2048xf32, #tpu.memory_space<vmem>>, vector<1x1x16xf32>,
        %swap3A_1795 = vector.shape_cast %swap3A_1794 : vector<1x1x16xf32> to vector<16xf32>
        %swap3A_1796 = vector.shape_cast %mul3A_1790 : vector<16xf32> to vector<1x1x16xf32>
        tpu.vector_store %arg6[%swap3A_1791, %swap3A_1792, %swap3A_1793], %swap3A_1796 {strides = array<i32>} : memref<7x8x2048xf32, #tpu.memory_space<vmem>>, vector<1x1x16xf32>,
        %get3A_1797 = arith.index_cast %rem3A_224 : i32 to index
        %get3A_1798 = arith.index_cast %scan3A_272 : i32 to index
        %get3A_1799 = arith.constant 1744 : index
        %get3A_1800 = tpu.vector_load %arg6[%get3A_1797, %get3A_1798, %get3A_1799] {strides = array<i32>} : memref<7x8x2048xf32, #tpu.memory_space<vmem>>, vector<1x1x16xf32>,
        %get3A_1801 = vector.shape_cast %get3A_1800 : vector<1x1x16xf32> to vector<16xf32>
        %mul3A_1802 = arith.constant 45.2548332 : f32
        %mul3A_1803 = vector.broadcast %mul3A_1802 : f32 to vector<16xf32>
        %mul3A_1804 = arith.mulf %get3A_1801, %mul3A_1803 : vector<16xf32>
        %swap3A_1805 = arith.index_cast %rem3A_224 : i32 to index
        %swap3A_1806 = arith.index_cast %scan3A_272 : i32 to index
        %swap3A_1807 = arith.constant 1744 : index
        %swap3A_1808 = tpu.vector_load %arg6[%swap3A_1805, %swap3A_1806, %swap3A_1807] {strides = array<i32>} : memref<7x8x2048xf32, #tpu.memory_space<vmem>>, vector<1x1x16xf32>,
        %swap3A_1809 = vector.shape_cast %swap3A_1808 : vector<1x1x16xf32> to vector<16xf32>
        %swap3A_1810 = vector.shape_cast %mul3A_1804 : vector<16xf32> to vector<1x1x16xf32>
        tpu.vector_store %arg6[%swap3A_1805, %swap3A_1806, %swap3A_1807], %swap3A_1810 {strides = array<i32>} : memref<7x8x2048xf32, #tpu.memory_space<vmem>>, vector<1x1x16xf32>,
        %get3A_1811 = arith.index_cast %rem3A_224 : i32 to index
        %get3A_1812 = arith.index_cast %scan3A_272 : i32 to index
        %get3A_1813 = arith.constant 1760 : index
        %get3A_1814 = tpu.vector_load %arg6[%get3A_1811, %get3A_1812, %get3A_1813] {strides = array<i32>} : memref<7x8x2048xf32, #tpu.memory_space<vmem>>, vector<1x1x16xf32>,
        %get3A_1815 = vector.shape_cast %get3A_1814 : vector<1x1x16xf32> to vector<16xf32>
        %mul3A_1816 = arith.constant 45.2548332 : f32
        %mul3A_1817 = vector.broadcast %mul3A_1816 : f32 to vector<16xf32>
        %mul3A_1818 = arith.mulf %get3A_1815, %mul3A_1817 : vector<16xf32>
        %swap3A_1819 = arith.index_cast %rem3A_224 : i32 to index
        %swap3A_1820 = arith.index_cast %scan3A_272 : i32 to index
        %swap3A_1821 = arith.constant 1760 : index
        %swap3A_1822 = tpu.vector_load %arg6[%swap3A_1819, %swap3A_1820, %swap3A_1821] {strides = array<i32>} : memref<7x8x2048xf32, #tpu.memory_space<vmem>>, vector<1x1x16xf32>,
        %swap3A_1823 = vector.shape_cast %swap3A_1822 : vector<1x1x16xf32> to vector<16xf32>
        %swap3A_1824 = vector.shape_cast %mul3A_1818 : vector<16xf32> to vector<1x1x16xf32>
        tpu.vector_store %arg6[%swap3A_1819, %swap3A_1820, %swap3A_1821], %swap3A_1824 {strides = array<i32>} : memref<7x8x2048xf32, #tpu.memory_space<vmem>>, vector<1x1x16xf32>,
        %get3A_1825 = arith.index_cast %rem3A_224 : i32 to index
        %get3A_1826 = arith.index_cast %scan3A_272 : i32 to index
        %get3A_1827 = arith.constant 1776 : index
        %get3A_1828 = tpu.vector_load %arg6[%get3A_1825, %get3A_1826, %get3A_1827] {strides = array<i32>} : memref<7x8x2048xf32, #tpu.memory_space<vmem>>, vector<1x1x16xf32>,
        %get3A_1829 = vector.shape_cast %get3A_1828 : vector<1x1x16xf32> to vector<16xf32>
        %mul3A_1830 = arith.constant 45.2548332 : f32
        %mul3A_1831 = vector.broadcast %mul3A_1830 : f32 to vector<16xf32>
        %mul3A_1832 = arith.mulf %get3A_1829, %mul3A_1831 : vector<16xf32>
        %swap3A_1833 = arith.index_cast %rem3A_224 : i32 to index
        %swap3A_1834 = arith.index_cast %scan3A_272 : i32 to index
        %swap3A_1835 = arith.constant 1776 : index
        %swap3A_1836 = tpu.vector_load %arg6[%swap3A_1833, %swap3A_1834, %swap3A_1835] {strides = array<i32>} : memref<7x8x2048xf32, #tpu.memory_space<vmem>>, vector<1x1x16xf32>,
        %swap3A_1837 = vector.shape_cast %swap3A_1836 : vector<1x1x16xf32> to vector<16xf32>
        %swap3A_1838 = vector.shape_cast %mul3A_1832 : vector<16xf32> to vector<1x1x16xf32>
        tpu.vector_store %arg6[%swap3A_1833, %swap3A_1834, %swap3A_1835], %swap3A_1838 {strides = array<i32>} : memref<7x8x2048xf32, #tpu.memory_space<vmem>>, vector<1x1x16xf32>,
        %get3A_1839 = arith.index_cast %rem3A_224 : i32 to index
        %get3A_1840 = arith.index_cast %scan3A_272 : i32 to index
        %get3A_1841 = arith.constant 1792 : index
        %get3A_1842 = tpu.vector_load %arg6[%get3A_1839, %get3A_1840, %get3A_1841] {strides = array<i32>} : memref<7x8x2048xf32, #tpu.memory_space<vmem>>, vector<1x1x16xf32>,
        %get3A_1843 = vector.shape_cast %get3A_1842 : vector<1x1x16xf32> to vector<16xf32>
        %mul3A_1844 = arith.constant 45.2548332 : f32
        %mul3A_1845 = vector.broadcast %mul3A_1844 : f32 to vector<16xf32>
        %mul3A_1846 = arith.mulf %get3A_1843, %mul3A_1845 : vector<16xf32>
        %swap3A_1847 = arith.index_cast %rem3A_224 : i32 to index
        %swap3A_1848 = arith.index_cast %scan3A_272 : i32 to index
        %swap3A_1849 = arith.constant 1792 : index
        %swap3A_1850 = tpu.vector_load %arg6[%swap3A_1847, %swap3A_1848, %swap3A_1849] {strides = array<i32>} : memref<7x8x2048xf32, #tpu.memory_space<vmem>>, vector<1x1x16xf32>,
        %swap3A_1851 = vector.shape_cast %swap3A_1850 : vector<1x1x16xf32> to vector<16xf32>
        %swap3A_1852 = vector.shape_cast %mul3A_1846 : vector<16xf32> to vector<1x1x16xf32>
        tpu.vector_store %arg6[%swap3A_1847, %swap3A_1848, %swap3A_1849], %swap3A_1852 {strides = array<i32>} : memref<7x8x2048xf32, #tpu.memory_space<vmem>>, vector<1x1x16xf32>,
        %get3A_1853 = arith.index_cast %rem3A_224 : i32 to index
        %get3A_1854 = arith.index_cast %scan3A_272 : i32 to index
        %get3A_1855 = arith.constant 1808 : index
        %get3A_1856 = tpu.vector_load %arg6[%get3A_1853, %get3A_1854, %get3A_1855] {strides = array<i32>} : memref<7x8x2048xf32, #tpu.memory_space<vmem>>, vector<1x1x16xf32>,
        %get3A_1857 = vector.shape_cast %get3A_1856 : vector<1x1x16xf32> to vector<16xf32>
        %mul3A_1858 = arith.constant 45.2548332 : f32
        %mul3A_1859 = vector.broadcast %mul3A_1858 : f32 to vector<16xf32>
        %mul3A_1860 = arith.mulf %get3A_1857, %mul3A_1859 : vector<16xf32>
        %swap3A_1861 = arith.index_cast %rem3A_224 : i32 to index
        %swap3A_1862 = arith.index_cast %scan3A_272 : i32 to index
        %swap3A_1863 = arith.constant 1808 : index
        %swap3A_1864 = tpu.vector_load %arg6[%swap3A_1861, %swap3A_1862, %swap3A_1863] {strides = array<i32>} : memref<7x8x2048xf32, #tpu.memory_space<vmem>>, vector<1x1x16xf32>,
        %swap3A_1865 = vector.shape_cast %swap3A_1864 : vector<1x1x16xf32> to vector<16xf32>
        %swap3A_1866 = vector.shape_cast %mul3A_1860 : vector<16xf32> to vector<1x1x16xf32>
        tpu.vector_store %arg6[%swap3A_1861, %swap3A_1862, %swap3A_1863], %swap3A_1866 {strides = array<i32>} : memref<7x8x2048xf32, #tpu.memory_space<vmem>>, vector<1x1x16xf32>,
        %get3A_1867 = arith.index_cast %rem3A_224 : i32 to index
        %get3A_1868 = arith.index_cast %scan3A_272 : i32 to index
        %get3A_1869 = arith.constant 1824 : index
        %get3A_1870 = tpu.vector_load %arg6[%get3A_1867, %get3A_1868, %get3A_1869] {strides = array<i32>} : memref<7x8x2048xf32, #tpu.memory_space<vmem>>, vector<1x1x16xf32>,
        %get3A_1871 = vector.shape_cast %get3A_1870 : vector<1x1x16xf32> to vector<16xf32>
        %mul3A_1872 = arith.constant 45.2548332 : f32
        %mul3A_1873 = vector.broadcast %mul3A_1872 : f32 to vector<16xf32>
        %mul3A_1874 = arith.mulf %get3A_1871, %mul3A_1873 : vector<16xf32>
        %swap3A_1875 = arith.index_cast %rem3A_224 : i32 to index
        %swap3A_1876 = arith.index_cast %scan3A_272 : i32 to index
        %swap3A_1877 = arith.constant 1824 : index
        %swap3A_1878 = tpu.vector_load %arg6[%swap3A_1875, %swap3A_1876, %swap3A_1877] {strides = array<i32>} : memref<7x8x2048xf32, #tpu.memory_space<vmem>>, vector<1x1x16xf32>,
        %swap3A_1879 = vector.shape_cast %swap3A_1878 : vector<1x1x16xf32> to vector<16xf32>
        %swap3A_1880 = vector.shape_cast %mul3A_1874 : vector<16xf32> to vector<1x1x16xf32>
        tpu.vector_store %arg6[%swap3A_1875, %swap3A_1876, %swap3A_1877], %swap3A_1880 {strides = array<i32>} : memref<7x8x2048xf32, #tpu.memory_space<vmem>>, vector<1x1x16xf32>,
        %get3A_1881 = arith.index_cast %rem3A_224 : i32 to index
        %get3A_1882 = arith.index_cast %scan3A_272 : i32 to index
        %get3A_1883 = arith.constant 1840 : index
        %get3A_1884 = tpu.vector_load %arg6[%get3A_1881, %get3A_1882, %get3A_1883] {strides = array<i32>} : memref<7x8x2048xf32, #tpu.memory_space<vmem>>, vector<1x1x16xf32>,
        %get3A_1885 = vector.shape_cast %get3A_1884 : vector<1x1x16xf32> to vector<16xf32>
        %mul3A_1886 = arith.constant 45.2548332 : f32
        %mul3A_1887 = vector.broadcast %mul3A_1886 : f32 to vector<16xf32>
        %mul3A_1888 = arith.mulf %get3A_1885, %mul3A_1887 : vector<16xf32>
        %swap3A_1889 = arith.index_cast %rem3A_224 : i32 to index
        %swap3A_1890 = arith.index_cast %scan3A_272 : i32 to index
        %swap3A_1891 = arith.constant 1840 : index
        %swap3A_1892 = tpu.vector_load %arg6[%swap3A_1889, %swap3A_1890, %swap3A_1891] {strides = array<i32>} : memref<7x8x2048xf32, #tpu.memory_space<vmem>>, vector<1x1x16xf32>,
        %swap3A_1893 = vector.shape_cast %swap3A_1892 : vector<1x1x16xf32> to vector<16xf32>
        %swap3A_1894 = vector.shape_cast %mul3A_1888 : vector<16xf32> to vector<1x1x16xf32>
        tpu.vector_store %arg6[%swap3A_1889, %swap3A_1890, %swap3A_1891], %swap3A_1894 {strides = array<i32>} : memref<7x8x2048xf32, #tpu.memory_space<vmem>>, vector<1x1x16xf32>,
        %get3A_1895 = arith.index_cast %rem3A_224 : i32 to index
        %get3A_1896 = arith.index_cast %scan3A_272 : i32 to index
        %get3A_1897 = arith.constant 1856 : index
        %get3A_1898 = tpu.vector_load %arg6[%get3A_1895, %get3A_1896, %get3A_1897] {strides = array<i32>} : memref<7x8x2048xf32, #tpu.memory_space<vmem>>, vector<1x1x16xf32>,
        %get3A_1899 = vector.shape_cast %get3A_1898 : vector<1x1x16xf32> to vector<16xf32>
        %mul3A_1900 = arith.constant 45.2548332 : f32
        %mul3A_1901 = vector.broadcast %mul3A_1900 : f32 to vector<16xf32>
        %mul3A_1902 = arith.mulf %get3A_1899, %mul3A_1901 : vector<16xf32>
        %swap3A_1903 = arith.index_cast %rem3A_224 : i32 to index
        %swap3A_1904 = arith.index_cast %scan3A_272 : i32 to index
        %swap3A_1905 = arith.constant 1856 : index
        %swap3A_1906 = tpu.vector_load %arg6[%swap3A_1903, %swap3A_1904, %swap3A_1905] {strides = array<i32>} : memref<7x8x2048xf32, #tpu.memory_space<vmem>>, vector<1x1x16xf32>,
        %swap3A_1907 = vector.shape_cast %swap3A_1906 : vector<1x1x16xf32> to vector<16xf32>
        %swap3A_1908 = vector.shape_cast %mul3A_1902 : vector<16xf32> to vector<1x1x16xf32>
        tpu.vector_store %arg6[%swap3A_1903, %swap3A_1904, %swap3A_1905], %swap3A_1908 {strides = array<i32>} : memref<7x8x2048xf32, #tpu.memory_space<vmem>>, vector<1x1x16xf32>,
        %get3A_1909 = arith.index_cast %rem3A_224 : i32 to index
        %get3A_1910 = arith.index_cast %scan3A_272 : i32 to index
        %get3A_1911 = arith.constant 1872 : index
        %get3A_1912 = tpu.vector_load %arg6[%get3A_1909, %get3A_1910, %get3A_1911] {strides = array<i32>} : memref<7x8x2048xf32, #tpu.memory_space<vmem>>, vector<1x1x16xf32>,
        %get3A_1913 = vector.shape_cast %get3A_1912 : vector<1x1x16xf32> to vector<16xf32>
        %mul3A_1914 = arith.constant 45.2548332 : f32
        %mul3A_1915 = vector.broadcast %mul3A_1914 : f32 to vector<16xf32>
        %mul3A_1916 = arith.mulf %get3A_1913, %mul3A_1915 : vector<16xf32>
        %swap3A_1917 = arith.index_cast %rem3A_224 : i32 to index
        %swap3A_1918 = arith.index_cast %scan3A_272 : i32 to index
        %swap3A_1919 = arith.constant 1872 : index
        %swap3A_1920 = tpu.vector_load %arg6[%swap3A_1917, %swap3A_1918, %swap3A_1919] {strides = array<i32>} : memref<7x8x2048xf32, #tpu.memory_space<vmem>>, vector<1x1x16xf32>,
        %swap3A_1921 = vector.shape_cast %swap3A_1920 : vector<1x1x16xf32> to vector<16xf32>
        %swap3A_1922 = vector.shape_cast %mul3A_1916 : vector<16xf32> to vector<1x1x16xf32>
        tpu.vector_store %arg6[%swap3A_1917, %swap3A_1918, %swap3A_1919], %swap3A_1922 {strides = array<i32>} : memref<7x8x2048xf32, #tpu.memory_space<vmem>>, vector<1x1x16xf32>,
        %get3A_1923 = arith.index_cast %rem3A_224 : i32 to index
        %get3A_1924 = arith.index_cast %scan3A_272 : i32 to index
        %get3A_1925 = arith.constant 1888 : index
        %get3A_1926 = tpu.vector_load %arg6[%get3A_1923, %get3A_1924, %get3A_1925] {strides = array<i32>} : memref<7x8x2048xf32, #tpu.memory_space<vmem>>, vector<1x1x16xf32>,
        %get3A_1927 = vector.shape_cast %get3A_1926 : vector<1x1x16xf32> to vector<16xf32>
        %mul3A_1928 = arith.constant 45.2548332 : f32
        %mul3A_1929 = vector.broadcast %mul3A_1928 : f32 to vector<16xf32>
        %mul3A_1930 = arith.mulf %get3A_1927, %mul3A_1929 : vector<16xf32>
        %swap3A_1931 = arith.index_cast %rem3A_224 : i32 to index
        %swap3A_1932 = arith.index_cast %scan3A_272 : i32 to index
        %swap3A_1933 = arith.constant 1888 : index
        %swap3A_1934 = tpu.vector_load %arg6[%swap3A_1931, %swap3A_1932, %swap3A_1933] {strides = array<i32>} : memref<7x8x2048xf32, #tpu.memory_space<vmem>>, vector<1x1x16xf32>,
        %swap3A_1935 = vector.shape_cast %swap3A_1934 : vector<1x1x16xf32> to vector<16xf32>
        %swap3A_1936 = vector.shape_cast %mul3A_1930 : vector<16xf32> to vector<1x1x16xf32>
        tpu.vector_store %arg6[%swap3A_1931, %swap3A_1932, %swap3A_1933], %swap3A_1936 {strides = array<i32>} : memref<7x8x2048xf32, #tpu.memory_space<vmem>>, vector<1x1x16xf32>,
        %get3A_1937 = arith.index_cast %rem3A_224 : i32 to index
        %get3A_1938 = arith.index_cast %scan3A_272 : i32 to index
        %get3A_1939 = arith.constant 1904 : index
        %get3A_1940 = tpu.vector_load %arg6[%get3A_1937, %get3A_1938, %get3A_1939] {strides = array<i32>} : memref<7x8x2048xf32, #tpu.memory_space<vmem>>, vector<1x1x16xf32>,
        %get3A_1941 = vector.shape_cast %get3A_1940 : vector<1x1x16xf32> to vector<16xf32>
        %mul3A_1942 = arith.constant 45.2548332 : f32
        %mul3A_1943 = vector.broadcast %mul3A_1942 : f32 to vector<16xf32>
        %mul3A_1944 = arith.mulf %get3A_1941, %mul3A_1943 : vector<16xf32>
        %swap3A_1945 = arith.index_cast %rem3A_224 : i32 to index
        %swap3A_1946 = arith.index_cast %scan3A_272 : i32 to index
        %swap3A_1947 = arith.constant 1904 : index
        %swap3A_1948 = tpu.vector_load %arg6[%swap3A_1945, %swap3A_1946, %swap3A_1947] {strides = array<i32>} : memref<7x8x2048xf32, #tpu.memory_space<vmem>>, vector<1x1x16xf32>,
        %swap3A_1949 = vector.shape_cast %swap3A_1948 : vector<1x1x16xf32> to vector<16xf32>
        %swap3A_1950 = vector.shape_cast %mul3A_1944 : vector<16xf32> to vector<1x1x16xf32>
        tpu.vector_store %arg6[%swap3A_1945, %swap3A_1946, %swap3A_1947], %swap3A_1950 {strides = array<i32>} : memref<7x8x2048xf32, #tpu.memory_space<vmem>>, vector<1x1x16xf32>,
        %get3A_1951 = arith.index_cast %rem3A_224 : i32 to index
        %get3A_1952 = arith.index_cast %scan3A_272 : i32 to index
        %get3A_1953 = arith.constant 1920 : index
        %get3A_1954 = tpu.vector_load %arg6[%get3A_1951, %get3A_1952, %get3A_1953] {strides = array<i32>} : memref<7x8x2048xf32, #tpu.memory_space<vmem>>, vector<1x1x16xf32>,
        %get3A_1955 = vector.shape_cast %get3A_1954 : vector<1x1x16xf32> to vector<16xf32>
        %mul3A_1956 = arith.constant 45.2548332 : f32
        %mul3A_1957 = vector.broadcast %mul3A_1956 : f32 to vector<16xf32>
        %mul3A_1958 = arith.mulf %get3A_1955, %mul3A_1957 : vector<16xf32>
        %swap3A_1959 = arith.index_cast %rem3A_224 : i32 to index
        %swap3A_1960 = arith.index_cast %scan3A_272 : i32 to index
        %swap3A_1961 = arith.constant 1920 : index
        %swap3A_1962 = tpu.vector_load %arg6[%swap3A_1959, %swap3A_1960, %swap3A_1961] {strides = array<i32>} : memref<7x8x2048xf32, #tpu.memory_space<vmem>>, vector<1x1x16xf32>,
        %swap3A_1963 = vector.shape_cast %swap3A_1962 : vector<1x1x16xf32> to vector<16xf32>
        %swap3A_1964 = vector.shape_cast %mul3A_1958 : vector<16xf32> to vector<1x1x16xf32>
        tpu.vector_store %arg6[%swap3A_1959, %swap3A_1960, %swap3A_1961], %swap3A_1964 {strides = array<i32>} : memref<7x8x2048xf32, #tpu.memory_space<vmem>>, vector<1x1x16xf32>,
        %get3A_1965 = arith.index_cast %rem3A_224 : i32 to index
        %get3A_1966 = arith.index_cast %scan3A_272 : i32 to index
        %get3A_1967 = arith.constant 1936 : index
        %get3A_1968 = tpu.vector_load %arg6[%get3A_1965, %get3A_1966, %get3A_1967] {strides = array<i32>} : memref<7x8x2048xf32, #tpu.memory_space<vmem>>, vector<1x1x16xf32>,
        %get3A_1969 = vector.shape_cast %get3A_1968 : vector<1x1x16xf32> to vector<16xf32>
        %mul3A_1970 = arith.constant 45.2548332 : f32
        %mul3A_1971 = vector.broadcast %mul3A_1970 : f32 to vector<16xf32>
        %mul3A_1972 = arith.mulf %get3A_1969, %mul3A_1971 : vector<16xf32>
        %swap3A_1973 = arith.index_cast %rem3A_224 : i32 to index
        %swap3A_1974 = arith.index_cast %scan3A_272 : i32 to index
        %swap3A_1975 = arith.constant 1936 : index
        %swap3A_1976 = tpu.vector_load %arg6[%swap3A_1973, %swap3A_1974, %swap3A_1975] {strides = array<i32>} : memref<7x8x2048xf32, #tpu.memory_space<vmem>>, vector<1x1x16xf32>,
        %swap3A_1977 = vector.shape_cast %swap3A_1976 : vector<1x1x16xf32> to vector<16xf32>
        %swap3A_1978 = vector.shape_cast %mul3A_1972 : vector<16xf32> to vector<1x1x16xf32>
        tpu.vector_store %arg6[%swap3A_1973, %swap3A_1974, %swap3A_1975], %swap3A_1978 {strides = array<i32>} : memref<7x8x2048xf32, #tpu.memory_space<vmem>>, vector<1x1x16xf32>,
        %get3A_1979 = arith.index_cast %rem3A_224 : i32 to index
        %get3A_1980 = arith.index_cast %scan3A_272 : i32 to index
        %get3A_1981 = arith.constant 1952 : index
        %get3A_1982 = tpu.vector_load %arg6[%get3A_1979, %get3A_1980, %get3A_1981] {strides = array<i32>} : memref<7x8x2048xf32, #tpu.memory_space<vmem>>, vector<1x1x16xf32>,
        %get3A_1983 = vector.shape_cast %get3A_1982 : vector<1x1x16xf32> to vector<16xf32>
        %mul3A_1984 = arith.constant 45.2548332 : f32
        %mul3A_1985 = vector.broadcast %mul3A_1984 : f32 to vector<16xf32>
        %mul3A_1986 = arith.mulf %get3A_1983, %mul3A_1985 : vector<16xf32>
        %swap3A_1987 = arith.index_cast %rem3A_224 : i32 to index
        %swap3A_1988 = arith.index_cast %scan3A_272 : i32 to index
        %swap3A_1989 = arith.constant 1952 : index
        %swap3A_1990 = tpu.vector_load %arg6[%swap3A_1987, %swap3A_1988, %swap3A_1989] {strides = array<i32>} : memref<7x8x2048xf32, #tpu.memory_space<vmem>>, vector<1x1x16xf32>,
        %swap3A_1991 = vector.shape_cast %swap3A_1990 : vector<1x1x16xf32> to vector<16xf32>
        %swap3A_1992 = vector.shape_cast %mul3A_1986 : vector<16xf32> to vector<1x1x16xf32>
        tpu.vector_store %arg6[%swap3A_1987, %swap3A_1988, %swap3A_1989], %swap3A_1992 {strides = array<i32>} : memref<7x8x2048xf32, #tpu.memory_space<vmem>>, vector<1x1x16xf32>,
        %get3A_1993 = arith.index_cast %rem3A_224 : i32 to index
        %get3A_1994 = arith.index_cast %scan3A_272 : i32 to index
        %get3A_1995 = arith.constant 1968 : index
        %get3A_1996 = tpu.vector_load %arg6[%get3A_1993, %get3A_1994, %get3A_1995] {strides = array<i32>} : memref<7x8x2048xf32, #tpu.memory_space<vmem>>, vector<1x1x16xf32>,
        %get3A_1997 = vector.shape_cast %get3A_1996 : vector<1x1x16xf32> to vector<16xf32>
        %mul3A_1998 = arith.constant 45.2548332 : f32
        %mul3A_1999 = vector.broadcast %mul3A_1998 : f32 to vector<16xf32>
        %mul3A_2000 = arith.mulf %get3A_1997, %mul3A_1999 : vector<16xf32>
        %swap3A_2001 = arith.index_cast %rem3A_224 : i32 to index
        %swap3A_2002 = arith.index_cast %scan3A_272 : i32 to index
        %swap3A_2003 = arith.constant 1968 : index
        %swap3A_2004 = tpu.vector_load %arg6[%swap3A_2001, %swap3A_2002, %swap3A_2003] {strides = array<i32>} : memref<7x8x2048xf32, #tpu.memory_space<vmem>>, vector<1x1x16xf32>,
        %swap3A_2005 = vector.shape_cast %swap3A_2004 : vector<1x1x16xf32> to vector<16xf32>
        %swap3A_2006 = vector.shape_cast %mul3A_2000 : vector<16xf32> to vector<1x1x16xf32>
        tpu.vector_store %arg6[%swap3A_2001, %swap3A_2002, %swap3A_2003], %swap3A_2006 {strides = array<i32>} : memref<7x8x2048xf32, #tpu.memory_space<vmem>>, vector<1x1x16xf32>,
        %get3A_2007 = arith.index_cast %rem3A_224 : i32 to index
        %get3A_2008 = arith.index_cast %scan3A_272 : i32 to index
        %get3A_2009 = arith.constant 1984 : index
        %get3A_2010 = tpu.vector_load %arg6[%get3A_2007, %get3A_2008, %get3A_2009] {strides = array<i32>} : memref<7x8x2048xf32, #tpu.memory_space<vmem>>, vector<1x1x16xf32>,
        %get3A_2011 = vector.shape_cast %get3A_2010 : vector<1x1x16xf32> to vector<16xf32>
        %mul3A_2012 = arith.constant 45.2548332 : f32
        %mul3A_2013 = vector.broadcast %mul3A_2012 : f32 to vector<16xf32>
        %mul3A_2014 = arith.mulf %get3A_2011, %mul3A_2013 : vector<16xf32>
        %swap3A_2015 = arith.index_cast %rem3A_224 : i32 to index
        %swap3A_2016 = arith.index_cast %scan3A_272 : i32 to index
        %swap3A_2017 = arith.constant 1984 : index
        %swap3A_2018 = tpu.vector_load %arg6[%swap3A_2015, %swap3A_2016, %swap3A_2017] {strides = array<i32>} : memref<7x8x2048xf32, #tpu.memory_space<vmem>>, vector<1x1x16xf32>,
        %swap3A_2019 = vector.shape_cast %swap3A_2018 : vector<1x1x16xf32> to vector<16xf32>
        %swap3A_2020 = vector.shape_cast %mul3A_2014 : vector<16xf32> to vector<1x1x16xf32>
        tpu.vector_store %arg6[%swap3A_2015, %swap3A_2016, %swap3A_2017], %swap3A_2020 {strides = array<i32>} : memref<7x8x2048xf32, #tpu.memory_space<vmem>>, vector<1x1x16xf32>,
        %get3A_2021 = arith.index_cast %rem3A_224 : i32 to index
        %get3A_2022 = arith.index_cast %scan3A_272 : i32 to index
        %get3A_2023 = arith.constant 2000 : index
        %get3A_2024 = tpu.vector_load %arg6[%get3A_2021, %get3A_2022, %get3A_2023] {strides = array<i32>} : memref<7x8x2048xf32, #tpu.memory_space<vmem>>, vector<1x1x16xf32>,
        %get3A_2025 = vector.shape_cast %get3A_2024 : vector<1x1x16xf32> to vector<16xf32>
        %mul3A_2026 = arith.constant 45.2548332 : f32
        %mul3A_2027 = vector.broadcast %mul3A_2026 : f32 to vector<16xf32>
        %mul3A_2028 = arith.mulf %get3A_2025, %mul3A_2027 : vector<16xf32>
        %swap3A_2029 = arith.index_cast %rem3A_224 : i32 to index
        %swap3A_2030 = arith.index_cast %scan3A_272 : i32 to index
        %swap3A_2031 = arith.constant 2000 : index
        %swap3A_2032 = tpu.vector_load %arg6[%swap3A_2029, %swap3A_2030, %swap3A_2031] {strides = array<i32>} : memref<7x8x2048xf32, #tpu.memory_space<vmem>>, vector<1x1x16xf32>,
        %swap3A_2033 = vector.shape_cast %swap3A_2032 : vector<1x1x16xf32> to vector<16xf32>
        %swap3A_2034 = vector.shape_cast %mul3A_2028 : vector<16xf32> to vector<1x1x16xf32>
        tpu.vector_store %arg6[%swap3A_2029, %swap3A_2030, %swap3A_2031], %swap3A_2034 {strides = array<i32>} : memref<7x8x2048xf32, #tpu.memory_space<vmem>>, vector<1x1x16xf32>,
        %get3A_2035 = arith.index_cast %rem3A_224 : i32 to index
        %get3A_2036 = arith.index_cast %scan3A_272 : i32 to index
        %get3A_2037 = arith.constant 2016 : index
        %get3A_2038 = tpu.vector_load %arg6[%get3A_2035, %get3A_2036, %get3A_2037] {strides = array<i32>} : memref<7x8x2048xf32, #tpu.memory_space<vmem>>, vector<1x1x16xf32>,
        %get3A_2039 = vector.shape_cast %get3A_2038 : vector<1x1x16xf32> to vector<16xf32>
        %mul3A_2040 = arith.constant 45.2548332 : f32
        %mul3A_2041 = vector.broadcast %mul3A_2040 : f32 to vector<16xf32>
        %mul3A_2042 = arith.mulf %get3A_2039, %mul3A_2041 : vector<16xf32>
        %swap3A_2043 = arith.index_cast %rem3A_224 : i32 to index
        %swap3A_2044 = arith.index_cast %scan3A_272 : i32 to index
        %swap3A_2045 = arith.constant 2016 : index
        %swap3A_2046 = tpu.vector_load %arg6[%swap3A_2043, %swap3A_2044, %swap3A_2045] {strides = array<i32>} : memref<7x8x2048xf32, #tpu.memory_space<vmem>>, vector<1x1x16xf32>,
        %swap3A_2047 = vector.shape_cast %swap3A_2046 : vector<1x1x16xf32> to vector<16xf32>
        %swap3A_2048 = vector.shape_cast %mul3A_2042 : vector<16xf32> to vector<1x1x16xf32>
        tpu.vector_store %arg6[%swap3A_2043, %swap3A_2044, %swap3A_2045], %swap3A_2048 {strides = array<i32>} : memref<7x8x2048xf32, #tpu.memory_space<vmem>>, vector<1x1x16xf32>,
        %get3A_2049 = arith.index_cast %rem3A_224 : i32 to index
        %get3A_2050 = arith.index_cast %scan3A_272 : i32 to index
        %get3A_2051 = arith.constant 2032 : index
        %get3A_2052 = tpu.vector_load %arg6[%get3A_2049, %get3A_2050, %get3A_2051] {strides = array<i32>} : memref<7x8x2048xf32, #tpu.memory_space<vmem>>, vector<1x1x16xf32>,
        %get3A_2053 = vector.shape_cast %get3A_2052 : vector<1x1x16xf32> to vector<16xf32>
        %mul3A_2054 = arith.constant 45.2548332 : f32
        %mul3A_2055 = vector.broadcast %mul3A_2054 : f32 to vector<16xf32>
        %mul3A_2056 = arith.mulf %get3A_2053, %mul3A_2055 : vector<16xf32>
        %swap3A_2057 = arith.index_cast %rem3A_224 : i32 to index
        %swap3A_2058 = arith.index_cast %scan3A_272 : i32 to index
        %swap3A_2059 = arith.constant 2032 : index
        %swap3A_2060 = tpu.vector_load %arg6[%swap3A_2057, %swap3A_2058, %swap3A_2059] {strides = array<i32>} : memref<7x8x2048xf32, #tpu.memory_space<vmem>>, vector<1x1x16xf32>,
        %swap3A_2061 = vector.shape_cast %swap3A_2060 : vector<1x1x16xf32> to vector<16xf32>
        %swap3A_2062 = vector.shape_cast %mul3A_2056 : vector<16xf32> to vector<1x1x16xf32>
        tpu.vector_store %arg6[%swap3A_2057, %swap3A_2058, %swap3A_2059], %swap3A_2062 {strides = array<i32>} : memref<7x8x2048xf32, #tpu.memory_space<vmem>>, vector<1x1x16xf32>,
      }
      %scan3A_242 = arith.constant 8 : i32
      %sub3A = arith.constant 2 : i32
      %sub3A_243 = arith.subi %rem3A_224, %sub3A : i32
      %add3A_244 = arith.constant 7 : i32
      %add3A_245 = arith.addi %sub3A_243, %add3A_244 : i32
      %rem3A_246 = arith.constant 7 : i32
      %rem3A_247 = arith.remsi %add3A_245, %rem3A_246 : i32
      %add3A_248 = arith.constant 7 : i32
      %add3A_249 = arith.addi %scan3A_223, %add3A_248 : i32
      %sub3A_250 = arith.constant 2 : i32
      %sub3A_251 = arith.subi %add3A_249, %sub3A_250 : i32
      %ge3A = arith.constant 2 : i32
      %ge3A_252 = arith.cmpi sge, %scan3A_223, %ge3A : i32
      %lt3A = arith.constant 64 : i32
      %lt3A_253 = arith.cmpi slt, %sub3A_251, %lt3A : i32
      %and3A = arith.andi %ge3A_252, %lt3A_253 : i1
      %convert_element_type3A = arith.extui %and3A : i1 to i32
      %cond3A = arith.constant 0 : i32
      %cond3A_254 = arith.cmpi ne, %convert_element_type3A, %cond3A : i32
      scf.if %cond3A_254 {
        %sub3A_272 = arith.constant 7 : i32
        %sub3A_273 = arith.subi %sub3A_251, %sub3A_272 : i32
        %mul3A_274 = arith.constant 8 : i32
        %mul3A_275 = arith.muli %sub3A_273, %mul3A_274 : i32
        %add3A_276 = arith.addi %mul3A_2, %mul3A_275 : i32
        %dma_wait3A_277 = arith.constant 0 : i32
        %dma_wait3A_278 = arith.constant 0 : i32
        %dma_wait3A_279 = tpu.memref_slice %arg6[%rem3A_247, %dma_wait3A_277, %dma_wait3A_278] : memref<7x8x2048xf32, #tpu.memory_space<vmem>> -> memref<1x8x2048xf32, #tpu.memory_space<vmem>>
        %dma_wait3A_280 = tpu.memref_squeeze %dma_wait3A_279 : memref<1x8x2048xf32, #tpu.memory_space<vmem>> -> memref<8x2048xf32, #tpu.memory_space<vmem>>
        %dma_wait3A_281 = arith.constant 0 : i32
        %dma_wait3A_282 = tpu.memref_slice %arg4[%add3A_276, %dma_wait3A_281] : memref<16384x2048xf32, #tpu.memory_space<hbm>> -> memref<8x2048xf32, #tpu.memory_space<hbm>>
        %dma_wait3A_283 = tpu.memref_slice %arg8[%rem3A_247] : memref<7x!tpu.dma_semaphore, #tpu.memory_space<semaphore_mem>> -> memref<1x!tpu.dma_semaphore, #tpu.memory_space<semaphore_mem>>
        %dma_wait3A_284 = tpu.memref_squeeze %dma_wait3A_283 : memref<1x!tpu.dma_semaphore, #tpu.memory_space<semaphore_mem>> -> memref<!tpu.dma_semaphore, #tpu.memory_space<semaphore_mem>>
        %dma_wait3A_285 = arith.constant 0 : i32
        %dma_wait3A_286 = tpu.memref_slice %arg4[%add3A_276, %dma_wait3A_285] : memref<16384x2048xf32, #tpu.memory_space<hbm>> -> memref<8x2048xf32, #tpu.memory_space<hbm>>
        %dma_wait3A_287 = arith.constant 0 : i32
        %dma_wait3A_288 = arith.constant 0 : i32
        %dma_wait3A_289 = tpu.memref_slice %arg6[%rem3A_247, %dma_wait3A_287, %dma_wait3A_288] : memref<7x8x2048xf32, #tpu.memory_space<vmem>> -> memref<1x8x2048xf32, #tpu.memory_space<vmem>>
        %dma_wait3A_290 = tpu.memref_squeeze %dma_wait3A_289 : memref<1x8x2048xf32, #tpu.memory_space<vmem>> -> memref<8x2048xf32, #tpu.memory_space<vmem>>
        tpu.wait_dma2 semaphore(%dma_wait3A_284 : memref<!tpu.dma_semaphore, #tpu.memory_space<semaphore_mem>>) src(%dma_wait3A_290 : memref<8x2048xf32, #tpu.memory_space<vmem>>) dst(%dma_wait3A_286 : memref<8x2048xf32, #tpu.memory_space<hbm>>)
        %mul3A_291 = arith.constant 8 : i32
        %mul3A_292 = arith.muli %sub3A_251, %mul3A_291 : i32
        %dma_start3A_293 = arith.constant 0 : i32
        %dma_start3A_294 = arith.constant 0 : i32
        %dma_start3A_295 = tpu.memref_slice %arg6[%rem3A_247, %dma_start3A_293, %dma_start3A_294] : memref<7x8x2048xf32, #tpu.memory_space<vmem>> -> memref<1x8x2048xf32, #tpu.memory_space<vmem>>
        %dma_start3A_296 = tpu.memref_squeeze %dma_start3A_295 : memref<1x8x2048xf32, #tpu.memory_space<vmem>> -> memref<8x2048xf32, #tpu.memory_space<vmem>>
        %dma_start3A_297 = tpu.memref_slice %arg5[%mul3A_292] : memref<512xi32, #tpu.memory_space<vmem>> -> memref<8xi32, #tpu.memory_space<vmem>>
        %dma_start3A_298 = arith.constant 0 : i32
        %dma_start3A_299 = arith.constant 0 : i32
        %dma_start3A_300 = tpu.memref_slice %arg3[%dma_start3A_298, %dma_start3A_299] : memref<100000x2048xf32, #tpu.memory_space<hbm>> -> memref<100000x2048xf32, #tpu.memory_space<hbm>>
        %dma_start3A_301 = tpu.memref_slice %arg7[%rem3A_247] : memref<7x!tpu.dma_semaphore, #tpu.memory_space<semaphore_mem>> -> memref<1x!tpu.dma_semaphore, #tpu.memory_space<semaphore_mem>>
        %dma_start3A_302 = tpu.memref_squeeze %dma_start3A_301 : memref<1x!tpu.dma_semaphore, #tpu.memory_space<semaphore_mem>> -> memref<!tpu.dma_semaphore, #tpu.memory_space<semaphore_mem>>
        tpu.enqueue_indirect_dma source(%dma_start3A_300 : memref<100000x2048xf32, #tpu.memory_space<hbm>>) target(%dma_start3A_296 : memref<8x2048xf32, #tpu.memory_space<vmem>>) offsets(%dma_start3A_297 : memref<8xi32, #tpu.memory_space<vmem>>) semaphore(%dma_start3A_302 : memref<!tpu.dma_semaphore, #tpu.memory_space<semaphore_mem>>)
      } else {
      }
      %mul3A_255 = arith.constant 8 : i32
      %mul3A_256 = arith.muli %scan3A_223, %mul3A_255 : i32
      %add3A_257 = arith.addi %mul3A_2, %mul3A_256 : i32
      %dma_start3A_258 = arith.constant 0 : i32
      %dma_start3A_259 = arith.constant 0 : i32
      %dma_start3A_260 = tpu.memref_slice %arg6[%rem3A_224, %dma_start3A_258, %dma_start3A_259] : memref<7x8x2048xf32, #tpu.memory_space<vmem>> -> memref<1x8x2048xf32, #tpu.memory_space<vmem>>
      %dma_start3A_261 = tpu.memref_squeeze %dma_start3A_260 : memref<1x8x2048xf32, #tpu.memory_space<vmem>> -> memref<8x2048xf32, #tpu.memory_space<vmem>>
      %dma_start3A_262 = arith.constant 0 : i32
      %dma_start3A_263 = tpu.memref_slice %arg4[%add3A_257, %dma_start3A_262] : memref<16384x2048xf32, #tpu.memory_space<hbm>> -> memref<8x2048xf32, #tpu.memory_space<hbm>>
      %dma_start3A_264 = tpu.memref_slice %arg8[%rem3A_224] : memref<7x!tpu.dma_semaphore, #tpu.memory_space<semaphore_mem>> -> memref<1x!tpu.dma_semaphore, #tpu.memory_space<semaphore_mem>>
      %dma_start3A_265 = tpu.memref_squeeze %dma_start3A_264 : memref<1x!tpu.dma_semaphore, #tpu.memory_space<semaphore_mem>> -> memref<!tpu.dma_semaphore, #tpu.memory_space<semaphore_mem>>
      %dma_start3A_266 = arith.constant 0 : i32
      %dma_start3A_267 = tpu.memref_slice %arg4[%add3A_257, %dma_start3A_266] : memref<16384x2048xf32, #tpu.memory_space<hbm>> -> memref<8x2048xf32, #tpu.memory_space<hbm>>
      %dma_start3A_268 = arith.constant 0 : i32
      %dma_start3A_269 = arith.constant 0 : i32
      %dma_start3A_270 = tpu.memref_slice %arg6[%rem3A_224, %dma_start3A_268, %dma_start3A_269] : memref<7x8x2048xf32, #tpu.memory_space<vmem>> -> memref<1x8x2048xf32, #tpu.memory_space<vmem>>
      %dma_start3A_271 = tpu.memref_squeeze %dma_start3A_270 : memref<1x8x2048xf32, #tpu.memory_space<vmem>> -> memref<8x2048xf32, #tpu.memory_space<vmem>>
      tpu.enqueue_dma source(%dma_start3A_271 : memref<8x2048xf32, #tpu.memory_space<vmem>>) target(%dma_start3A_267 : memref<8x2048xf32, #tpu.memory_space<hbm>>) target_semaphore(%dma_start3A_265 : memref<!tpu.dma_semaphore, #tpu.memory_space<semaphore_mem>>)
    }
    %scan3A_97 = arith.constant 64 : i32
    %add3A_98 = arith.constant 456 : i32
    %add3A_99 = arith.addi %mul3A_2, %add3A_98 : i32
    %dma_wait3A = arith.constant 1 : i32
    %dma_wait3A_100 = arith.constant 1 : i32
    %dma_wait3A_101 = arith.constant 0 : i32
    %dma_wait3A_102 = arith.constant 0 : i32
    %dma_wait3A_103 = tpu.memref_slice %arg6[%dma_wait3A, %dma_wait3A_101, %dma_wait3A_102] : memref<7x8x2048xf32, #tpu.memory_space<vmem>> -> memref<1x8x2048xf32, #tpu.memory_space<vmem>>
    %dma_wait3A_104 = tpu.memref_squeeze %dma_wait3A_103 : memref<1x8x2048xf32, #tpu.memory_space<vmem>> -> memref<8x2048xf32, #tpu.memory_space<vmem>>
    %dma_wait3A_105 = arith.constant 0 : i32
    %dma_wait3A_106 = tpu.memref_slice %arg4[%add3A_99, %dma_wait3A_105] : memref<16384x2048xf32, #tpu.memory_space<hbm>> -> memref<8x2048xf32, #tpu.memory_space<hbm>>
    %dma_wait3A_107 = tpu.memref_slice %arg8[%dma_wait3A_100] : memref<7x!tpu.dma_semaphore, #tpu.memory_space<semaphore_mem>> -> memref<1x!tpu.dma_semaphore, #tpu.memory_space<semaphore_mem>>
    %dma_wait3A_108 = tpu.memref_squeeze %dma_wait3A_107 : memref<1x!tpu.dma_semaphore, #tpu.memory_space<semaphore_mem>> -> memref<!tpu.dma_semaphore, #tpu.memory_space<semaphore_mem>>
    %dma_wait3A_109 = arith.constant 0 : i32
    %dma_wait3A_110 = tpu.memref_slice %arg4[%add3A_99, %dma_wait3A_109] : memref<16384x2048xf32, #tpu.memory_space<hbm>> -> memref<8x2048xf32, #tpu.memory_space<hbm>>
    %dma_wait3A_111 = arith.constant 0 : i32
    %dma_wait3A_112 = arith.constant 0 : i32
    %dma_wait3A_113 = tpu.memref_slice %arg6[%dma_wait3A, %dma_wait3A_111, %dma_wait3A_112] : memref<7x8x2048xf32, #tpu.memory_space<vmem>> -> memref<1x8x2048xf32, #tpu.memory_space<vmem>>
    %dma_wait3A_114 = tpu.memref_squeeze %dma_wait3A_113 : memref<1x8x2048xf32, #tpu.memory_space<vmem>> -> memref<8x2048xf32, #tpu.memory_space<vmem>>
    tpu.wait_dma2 semaphore(%dma_wait3A_108 : memref<!tpu.dma_semaphore, #tpu.memory_space<semaphore_mem>>) src(%dma_wait3A_114 : memref<8x2048xf32, #tpu.memory_space<vmem>>) dst(%dma_wait3A_110 : memref<8x2048xf32, #tpu.memory_space<hbm>>)
    %add3A_115 = arith.constant 464 : i32
    %add3A_116 = arith.addi %mul3A_2, %add3A_115 : i32
    %dma_wait3A_117 = arith.constant 2 : i32
    %dma_wait3A_118 = arith.constant 2 : i32
    %dma_wait3A_119 = arith.constant 0 : i32
    %dma_wait3A_120 = arith.constant 0 : i32
    %dma_wait3A_121 = tpu.memref_slice %arg6[%dma_wait3A_117, %dma_wait3A_119, %dma_wait3A_120] : memref<7x8x2048xf32, #tpu.memory_space<vmem>> -> memref<1x8x2048xf32, #tpu.memory_space<vmem>>
    %dma_wait3A_122 = tpu.memref_squeeze %dma_wait3A_121 : memref<1x8x2048xf32, #tpu.memory_space<vmem>> -> memref<8x2048xf32, #tpu.memory_space<vmem>>
    %dma_wait3A_123 = arith.constant 0 : i32
    %dma_wait3A_124 = tpu.memref_slice %arg4[%add3A_116, %dma_wait3A_123] : memref<16384x2048xf32, #tpu.memory_space<hbm>> -> memref<8x2048xf32, #tpu.memory_space<hbm>>
    %dma_wait3A_125 = tpu.memref_slice %arg8[%dma_wait3A_118] : memref<7x!tpu.dma_semaphore, #tpu.memory_space<semaphore_mem>> -> memref<1x!tpu.dma_semaphore, #tpu.memory_space<semaphore_mem>>
    %dma_wait3A_126 = tpu.memref_squeeze %dma_wait3A_125 : memref<1x!tpu.dma_semaphore, #tpu.memory_space<semaphore_mem>> -> memref<!tpu.dma_semaphore, #tpu.memory_space<semaphore_mem>>
    %dma_wait3A_127 = arith.constant 0 : i32
    %dma_wait3A_128 = tpu.memref_slice %arg4[%add3A_116, %dma_wait3A_127] : memref<16384x2048xf32, #tpu.memory_space<hbm>> -> memref<8x2048xf32, #tpu.memory_space<hbm>>
    %dma_wait3A_129 = arith.constant 0 : i32
    %dma_wait3A_130 = arith.constant 0 : i32
    %dma_wait3A_131 = tpu.memref_slice %arg6[%dma_wait3A_117, %dma_wait3A_129, %dma_wait3A_130] : memref<7x8x2048xf32, #tpu.memory_space<vmem>> -> memref<1x8x2048xf32, #tpu.memory_space<vmem>>
    %dma_wait3A_132 = tpu.memref_squeeze %dma_wait3A_131 : memref<1x8x2048xf32, #tpu.memory_space<vmem>> -> memref<8x2048xf32, #tpu.memory_space<vmem>>
    tpu.wait_dma2 semaphore(%dma_wait3A_126 : memref<!tpu.dma_semaphore, #tpu.memory_space<semaphore_mem>>) src(%dma_wait3A_132 : memref<8x2048xf32, #tpu.memory_space<vmem>>) dst(%dma_wait3A_128 : memref<8x2048xf32, #tpu.memory_space<hbm>>)
    %add3A_133 = arith.constant 472 : i32
    %add3A_134 = arith.addi %mul3A_2, %add3A_133 : i32
    %dma_wait3A_135 = arith.constant 3 : i32
    %dma_wait3A_136 = arith.constant 3 : i32
    %dma_wait3A_137 = arith.constant 0 : i32
    %dma_wait3A_138 = arith.constant 0 : i32
    %dma_wait3A_139 = tpu.memref_slice %arg6[%dma_wait3A_135, %dma_wait3A_137, %dma_wait3A_138] : memref<7x8x2048xf32, #tpu.memory_space<vmem>> -> memref<1x8x2048xf32, #tpu.memory_space<vmem>>
    %dma_wait3A_140 = tpu.memref_squeeze %dma_wait3A_139 : memref<1x8x2048xf32, #tpu.memory_space<vmem>> -> memref<8x2048xf32, #tpu.memory_space<vmem>>
    %dma_wait3A_141 = arith.constant 0 : i32
    %dma_wait3A_142 = tpu.memref_slice %arg4[%add3A_134, %dma_wait3A_141] : memref<16384x2048xf32, #tpu.memory_space<hbm>> -> memref<8x2048xf32, #tpu.memory_space<hbm>>
    %dma_wait3A_143 = tpu.memref_slice %arg8[%dma_wait3A_136] : memref<7x!tpu.dma_semaphore, #tpu.memory_space<semaphore_mem>> -> memref<1x!tpu.dma_semaphore, #tpu.memory_space<semaphore_mem>>
    %dma_wait3A_144 = tpu.memref_squeeze %dma_wait3A_143 : memref<1x!tpu.dma_semaphore, #tpu.memory_space<semaphore_mem>> -> memref<!tpu.dma_semaphore, #tpu.memory_space<semaphore_mem>>
    %dma_wait3A_145 = arith.constant 0 : i32
    %dma_wait3A_146 = tpu.memref_slice %arg4[%add3A_134, %dma_wait3A_145] : memref<16384x2048xf32, #tpu.memory_space<hbm>> -> memref<8x2048xf32, #tpu.memory_space<hbm>>
    %dma_wait3A_147 = arith.constant 0 : i32
    %dma_wait3A_148 = arith.constant 0 : i32
    %dma_wait3A_149 = tpu.memref_slice %arg6[%dma_wait3A_135, %dma_wait3A_147, %dma_wait3A_148] : memref<7x8x2048xf32, #tpu.memory_space<vmem>> -> memref<1x8x2048xf32, #tpu.memory_space<vmem>>
    %dma_wait3A_150 = tpu.memref_squeeze %dma_wait3A_149 : memref<1x8x2048xf32, #tpu.memory_space<vmem>> -> memref<8x2048xf32, #tpu.memory_space<vmem>>
    tpu.wait_dma2 semaphore(%dma_wait3A_144 : memref<!tpu.dma_semaphore, #tpu.memory_space<semaphore_mem>>) src(%dma_wait3A_150 : memref<8x2048xf32, #tpu.memory_space<vmem>>) dst(%dma_wait3A_146 : memref<8x2048xf32, #tpu.memory_space<hbm>>)
    %add3A_151 = arith.constant 480 : i32
    %add3A_152 = arith.addi %mul3A_2, %add3A_151 : i32
    %dma_wait3A_153 = arith.constant 4 : i32
    %dma_wait3A_154 = arith.constant 4 : i32
    %dma_wait3A_155 = arith.constant 0 : i32
    %dma_wait3A_156 = arith.constant 0 : i32
    %dma_wait3A_157 = tpu.memref_slice %arg6[%dma_wait3A_153, %dma_wait3A_155, %dma_wait3A_156] : memref<7x8x2048xf32, #tpu.memory_space<vmem>> -> memref<1x8x2048xf32, #tpu.memory_space<vmem>>
    %dma_wait3A_158 = tpu.memref_squeeze %dma_wait3A_157 : memref<1x8x2048xf32, #tpu.memory_space<vmem>> -> memref<8x2048xf32, #tpu.memory_space<vmem>>
    %dma_wait3A_159 = arith.constant 0 : i32
    %dma_wait3A_160 = tpu.memref_slice %arg4[%add3A_152, %dma_wait3A_159] : memref<16384x2048xf32, #tpu.memory_space<hbm>> -> memref<8x2048xf32, #tpu.memory_space<hbm>>
    %dma_wait3A_161 = tpu.memref_slice %arg8[%dma_wait3A_154] : memref<7x!tpu.dma_semaphore, #tpu.memory_space<semaphore_mem>> -> memref<1x!tpu.dma_semaphore, #tpu.memory_space<semaphore_mem>>
    %dma_wait3A_162 = tpu.memref_squeeze %dma_wait3A_161 : memref<1x!tpu.dma_semaphore, #tpu.memory_space<semaphore_mem>> -> memref<!tpu.dma_semaphore, #tpu.memory_space<semaphore_mem>>
    %dma_wait3A_163 = arith.constant 0 : i32
    %dma_wait3A_164 = tpu.memref_slice %arg4[%add3A_152, %dma_wait3A_163] : memref<16384x2048xf32, #tpu.memory_space<hbm>> -> memref<8x2048xf32, #tpu.memory_space<hbm>>
    %dma_wait3A_165 = arith.constant 0 : i32
    %dma_wait3A_166 = arith.constant 0 : i32
    %dma_wait3A_167 = tpu.memref_slice %arg6[%dma_wait3A_153, %dma_wait3A_165, %dma_wait3A_166] : memref<7x8x2048xf32, #tpu.memory_space<vmem>> -> memref<1x8x2048xf32, #tpu.memory_space<vmem>>
    %dma_wait3A_168 = tpu.memref_squeeze %dma_wait3A_167 : memref<1x8x2048xf32, #tpu.memory_space<vmem>> -> memref<8x2048xf32, #tpu.memory_space<vmem>>
    tpu.wait_dma2 semaphore(%dma_wait3A_162 : memref<!tpu.dma_semaphore, #tpu.memory_space<semaphore_mem>>) src(%dma_wait3A_168 : memref<8x2048xf32, #tpu.memory_space<vmem>>) dst(%dma_wait3A_164 : memref<8x2048xf32, #tpu.memory_space<hbm>>)
    %add3A_169 = arith.constant 488 : i32
    %add3A_170 = arith.addi %mul3A_2, %add3A_169 : i32
    %dma_wait3A_171 = arith.constant 5 : i32
    %dma_wait3A_172 = arith.constant 5 : i32
    %dma_wait3A_173 = arith.constant 0 : i32
    %dma_wait3A_174 = arith.constant 0 : i32
    %dma_wait3A_175 = tpu.memref_slice %arg6[%dma_wait3A_171, %dma_wait3A_173, %dma_wait3A_174] : memref<7x8x2048xf32, #tpu.memory_space<vmem>> -> memref<1x8x2048xf32, #tpu.memory_space<vmem>>
    %dma_wait3A_176 = tpu.memref_squeeze %dma_wait3A_175 : memref<1x8x2048xf32, #tpu.memory_space<vmem>> -> memref<8x2048xf32, #tpu.memory_space<vmem>>
    %dma_wait3A_177 = arith.constant 0 : i32
    %dma_wait3A_178 = tpu.memref_slice %arg4[%add3A_170, %dma_wait3A_177] : memref<16384x2048xf32, #tpu.memory_space<hbm>> -> memref<8x2048xf32, #tpu.memory_space<hbm>>
    %dma_wait3A_179 = tpu.memref_slice %arg8[%dma_wait3A_172] : memref<7x!tpu.dma_semaphore, #tpu.memory_space<semaphore_mem>> -> memref<1x!tpu.dma_semaphore, #tpu.memory_space<semaphore_mem>>
    %dma_wait3A_180 = tpu.memref_squeeze %dma_wait3A_179 : memref<1x!tpu.dma_semaphore, #tpu.memory_space<semaphore_mem>> -> memref<!tpu.dma_semaphore, #tpu.memory_space<semaphore_mem>>
    %dma_wait3A_181 = arith.constant 0 : i32
    %dma_wait3A_182 = tpu.memref_slice %arg4[%add3A_170, %dma_wait3A_181] : memref<16384x2048xf32, #tpu.memory_space<hbm>> -> memref<8x2048xf32, #tpu.memory_space<hbm>>
    %dma_wait3A_183 = arith.constant 0 : i32
    %dma_wait3A_184 = arith.constant 0 : i32
    %dma_wait3A_185 = tpu.memref_slice %arg6[%dma_wait3A_171, %dma_wait3A_183, %dma_wait3A_184] : memref<7x8x2048xf32, #tpu.memory_space<vmem>> -> memref<1x8x2048xf32, #tpu.memory_space<vmem>>
    %dma_wait3A_186 = tpu.memref_squeeze %dma_wait3A_185 : memref<1x8x2048xf32, #tpu.memory_space<vmem>> -> memref<8x2048xf32, #tpu.memory_space<vmem>>
    tpu.wait_dma2 semaphore(%dma_wait3A_180 : memref<!tpu.dma_semaphore, #tpu.memory_space<semaphore_mem>>) src(%dma_wait3A_186 : memref<8x2048xf32, #tpu.memory_space<vmem>>) dst(%dma_wait3A_182 : memref<8x2048xf32, #tpu.memory_space<hbm>>)
    %add3A_187 = arith.constant 496 : i32
    %add3A_188 = arith.addi %mul3A_2, %add3A_187 : i32
    %dma_wait3A_189 = arith.constant 6 : i32
    %dma_wait3A_190 = arith.constant 6 : i32
    %dma_wait3A_191 = arith.constant 0 : i32
    %dma_wait3A_192 = arith.constant 0 : i32
    %dma_wait3A_193 = tpu.memref_slice %arg6[%dma_wait3A_189, %dma_wait3A_191, %dma_wait3A_192] : memref<7x8x2048xf32, #tpu.memory_space<vmem>> -> memref<1x8x2048xf32, #tpu.memory_space<vmem>>
    %dma_wait3A_194 = tpu.memref_squeeze %dma_wait3A_193 : memref<1x8x2048xf32, #tpu.memory_space<vmem>> -> memref<8x2048xf32, #tpu.memory_space<vmem>>
    %dma_wait3A_195 = arith.constant 0 : i32
    %dma_wait3A_196 = tpu.memref_slice %arg4[%add3A_188, %dma_wait3A_195] : memref<16384x2048xf32, #tpu.memory_space<hbm>> -> memref<8x2048xf32, #tpu.memory_space<hbm>>
    %dma_wait3A_197 = tpu.memref_slice %arg8[%dma_wait3A_190] : memref<7x!tpu.dma_semaphore, #tpu.memory_space<semaphore_mem>> -> memref<1x!tpu.dma_semaphore, #tpu.memory_space<semaphore_mem>>
    %dma_wait3A_198 = tpu.memref_squeeze %dma_wait3A_197 : memref<1x!tpu.dma_semaphore, #tpu.memory_space<semaphore_mem>> -> memref<!tpu.dma_semaphore, #tpu.memory_space<semaphore_mem>>
    %dma_wait3A_199 = arith.constant 0 : i32
    %dma_wait3A_200 = tpu.memref_slice %arg4[%add3A_188, %dma_wait3A_199] : memref<16384x2048xf32, #tpu.memory_space<hbm>> -> memref<8x2048xf32, #tpu.memory_space<hbm>>
    %dma_wait3A_201 = arith.constant 0 : i32
    %dma_wait3A_202 = arith.constant 0 : i32
    %dma_wait3A_203 = tpu.memref_slice %arg6[%dma_wait3A_189, %dma_wait3A_201, %dma_wait3A_202] : memref<7x8x2048xf32, #tpu.memory_space<vmem>> -> memref<1x8x2048xf32, #tpu.memory_space<vmem>>
    %dma_wait3A_204 = tpu.memref_squeeze %dma_wait3A_203 : memref<1x8x2048xf32, #tpu.memory_space<vmem>> -> memref<8x2048xf32, #tpu.memory_space<vmem>>
    tpu.wait_dma2 semaphore(%dma_wait3A_198 : memref<!tpu.dma_semaphore, #tpu.memory_space<semaphore_mem>>) src(%dma_wait3A_204 : memref<8x2048xf32, #tpu.memory_space<vmem>>) dst(%dma_wait3A_200 : memref<8x2048xf32, #tpu.memory_space<hbm>>)
    %add3A_205 = arith.constant 504 : i32
    %add3A_206 = arith.addi %mul3A_2, %add3A_205 : i32
    %dma_wait3A_207 = arith.constant 0 : i32
    %dma_wait3A_208 = arith.constant 0 : i32
    %dma_wait3A_209 = arith.constant 0 : i32
    %dma_wait3A_210 = arith.constant 0 : i32
    %dma_wait3A_211 = tpu.memref_slice %arg6[%dma_wait3A_207, %dma_wait3A_209, %dma_wait3A_210] : memref<7x8x2048xf32, #tpu.memory_space<vmem>> -> memref<1x8x2048xf32, #tpu.memory_space<vmem>>
    %dma_wait3A_212 = tpu.memref_squeeze %dma_wait3A_211 : memref<1x8x2048xf32, #tpu.memory_space<vmem>> -> memref<8x2048xf32, #tpu.memory_space<vmem>>
    %dma_wait3A_213 = arith.constant 0 : i32
    %dma_wait3A_214 = tpu.memref_slice %arg4[%add3A_206, %dma_wait3A_213] : memref<16384x2048xf32, #tpu.memory_space<hbm>> -> memref<8x2048xf32, #tpu.memory_space<hbm>>
    %dma_wait3A_215 = tpu.memref_slice %arg8[%dma_wait3A_208] : memref<7x!tpu.dma_semaphore, #tpu.memory_space<semaphore_mem>> -> memref<1x!tpu.dma_semaphore, #tpu.memory_space<semaphore_mem>>
    %dma_wait3A_216 = tpu.memref_squeeze %dma_wait3A_215 : memref<1x!tpu.dma_semaphore, #tpu.memory_space<semaphore_mem>> -> memref<!tpu.dma_semaphore, #tpu.memory_space<semaphore_mem>>
    %dma_wait3A_217 = arith.constant 0 : i32
    %dma_wait3A_218 = tpu.memref_slice %arg4[%add3A_206, %dma_wait3A_217] : memref<16384x2048xf32, #tpu.memory_space<hbm>> -> memref<8x2048xf32, #tpu.memory_space<hbm>>
    %dma_wait3A_219 = arith.constant 0 : i32
    %dma_wait3A_220 = arith.constant 0 : i32
    %dma_wait3A_221 = tpu.memref_slice %arg6[%dma_wait3A_207, %dma_wait3A_219, %dma_wait3A_220] : memref<7x8x2048xf32, #tpu.memory_space<vmem>> -> memref<1x8x2048xf32, #tpu.memory_space<vmem>>
    %dma_wait3A_222 = tpu.memref_squeeze %dma_wait3A_221 : memref<1x8x2048xf32, #tpu.memory_space<vmem>> -> memref<8x2048xf32, #tpu.memory_space<vmem>>
    tpu.wait_dma2 semaphore(%dma_wait3A_216 : memref<!tpu.dma_semaphore, #tpu.memory_space<semaphore_mem>>) src(%dma_wait3A_222 : memref<8x2048xf32, #tpu.memory_space<vmem>>) dst(%dma_wait3A_218 : memref<8x2048xf32, #tpu.memory_space<hbm>>)
    return
  }
}

</mosaic_0001>

<sc_bundles>
// kernel: kernel.3.cloned.1.call-start
scs
__scs_entry_jumppad:
0x0: {  	(pc) =	sbr.rel $0x88, $3  }
0x1: {  	(tag) =	ssettag $0x0;
	lr =	simm.s32 $0x1  }
0x2: {  	[smem:$0x3F9F] =	sst lr;
	_ =	strace $0xD0000000  }
0x3: {  	_ = 	snop  }
0x4: {  	_ = 	snop  }
0x5: {  	_ = 	snop  }
0x6: {  	_ = 	snop  }
0x7: {  	_ = 	snop  }
__scs_overlays_trampoline_lowered:
0x8: {  	[smem:$0x3FAE] =	sst s0  }
0x9: {  	[smem:$0x3FAF] =	sst s1  }
0xa: {  	[smem:$0x3FB0] =	sst s2  }
0xb: {  	[smem:$0x3FB1] =	sst s3  }
0xc: {  	[smem:$0x3FB2] =	sst s4  }
0xd: {  	[smem:$0x3FB3] =	sst s5  }
0xe: {  	[smem:$0x3FB4] =	sst s6  }
0xf: {  	[smem:$0x3FB5] =	sst s7  }
0x10: {  	[smem:$0x3FB6] =	sst s8  }
0x11: {  	[smem:$0x3FB7] =	sst s9;
	s0 =	simm.s32 @!p0 $0x0  }
0x12: {  	s1 =	sld [smem:$0x3F9D];
	s0 =	simm.s32 @p0 $0x1  }
0x13: {  	[smem:$0x3FB8] =	sst s0;
	s0 =	simm.s32 @!p1 $0x0  }
0x14: {  	s2 =	sld [smem:$0x3F9C];
	s0 =	simm.s32 @p1 $0x1  }
0x15: {  	[smem:$0x3FB9] =	sst s0;
	s0 =	simm.s32 @!p2 $0x0  }
0x16: {  	s3 =	sld [smem:$0x3FDB];
	s0 =	simm.s32 @p2 $0x1  }
0x17: {  	s4 =	simm.s32 $0x1BF5;
	[smem:$0x3FBB] =	sst s0  }
0x18: {  	s0 =	sld [smem:$0x3F9E];
	_ =	swait.ge [sflag:s4], $0x0  }
0x19: {  	s7 =	sld [smem:$0x3F9F]  }
0x1a: {  	s8 =	sadd.s32 $0xFFFFE003, lr  }
0x1b: {  	s9 =	sadd.s32 $0xFFFFFEF7, lr;
	s5 =	simm.s32 $0xFFFFFFFF;
	p2 =	slt.u32 s8, $0xFFFFF086  }
0x1c: {  	p1 =	slt.u32 s9, $0xF7A;
	s5 =	simm.s32 @!p2 $0x0  }
0x1d: {  	s5 =	simm.s32 @p1 $0x1;
	p0 =	seq.s32 s7, s2  }
0x1e: {  	s7 =	smul.u32 @!p0 $0xF7A, s2;
	p2 =	seq.s32 @!p0 s5, $0x0  }
0x1f: {  	s9 =	smul.u32 $0xF7A, s1;
	s8 =	simm.s32 @!p0 $0x1BF5;
	p2 =	por !p2, p0  }
0x20: {  	[sflag:s8] =	ssyncset.s32 @!p0 $0xFFFFF086;
	s6 =	sadd.s32 @!p0 s3, s7;
	s7 =	simm.s32 @!p0 $0x108  }
0x21: {  	s3 =	sadd.s32 s3, s9;
	s6 =	sadd.s32 @!p0 $0x88, s6;
	s7 =	simm.s32 @p2 $0x1082  }
0x22: {  	[simem:s7], [sflag:s8] =	dma.local @!p0 [hbm:s6], $0xF7A  }
0x23: {  	s9 =	sor.u32 $0xD0000000, s2;
	s6 =	simm.s32 $0x108;
	_ =	swait.ge @!p0 [sflag:s8], $0x0  }
0x24: {  	s3 =	sadd.s32 $0x88, s3;
	s6 =	simm.s32 @!p1 $0x1082;
	[sflag:s4] =	ssyncset.s32 $0xFFFFF086  }
0x25: {  	[simem:s6], [sflag:s4] =	dma.local [hbm:s3], $0xF7A  }
0x26: {  	[smem:$0x3F9F] =	sst s1;
	(tag) =	ssettag s2;
	_ =	strace s9  }
0x27: {  	s1 =	sld [smem:$0x3FAF]  }
0x28: {  	s2 =	sld [smem:$0x3FB0]  }
0x29: {  	s4 =	sld [smem:$0x3FB2]  }
0x2a: {  	p0 =	seq.s32 s5, $0x0;
	s5 =	sld [smem:$0x3FB3]  }
0x2b: {  	s6 =	sld [smem:$0x3FB4]  }
0x2c: {  	s7 =	sld [smem:$0x3FB5]  }
0x2d: {  	s3 =	simm.s32 $0x108;
	s8 =	sld [smem:$0x3FB6]  }
0x2e: {  	s3 =	simm.s32 @!p0 $0x1082;
	s9 =	sld [smem:$0x3FB7]  }
0x2f: {  	lr =	sadd.s32 s0, s3;
	s0 =	sld [smem:$0x3FAE]  }
0x30: {  	s3 =	sld [smem:$0x3FB1]  }
0x31: {  	[smem:$0x3FBA] =	sst s10  }
0x32: {  	s10 =	sld [smem:$0x3FB8];
	_ =	sdelay $0x3  }
0x33: {  	p0 =	seq.s32 s10, $0x1;
	s10 =	sld [smem:$0x3FBA];
	_ =	sdelay $0x3  }
0x34: {  	[smem:$0x3FBA] =	sst s10  }
0x35: {  	s10 =	sld [smem:$0x3FB9];
	_ =	sdelay $0x3  }
0x36: {  	p1 =	seq.s32 s10, $0x1;
	s10 =	sld [smem:$0x3FBA];
	_ =	sdelay $0x3  }
0x37: {  	[smem:$0x3FBA] =	sst s10  }
0x38: {  	s10 =	sld [smem:$0x3FBB]  }
0x39: {  	_ = 	snop;
	(pc) =	sbr.ind lr, $3  }
0x3a: {  	_ = 	snop  }
0x3b: {  	_ = 	snop  }
0x3c: {  	p2 =	seq.s32 s10, $0x1;
	s10 =	sld [smem:$0x3FBA]  }
0x3d: {  	_ =	shalt  }
0x3e: {  	_ =	shalt  }
0x3f: {  	_ =	shalt  }
0x40: {  	_ =	shalt  }
0x41: {  	_ =	shalt  }
0x42: {  	_ =	shalt  }
0x43: {  	_ =	shalt  }
0x44: {  	_ =	shalt  }
0x45: {  	_ =	shalt  }
0x46: {  	_ =	shalt  }
0x47: {  	_ =	shalt  }
0x48: {  	_ =	shalt  }
0x49: {  	_ =	shalt  }
0x4a: {  	_ =	shalt  }
0x4b: {  	_ =	shalt  }
0x4c: {  	_ =	shalt  }
0x4d: {  	_ =	shalt  }
0x4e: {  	_ =	shalt  }
0x4f: {  	_ =	shalt  }
0x50: {  	_ =	shalt  }
0x51: {  	_ =	shalt  }
0x52: {  	_ =	shalt  }
0x53: {  	_ =	shalt  }
0x54: {  	_ =	shalt  }
0x55: {  	_ =	shalt  }
0x56: {  	_ =	shalt  }
0x57: {  	_ =	shalt  }
0x58: {  	_ =	shalt  }
0x59: {  	_ =	shalt  }
0x5a: {  	_ =	shalt  }
0x5b: {  	_ =	shalt  }
0x5c: {  	_ =	shalt  }
0x5d: {  	_ =	shalt  }
0x5e: {  	_ =	shalt  }
0x5f: {  	_ =	shalt  }
0x60: {  	_ =	shalt  }
0x61: {  	_ =	shalt  }
0x62: {  	_ =	shalt  }
0x63: {  	_ =	shalt  }
0x64: {  	_ =	shalt  }
0x65: {  	_ =	shalt  }
0x66: {  	_ =	shalt  }
0x67: {  	_ =	shalt  }
0x68: {  	_ =	shalt  }
0x69: {  	_ =	shalt  }
0x6a: {  	_ =	shalt  }
0x6b: {  	_ =	shalt  }
0x6c: {  	_ =	shalt  }
0x6d: {  	_ =	shalt  }
0x6e: {  	_ =	shalt  }
0x6f: {  	_ =	shalt  }
0x70: {  	_ =	shalt  }
0x71: {  	_ =	shalt  }
0x72: {  	_ =	shalt  }
0x73: {  	_ =	shalt  }
0x74: {  	_ =	shalt  }
0x75: {  	_ =	shalt  }
0x76: {  	_ =	shalt  }
0x77: {  	_ =	shalt  }
0x78: {  	_ =	shalt  }
0x79: {  	_ =	shalt  }
0x7a: {  	_ =	shalt  }
0x7b: {  	_ =	shalt  }
0x7c: {  	_ =	shalt  }
0x7d: {  	_ =	shalt  }
0x7e: {  	_ =	shalt  }
0x7f: {  	_ =	shalt  }
0x80: {  	_ =	shalt  }
0x81: {  	_ =	shalt  }
0x82: {  	_ =	shalt  }
0x83: {  	_ =	shalt  }
0x84: {  	_ =	shalt  }
0x85: {  	_ =	shalt  }
0x86: {  	_ =	shalt  }
0x87: {  	_ =	shalt  }
.Lfunc_end0:
.L_simem_size_0:
called_computation_lowered:
.L_overlay_start_0:
0x88: {  	s2 =	sld [smem:$0x3FD9]  }
0x89: {  	s3 =	sld [smem:$0x3FFE];
	_ =	sdelay $0x1  }
0x8a: {  	s1 =	srdreg.scid  }
0x8b: {  	s0 =	sand.u32 $0x1, s1  }
0x8c: {  	s17 =	sshll.u32 s0, $0xA;
	s2 =	sadd.s32 s3, s2  }
0x8d: {  	s2 =	sadd.s32 s2, s17  }
0x8e: {  	[smem:$0x3FC6] =	sst s2  }
0x8f: {  	_ = 	snop  }
0x90: {  	s2 =	sld [smem:$0x3FC8]  }
0x91: {  	s18 =	sld [smem:$0x3FD0];
	(tm) =	ssettm $0x1  }
0x92: {  	s4 =	sld [smem:$0x3FFB];
	_ =	sdelay $0x3  }
0x93: {  	_ =	strace s4  }
0x94: {  	s4 =	sld [smem:$0x3FFC];
	_ =	sdelay $0x3  }
0x95: {  	_ =	strace s4  }
0x96: {  	s4 =	sld [smem:$0x3FFD];
	_ =	sdelay $0x3  }
0x97: {  	_ =	strace s4  }
0x98: {  	_ =	strace $0x8FFFFFFF  }
0x99: {  	s19 =	sld [smem:$0x3FDB];
	_ =	sdelay $0x1  }
0x9a: {  	s5 =	simm.s32 $_scs_section_size  }
0x9b: {  	s6 =	simm.s32 $_size__tile_overlayer_lowered;
	s7 =	simm.s32 $_tile_overlayer_lowered  }
0x9c: {  	s22 =	simm.s32 $0x1BFF;
	s21 =	sshll.u32 s7, $0x1;
	s4 =	sadd.s32 s5, s19  }
0x9d: {  	s8 =	simm.s32 $0x0;
	s20 =	sshll.u32 s6, $0x1;
	s6 =	sadd.s32 s21, s4  }
0x9e: {  	[timem:s8], [sflag:s22] =	dma.local [hbm:s6], s20  }
0x9f: {  	_ =	swait.ge [sflag:s22], s20  }
0xa0: {  	s5 =	ssub.s32 $0x0, s20;
	[sflag:s22] =	ssyncset.done $0x0  }
0xa1: {  	[sflag:s22] =	ssyncadd.s32 s5;
	_ =	sdelay $0x1  }
0xa2: {  	s23 =	simm.s32 $0x1B8B  }
0xa3: {  	_ =	swait.ge [sflag:s23], $0x1  }
0xa4: {  	[sflag:s23] =	ssyncset.done $0x0  }
0xa5: {  	s25 =	simm.s32 $0x1B8E;
	s24 =	sld [smem:$0x3FFE];
	[sflag:s23] =	ssyncadd.s32 $0xFFFFFFFF  }
0xa6: {  	s26 =	simm.s32 $execute0_lowered;
	[smem:$0x3FD2] =	sst s25  }
0xa7: {  	s6 =	sshll.u32 s26, $0x1;
	_ =	strace $0x80000046;
	[dreg:$0x1] =	wrdreg $0xFFFFFFFF  }
0xa8: {  	s28 =	simm.s32 $_size_execute0_lowered;
	s4 =	sadd.s32 s4, s6;
	[dreg:$0x0] =	wrdreg $0x0  }
0xa9: {  	s6 =	sshll.u32 s28, $0x1;
	[dreg:$0x2] =	wrdreg s4  }
0xaa: {  	[dreg:$0x3] =	wrdreg s6  }
0xab: {  	[dreg:$0x4] =	wrdreg $0xC0  }
0xac: {  	_ =	task [dreg:s8], $0x5FFFF  }
0xad: {  	[dreg:$0x1] =	wrdreg $0xFFFFFFFF  }
0xae: {  	[dreg:$0x0] =	wrdreg $0x60  }
0xaf: {  	[dreg:$0x2] =	wrdreg s24  }
0xb0: {  	[dreg:$0x3] =	wrdreg s2  }
0xb1: {  	[dreg:$0x4] =	wrdreg s18  }
0xb2: {  	[dreg:$0x5] =	wrdreg $0x9  }
0xb3: {  	_ =	task.clear_ibuf [dreg:s8], $0x6FFFF;
	_ =	strace $0x90000046  }
0xb4: {  	s29 =	simm.s32 $0x9;
	_ =	strace $0x80000048  }
0xb5: {  	_ =	swait.ge [sflag:s29], $0x1  }
0xb6: {  	[sflag:s29] =	ssyncadd.s32 $0xFFFFFFFF  }
0xb7: {  	_ =	strace $0x90000048  }
0xb8: {  	_ =	sfence  }
0xb9: {  	s30 =	sld [smem:$0x0];
	_ =	sdelay $0x2  }
0xba: {  	s31 =	sshll.u32 s1, $0xD;
	s1 =	sshrl.u32 s1, $0x2  }
0xbb: {  	s3 =	sand.u32 $0x4000, s31;
	s1 =	sadd.s32 s1, s30  }
0xbc: {  	s0 =	sor.u32 s3, s0;
	s1 =	sshll.u32 s1, $0x11  }
0xbd: {  	s0 =	sor.u32 s1, s0  }
0xbe: {  	s0 =	sadd.s32 $0x8F2B, s0  }
0xbf: {  	[sflag:s0] =	ssyncadd.remote.s32 $0x1  }
0xc0: {  	_ =	sfence.sel $0xFFFF  }
0xc1: {  	[dreg:$0x0] =	wrdreg $0xFFFFFFFF;
	(pc) =	sbr.abs _section_cstart, $3  }
0xc2: {  	[dreg:$0x1] =	wrdreg $0xFFFFFFFF  }
0xc3: {  	_ =	task.clear_ibuf [dreg:s8], $0x2FFFF;
	_ =	strace $0x9FFFFFFF  }
0xc4: {  	(tm) =	ssettm $0x7FFFFFFF  }
0xc5: {  	_ =	shalt  }
tec
execute0_lowered:
.L_overlay_start_1:
0x0: {  	(tag) =	ssettag $0x1  }
0x1: {  	s0 =	rddreg [dreg:$0x0]  }
0x2: {  	s2 =	rddreg [dreg:$0x1]  }
0x3: {  	s3 =	rddreg [dreg:$0x2]  }
0x4: {  	s1 =	srdreg.scid;
	s5 =	stileid.u32;
	s4 =	simm.s32 $0x0  }
0x5: {  	s15 =	simm.s32 $0xF;
	s19 =	simm.s32 $0x1B200;
	s20 =	simm.s32 $0x1BA00  }
0x6: {  	s21 =	simm.s32 $0x9;
	s22 =	simm.s32 $0xA;
	s23 =	simm.s32 $0xB  }
0x7: {  	s24 =	simm.s32 $0xC;
	s25 =	simm.s32 $0xD;
	s26 =	simm.s32 $0xE  }
0x8: {  	s28 =	simm.s32 $0x8;
	s29 =	simm.s32 $0x0;
	s1 =	sand.u32 $0x1, s1  }
0x9: {  	s5 =	sshll.u32 s5, $0x7;
	[smem:$0x7FF] =	sst s4;
	s7 =	sadd.s32 $0x100, s2  }
0xa: {  	s8 =	sadd.s32 $0x200, s2;
	s9 =	sadd.s32 $0x300, s2;
	s10 =	sadd.s32 $0x400, s2  }
0xb: {  	s11 =	sadd.s32 $0x500, s2;
	s6 =	sshll.u32 s1, $0x6;
	s1 =	ssub.s32 $0x2, s1  }
0xc: {  	v0 =	vlaneseq.u32;
	s12 =	sadd.s32 $0x600, s2;
	s5 =	sor.u32 s6, s5;
	s31 =	sshrl.u32 s1, $0x1  }
0xd: {  	s13 =	sadd.s32 $0x700, s2;
	v1 =	vshrl.u32 v0, $0x3;
	s0 =	sadd.s32 s5, s0;
	s1 =	ssub.s32 s1, s31  }
0xe: {  	vm0 =	vmmov $0xffff;
	v0 =	vand.u32 $0x7, v0;
	_ =	strace $0x80000047;
	v1 =	vmul.u32 $0x8, v1;
	s6 =	sadd.s32 $0x400, s0;
	s14 =	smax.u32 s1, $0x1  }
.LBB2_1:
0xf: {  	[tilespmem:s4], [sflag:$0xF] =	stream.linear.gather [hbm4b:s6+s4], $0x200, $0x38;
	[tilespmem:$0x1C200] =	vst v63  }
0x10: {  	_ =	swait.ge [sflag:s15], $0x200  }
0x11: {  	[sflag:s15] =	ssyncset.done $0x0  }
0x12: {  	[sflag:s15] =	ssyncadd.s32 $0xFFFFFE00  }
0x13: {  	v2 =	vld.msk [tilespmem:$0x0], $0xff;
	_ =	sdelay $0x4  }
0x14: {  	v3 =	vshll.u32 v2, $0x4  }
0x15: {  	v2 =	vand.u32 $0x7, v2;
	v3 =	vand.u32 $0xFFFFFF80, v3  }
0x16: {  	v2 =	vor.u32 v2, v3  }
0x17: {  	v2 =	vperm.xlane v2, v0;
	_ =	sdelay $0x1  }
0x18: {  	v2 =	vadd.s32 v1, v2;
	_ =	sdelay $0x3  }
0x19: {  	s0 =	simm.s32 $0x200  }
0x1a: {  	[tilespmem:s0], [sflag:$0x1] =	stream.indirect_vreg.gather [hbm4b:s2+s4], $0x80, v2, vm0, $0xb8;
	[tilespmem:$0x1C200] =	vst v63  }
0x1b: {  	s17 =	simm.s32 $0xA00  }
0x1c: {  	[tilespmem:s17], [sflag:$0x1] =	stream.indirect_vreg.gather [hbm4b:s7+s4], $0x80, v2, vm0, $0xb8;
	[tilespmem:$0x1C200] =	vst v63  }
0x1d: {  	s18 =	simm.s32 $0x1200  }
0x1e: {  	[tilespmem:s18], [sflag:$0x1] =	stream.indirect_vreg.gather [hbm4b:s8+s4], $0x80, v2, vm0, $0xb8;
	[tilespmem:$0x1C200] =	vst v63  }
0x1f: {  	s31 =	simm.s32 $0x1A00  }
0x20: {  	[tilespmem:s31], [sflag:$0x1] =	stream.indirect_vreg.gather [hbm4b:s9+s4], $0x80, v2, vm0, $0xb8;
	[tilespmem:$0x1C200] =	vst v63  }
0x21: {  	s1 =	simm.s32 $0x2200  }
0x22: {  	[tilespmem:s1], [sflag:$0x1] =	stream.indirect_vreg.gather [hbm4b:s10+s4], $0x80, v2, vm0, $0xb8;
	[tilespmem:$0x1C200] =	vst v63  }
0x23: {  	s16 =	simm.s32 $0x2A00  }
0x24: {  	[tilespmem:s16], [sflag:$0x1] =	stream.indirect_vreg.gather [hbm4b:s11+s4], $0x80, v2, vm0, $0xb8;
	[tilespmem:$0x1C200] =	vst v63  }
0x25: {  	s17 =	simm.s32 $0x3200  }
0x26: {  	[tilespmem:s17], [sflag:$0x1] =	stream.indirect_vreg.gather [hbm4b:s12+s4], $0x80, v2, vm0, $0xb8;
	[tilespmem:$0x1C200] =	vst v63  }
0x27: {  	s18 =	simm.s32 $0x3A00  }
0x28: {  	[tilespmem:s18], [sflag:$0x1] =	stream.indirect_vreg.gather [hbm4b:s13+s4], $0x80, v2, vm0, $0xb8;
	[tilespmem:$0x1C200] =	vst v63  }
0x29: {  	v2 =	vld.msk [tilespmem:$0x8], $0xff;
	_ =	sdelay $0x4  }
0x2a: {  	v3 =	vshll.u32 v2, $0x4  }
0x2b: {  	v2 =	vand.u32 $0x7, v2;
	v3 =	vand.u32 $0xFFFFFF80, v3  }
0x2c: {  	v2 =	vor.u32 v2, v3  }
0x2d: {  	v2 =	vperm.xlane v2, v0;
	_ =	sdelay $0x1  }
0x2e: {  	v2 =	vadd.s32 v1, v2;
	_ =	sdelay $0x3  }
0x2f: {  	s31 =	simm.s32 $0x4200  }
0x30: {  	[tilespmem:s31], [sflag:$0x2] =	stream.indirect_vreg.gather [hbm4b:s2+s4], $0x80, v2, vm0, $0xb8;
	[tilespmem:$0x1C200] =	vst v63  }
0x31: {  	s1 =	simm.s32 $0x4A00  }
0x32: {  	[tilespmem:s1], [sflag:$0x2] =	stream.indirect_vreg.gather [hbm4b:s7+s4], $0x80, v2, vm0, $0xb8;
	[tilespmem:$0x1C200] =	vst v63  }
0x33: {  	s16 =	simm.s32 $0x5200  }
0x34: {  	[tilespmem:s16], [sflag:$0x2] =	stream.indirect_vreg.gather [hbm4b:s8+s4], $0x80, v2, vm0, $0xb8;
	[tilespmem:$0x1C200] =	vst v63  }
0x35: {  	s17 =	simm.s32 $0x5A00  }
0x36: {  	[tilespmem:s17], [sflag:$0x2] =	stream.indirect_vreg.gather [hbm4b:s9+s4], $0x80, v2, vm0, $0xb8;
	[tilespmem:$0x1C200] =	vst v63  }
0x37: {  	s18 =	simm.s32 $0x6200  }
0x38: {  	[tilespmem:s18], [sflag:$0x2] =	stream.indirect_vreg.gather [hbm4b:s10+s4], $0x80, v2, vm0, $0xb8;
	[tilespmem:$0x1C200] =	vst v63  }
0x39: {  	s31 =	simm.s32 $0x6A00  }
0x3a: {  	[tilespmem:s31], [sflag:$0x2] =	stream.indirect_vreg.gather [hbm4b:s11+s4], $0x80, v2, vm0, $0xb8;
	[tilespmem:$0x1C200] =	vst v63  }
0x3b: {  	s1 =	simm.s32 $0x7200  }
0x3c: {  	[tilespmem:s1], [sflag:$0x2] =	stream.indirect_vreg.gather [hbm4b:s12+s4], $0x80, v2, vm0, $0xb8;
	[tilespmem:$0x1C200] =	vst v63  }
0x3d: {  	s16 =	simm.s32 $0x7A00  }
0x3e: {  	[tilespmem:s16], [sflag:$0x2] =	stream.indirect_vreg.gather [hbm4b:s13+s4], $0x80, v2, vm0, $0xb8;
	[tilespmem:$0x1C200] =	vst v63  }
0x3f: {  	v2 =	vld.msk [tilespmem:$0x10], $0xff;
	_ =	sdelay $0x4  }
0x40: {  	v3 =	vshll.u32 v2, $0x4  }
0x41: {  	v2 =	vand.u32 $0x7, v2;
	v3 =	vand.u32 $0xFFFFFF80, v3  }
0x42: {  	v2 =	vor.u32 v2, v3  }
0x43: {  	v2 =	vperm.xlane v2, v0;
	_ =	sdelay $0x1  }
0x44: {  	v2 =	vadd.s32 v1, v2;
	_ =	sdelay $0x3  }
0x45: {  	s17 =	simm.s32 $0x8200  }
0x46: {  	[tilespmem:s17], [sflag:$0x3] =	stream.indirect_vreg.gather [hbm4b:s2+s4], $0x80, v2, vm0, $0xb8;
	[tilespmem:$0x1C200] =	vst v63  }
0x47: {  	s18 =	simm.s32 $0x8A00  }
0x48: {  	[tilespmem:s18], [sflag:$0x3] =	stream.indirect_vreg.gather [hbm4b:s7+s4], $0x80, v2, vm0, $0xb8;
	[tilespmem:$0x1C200] =	vst v63  }
0x49: {  	s31 =	simm.s32 $0x9200  }
0x4a: {  	[tilespmem:s31], [sflag:$0x3] =	stream.indirect_vreg.gather [hbm4b:s8+s4], $0x80, v2, vm0, $0xb8;
	[tilespmem:$0x1C200] =	vst v63  }
0x4b: {  	s1 =	simm.s32 $0x9A00  }
0x4c: {  	[tilespmem:s1], [sflag:$0x3] =	stream.indirect_vreg.gather [hbm4b:s9+s4], $0x80, v2, vm0, $0xb8;
	[tilespmem:$0x1C200] =	vst v63  }
0x4d: {  	s16 =	simm.s32 $0xA200  }
0x4e: {  	[tilespmem:s16], [sflag:$0x3] =	stream.indirect_vreg.gather [hbm4b:s10+s4], $0x80, v2, vm0, $0xb8;
	[tilespmem:$0x1C200] =	vst v63  }
0x4f: {  	s17 =	simm.s32 $0xAA00  }
0x50: {  	[tilespmem:s17], [sflag:$0x3] =	stream.indirect_vreg.gather [hbm4b:s11+s4], $0x80, v2, vm0, $0xb8;
	[tilespmem:$0x1C200] =	vst v63  }
0x51: {  	s18 =	simm.s32 $0xB200  }
0x52: {  	[tilespmem:s18], [sflag:$0x3] =	stream.indirect_vreg.gather [hbm4b:s12+s4], $0x80, v2, vm0, $0xb8;
	[tilespmem:$0x1C200] =	vst v63  }
0x53: {  	s31 =	simm.s32 $0xBA00  }
0x54: {  	[tilespmem:s31], [sflag:$0x3] =	stream.indirect_vreg.gather [hbm4b:s13+s4], $0x80, v2, vm0, $0xb8;
	[tilespmem:$0x1C200] =	vst v63  }
0x55: {  	v2 =	vld.msk [tilespmem:$0x18], $0xff;
	_ =	sdelay $0x4  }
0x56: {  	v3 =	vshll.u32 v2, $0x4  }
0x57: {  	v2 =	vand.u32 $0x7, v2;
	v3 =	vand.u32 $0xFFFFFF80, v3  }
0x58: {  	v2 =	vor.u32 v2, v3  }
0x59: {  	v2 =	vperm.xlane v2, v0;
	_ =	sdelay $0x1  }
0x5a: {  	v2 =	vadd.s32 v1, v2;
	_ =	sdelay $0x3  }
0x5b: {  	s1 =	simm.s32 $0xC200  }
0x5c: {  	[tilespmem:s1], [sflag:$0x4] =	stream.indirect_vreg.gather [hbm4b:s2+s4], $0x80, v2, vm0, $0xb8;
	[tilespmem:$0x1C200] =	vst v63  }
0x5d: {  	s16 =	simm.s32 $0xCA00  }
0x5e: {  	[tilespmem:s16], [sflag:$0x4] =	stream.indirect_vreg.gather [hbm4b:s7+s4], $0x80, v2, vm0, $0xb8;
	[tilespmem:$0x1C200] =	vst v63  }
0x5f: {  	s17 =	simm.s32 $0xD200  }
0x60: {  	[tilespmem:s17], [sflag:$0x4] =	stream.indirect_vreg.gather [hbm4b:s8+s4], $0x80, v2, vm0, $0xb8;
	[tilespmem:$0x1C200] =	vst v63  }
0x61: {  	s18 =	simm.s32 $0xDA00  }
0x62: {  	[tilespmem:s18], [sflag:$0x4] =	stream.indirect_vreg.gather [hbm4b:s9+s4], $0x80, v2, vm0, $0xb8;
	[tilespmem:$0x1C200] =	vst v63  }
0x63: {  	s31 =	simm.s32 $0xE200  }
0x64: {  	[tilespmem:s31], [sflag:$0x4] =	stream.indirect_vreg.gather [hbm4b:s10+s4], $0x80, v2, vm0, $0xb8;
	[tilespmem:$0x1C200] =	vst v63  }
0x65: {  	s1 =	simm.s32 $0xEA00  }
0x66: {  	[tilespmem:s1], [sflag:$0x4] =	stream.indirect_vreg.gather [hbm4b:s11+s4], $0x80, v2, vm0, $0xb8;
	[tilespmem:$0x1C200] =	vst v63  }
0x67: {  	s16 =	simm.s32 $0xF200  }
0x68: {  	[tilespmem:s16], [sflag:$0x4] =	stream.indirect_vreg.gather [hbm4b:s12+s4], $0x80, v2, vm0, $0xb8;
	[tilespmem:$0x1C200] =	vst v63  }
0x69: {  	s17 =	simm.s32 $0xFA00  }
0x6a: {  	[tilespmem:s17], [sflag:$0x4] =	stream.indirect_vreg.gather [hbm4b:s13+s4], $0x80, v2, vm0, $0xb8;
	[tilespmem:$0x1C200] =	vst v63  }
0x6b: {  	v2 =	vld.msk [tilespmem:$0x20], $0xff;
	_ =	sdelay $0x4  }
0x6c: {  	v3 =	vshll.u32 v2, $0x4  }
0x6d: {  	v2 =	vand.u32 $0x7, v2;
	v3 =	vand.u32 $0xFFFFFF80, v3  }
0x6e: {  	v2 =	vor.u32 v2, v3  }
0x6f: {  	v2 =	vperm.xlane v2, v0;
	_ =	sdelay $0x1  }
0x70: {  	v2 =	vadd.s32 v1, v2;
	_ =	sdelay $0x3  }
0x71: {  	s18 =	simm.s32 $0x10200  }
0x72: {  	[tilespmem:s18], [sflag:$0x5] =	stream.indirect_vreg.gather [hbm4b:s2+s4], $0x80, v2, vm0, $0xb8;
	[tilespmem:$0x1C200] =	vst v63  }
0x73: {  	s31 =	simm.s32 $0x10A00  }
0x74: {  	[tilespmem:s31], [sflag:$0x5] =	stream.indirect_vreg.gather [hbm4b:s7+s4], $0x80, v2, vm0, $0xb8;
	[tilespmem:$0x1C200] =	vst v63  }
0x75: {  	s1 =	simm.s32 $0x11200  }
0x76: {  	[tilespmem:s1], [sflag:$0x5] =	stream.indirect_vreg.gather [hbm4b:s8+s4], $0x80, v2, vm0, $0xb8;
	[tilespmem:$0x1C200] =	vst v63  }
0x77: {  	s16 =	simm.s32 $0x11A00  }
0x78: {  	[tilespmem:s16], [sflag:$0x5] =	stream.indirect_vreg.gather [hbm4b:s9+s4], $0x80, v2, vm0, $0xb8;
	[tilespmem:$0x1C200] =	vst v63  }
0x79: {  	s17 =	simm.s32 $0x12200  }
0x7a: {  	[tilespmem:s17], [sflag:$0x5] =	stream.indirect_vreg.gather [hbm4b:s10+s4], $0x80, v2, vm0, $0xb8;
	[tilespmem:$0x1C200] =	vst v63  }
0x7b: {  	s18 =	simm.s32 $0x12A00  }
0x7c: {  	[tilespmem:s18], [sflag:$0x5] =	stream.indirect_vreg.gather [hbm4b:s11+s4], $0x80, v2, vm0, $0xb8;
	[tilespmem:$0x1C200] =	vst v63  }
0x7d: {  	s31 =	simm.s32 $0x13200  }
0x7e: {  	[tilespmem:s31], [sflag:$0x5] =	stream.indirect_vreg.gather [hbm4b:s12+s4], $0x80, v2, vm0, $0xb8;
	[tilespmem:$0x1C200] =	vst v63  }
0x7f: {  	s1 =	simm.s32 $0x13A00  }
0x80: {  	[tilespmem:s1], [sflag:$0x5] =	stream.indirect_vreg.gather [hbm4b:s13+s4], $0x80, v2, vm0, $0xb8;
	[tilespmem:$0x1C200] =	vst v63  }
0x81: {  	v2 =	vld.msk [tilespmem:$0x28], $0xff;
	_ =	sdelay $0x4  }
0x82: {  	v3 =	vshll.u32 v2, $0x4  }
0x83: {  	v2 =	vand.u32 $0x7, v2;
	v3 =	vand.u32 $0xFFFFFF80, v3  }
0x84: {  	v2 =	vor.u32 v2, v3  }
0x85: {  	v2 =	vperm.xlane v2, v0;
	_ =	sdelay $0x1  }
0x86: {  	v2 =	vadd.s32 v1, v2;
	_ =	sdelay $0x3  }
0x87: {  	s16 =	simm.s32 $0x14200  }
0x88: {  	[tilespmem:s16], [sflag:$0x6] =	stream.indirect_vreg.gather [hbm4b:s2+s4], $0x80, v2, vm0, $0xb8;
	[tilespmem:$0x1C200] =	vst v63  }
0x89: {  	s17 =	simm.s32 $0x14A00  }
0x8a: {  	[tilespmem:s17], [sflag:$0x6] =	stream.indirect_vreg.gather [hbm4b:s7+s4], $0x80, v2, vm0, $0xb8;
	[tilespmem:$0x1C200] =	vst v63  }
0x8b: {  	s18 =	simm.s32 $0x15200  }
0x8c: {  	[tilespmem:s18], [sflag:$0x6] =	stream.indirect_vreg.gather [hbm4b:s8+s4], $0x80, v2, vm0, $0xb8;
	[tilespmem:$0x1C200] =	vst v63  }
0x8d: {  	s31 =	simm.s32 $0x15A00  }
0x8e: {  	[tilespmem:s31], [sflag:$0x6] =	stream.indirect_vreg.gather [hbm4b:s9+s4], $0x80, v2, vm0, $0xb8;
	[tilespmem:$0x1C200] =	vst v63  }
0x8f: {  	s1 =	simm.s32 $0x16200  }
0x90: {  	[tilespmem:s1], [sflag:$0x6] =	stream.indirect_vreg.gather [hbm4b:s10+s4], $0x80, v2, vm0, $0xb8;
	[tilespmem:$0x1C200] =	vst v63  }
0x91: {  	s16 =	simm.s32 $0x16A00  }
0x92: {  	[tilespmem:s16], [sflag:$0x6] =	stream.indirect_vreg.gather [hbm4b:s11+s4], $0x80, v2, vm0, $0xb8;
	[tilespmem:$0x1C200] =	vst v63  }
0x93: {  	s17 =	simm.s32 $0x17200  }
0x94: {  	[tilespmem:s17], [sflag:$0x6] =	stream.indirect_vreg.gather [hbm4b:s12+s4], $0x80, v2, vm0, $0xb8;
	[tilespmem:$0x1C200] =	vst v63  }
0x95: {  	s18 =	simm.s32 $0x17A00  }
0x96: {  	[tilespmem:s18], [sflag:$0x6] =	stream.indirect_vreg.gather [hbm4b:s13+s4], $0x80, v2, vm0, $0xb8;
	[tilespmem:$0x1C200] =	vst v63  }
0x97: {  	v2 =	vld.msk [tilespmem:$0x30], $0xff;
	_ =	sdelay $0x4  }
0x98: {  	v3 =	vshll.u32 v2, $0x4  }
0x99: {  	v2 =	vand.u32 $0x7, v2;
	v3 =	vand.u32 $0xFFFFFF80, v3  }
0x9a: {  	v2 =	vor.u32 v2, v3  }
0x9b: {  	v2 =	vperm.xlane v2, v0;
	_ =	sdelay $0x1  }
0x9c: {  	v2 =	vadd.s32 v1, v2;
	_ =	sdelay $0x3  }
0x9d: {  	s31 =	simm.s32 $0x18200  }
0x9e: {  	[tilespmem:s31], [sflag:$0x7] =	stream.indirect_vreg.gather [hbm4b:s2+s4], $0x80, v2, vm0, $0xb8;
	[tilespmem:$0x1C200] =	vst v63  }
0x9f: {  	s1 =	simm.s32 $0x18A00  }
0xa0: {  	[tilespmem:s1], [sflag:$0x7] =	stream.indirect_vreg.gather [hbm4b:s7+s4], $0x80, v2, vm0, $0xb8;
	[tilespmem:$0x1C200] =	vst v63  }
0xa1: {  	s16 =	simm.s32 $0x19200  }
0xa2: {  	[tilespmem:s16], [sflag:$0x7] =	stream.indirect_vreg.gather [hbm4b:s8+s4], $0x80, v2, vm0, $0xb8;
	[tilespmem:$0x1C200] =	vst v63  }
0xa3: {  	s17 =	simm.s32 $0x19A00  }
0xa4: {  	[tilespmem:s17], [sflag:$0x7] =	stream.indirect_vreg.gather [hbm4b:s9+s4], $0x80, v2, vm0, $0xb8;
	[tilespmem:$0x1C200] =	vst v63  }
0xa5: {  	s18 =	simm.s32 $0x1A200  }
0xa6: {  	[tilespmem:s18], [sflag:$0x7] =	stream.indirect_vreg.gather [hbm4b:s10+s4], $0x80, v2, vm0, $0xb8;
	[tilespmem:$0x1C200] =	vst v63  }
0xa7: {  	s31 =	simm.s32 $0x1AA00  }
0xa8: {  	[tilespmem:s31], [sflag:$0x7] =	stream.indirect_vreg.gather [hbm4b:s11+s4], $0x80, v2, vm0, $0xb8;
	[tilespmem:$0x1C200] =	vst v63  }
0xa9: {  	_ = 	snop  }
0xaa: {  	[tilespmem:s19], [sflag:$0x7] =	stream.indirect_vreg.gather [hbm4b:s12+s4], $0x80, v2, vm0, $0xb8;
	[tilespmem:$0x1C200] =	vst v63  }
0xab: {  	s30 =	simm.s32 $0x0  }
0xac: {  	[tilespmem:s20], [sflag:$0x7] =	stream.indirect_vreg.gather [hbm4b:s13+s4], $0x80, v2, vm0, $0xb8;
	[tilespmem:$0x1C200] =	vst v63  }
.LBB2_2:
0xad: {  	s0 =	sand.u32 $0xFF, s30  }
0xae: {  	s0 =	smul.u32 $0x25, s0;
	_ =	sdelay $0x1  }
0xaf: {  	s0 =	sshrl.u32 s0, $0x8  }
0xb0: {  	s1 =	ssub.s32 s30, s0  }
0xb1: {  	s1 =	sand.u32 $0xFE, s1  }
0xb2: {  	s1 =	sshrl.u32 s1, $0x1  }
0xb3: {  	s0 =	sadd.s32 s0, s1  }
0xb4: {  	s0 =	sshrl.u32 s0, $0x2  }
0xb5: {  	s0 =	smul.u32 $0x7, s0;
	_ =	sdelay $0x1  }
0xb6: {  	s16 =	ssub.s32 s30, s0  }
0xb7: {  	s31 =	sand.u32 $0xFF, s16  }
0xb8: {  	s17 =	sshll.u32 s31, $0xE  }
0xb9: {  	s0 =	sor.u32 $0x200, s17  }
0xba: {  	v2 =	vmov s0  }
0xbb: {  	s18 =	sadd.s32 $0x1, s31  }
0xbc: {  	_ =	swait.ge [sflag:s18], $0x4000  }
0xbd: {  	s17 =	simm.s32 $0x0;
	[sflag:s18] =	ssyncset.done $0x0  }
0xbe: {  	s1 =	sand.u32 $0x3FFFFF80, s17;
	[sflag:s18] =	ssyncadd.s32 $0xFFFFC000  }
0xbf: {  	v3 =	vld.idx.msk [tilespmem:v2+s1+$0x3400 ss:$0x1], $0xffff  }
0xc0: {  	v4 =	vld.idx.msk [tilespmem:v2+s1+$0x3000 ss:$0x1], $0xffff  }
0xc1: {  	v5 =	vld.idx.msk [tilespmem:v2+s1+$0x1000 ss:$0x1], $0xffff  }
0xc2: {  	v6 =	vld.idx.msk [tilespmem:v2+s1+$0x1400 ss:$0x1], $0xffff  }
0xc3: {  	v7 =	vld.idx.msk [tilespmem:v2+s1+$0x1800 ss:$0x1], $0xffff  }
0xc4: {  	v8 =	vld.idx.msk [tilespmem:v2+s1+$0x1C00 ss:$0x1], $0xffff  }
0xc5: {  	v9 =	vld.idx.msk [tilespmem:v2+s1+$0x2000 ss:$0x1], $0xffff;
	v3 =	vmul.f32 $4.525483320e+01, v3  }
0xc6: {  	v10 =	vld.idx.msk [tilespmem:v2+s1+$0x2400 ss:$0x1], $0xffff;
	v4 =	vmul.f32 $4.525483320e+01, v4  }
0xc7: {  	v32 =	vld.idx.msk [tilespmem:v2+s1+$0xC00 ss:$0x1], $0xffff;
	v5 =	vmul.f32 $4.525483320e+01, v5;
	[tilespmem:v2+s1+$0x3400 ss:$0x1] =	vst.idx.msk $0xffff, v3  }
0xc8: {  	v6 =	vmul.f32 $4.525483320e+01, v6;
	v3 =	vld.idx.msk [tilespmem:v2+s1+$0x2800 ss:$0x1], $0xffff;
	[tilespmem:v2+s1+$0x3000 ss:$0x1] =	vst.idx.msk $0xffff, v4  }
0xc9: {  	[tilespmem:v2+s1+$0x1000 ss:$0x1] =	vst.idx.msk $0xffff, v5;
	v5 =	vmul.f32 $4.525483320e+01, v7;
	v7 =	vld.idx.msk [tilespmem:v2+s1+$0x0 ss:$0x1], $0xffff  }
0xca: {  	v4 =	vld.idx.msk [tilespmem:v2+s1+$0x800 ss:$0x1], $0xffff;
	[tilespmem:v2+s1+$0x1400 ss:$0x1] =	vst.idx.msk $0xffff, v6;
	v6 =	vmul.f32 $4.525483320e+01, v8  }
0xcb: {  	v8 =	vld.idx.msk [tilespmem:v2+s1+$0x1010 ss:$0x1], $0xffff;
	[tilespmem:v2+s1+$0x1800 ss:$0x1] =	vst.idx.msk $0xffff, v5;
	v5 =	vmul.f32 $4.525483320e+01, v9  }
0xcc: {  	v31 =	vld.idx.msk [tilespmem:v2+s1+$0x1410 ss:$0x1], $0xffff;
	[tilespmem:v2+s1+$0x1C00 ss:$0x1] =	vst.idx.msk $0xffff, v6;
	v6 =	vmul.f32 $4.525483320e+01, v10  }
0xcd: {  	[tilespmem:v2+s1+$0x2000 ss:$0x1] =	vst.idx.msk $0xffff, v5;
	v5 =	vld.idx.msk [tilespmem:v2+s1+$0x1810 ss:$0x1], $0xffff;
	v3 =	vmul.f32 $4.525483320e+01, v3  }
0xce: {  	[tilespmem:v2+s1+$0x2400 ss:$0x1] =	vst.idx.msk $0xffff, v6;
	v6 =	vmul.f32 $4.525483320e+01, v7;
	v7 =	vld.idx.msk [tilespmem:v2+s1+$0x1C10 ss:$0x1], $0xffff  }
0xcf: {  	v4 =	vmul.f32 $4.525483320e+01, v4;
	[tilespmem:v2+s1+$0x2800 ss:$0x1] =	vst.idx.msk $0xffff, v3;
	v3 =	vld.idx.msk [tilespmem:v2+s1+$0x2410 ss:$0x1], $0xffff  }
0xd0: {  	v10 =	vmul.f32 $4.525483320e+01, v32;
	[tilespmem:v2+s1+$0x0 ss:$0x1] =	vst.idx.msk $0xffff, v6;
	v6 =	vld.idx.msk [tilespmem:v2+s1+$0x2010 ss:$0x1], $0xffff  }
0xd1: {  	v9 =	vmul.f32 $4.525483320e+01, v31;
	[tilespmem:v2+s1+$0x800 ss:$0x1] =	vst.idx.msk $0xffff, v4;
	v4 =	vmul.f32 $4.525483320e+01, v8;
	v8 =	vld.idx.msk [tilespmem:v2+s1+$0x2810 ss:$0x1], $0xffff  }
0xd2: {  	[tilespmem:v2+s1+$0xC00 ss:$0x1] =	vst.idx.msk $0xffff, v10;
	v34 =	vld.idx.msk [tilespmem:v2+s1+$0x10 ss:$0x1], $0xffff  }
0xd3: {  	[tilespmem:v2+s1+$0x1410 ss:$0x1] =	vst.idx.msk $0xffff, v9;
	v35 =	vld.idx.msk [tilespmem:v2+s1+$0x810 ss:$0x1], $0xffff;
	v5 =	vmul.f32 $4.525483320e+01, v5  }
0xd4: {  	[tilespmem:v2+s1+$0x1010 ss:$0x1] =	vst.idx.msk $0xffff, v4;
	v4 =	vld.idx.msk [tilespmem:v2+s1+$0x2C00 ss:$0x1], $0xffff;
	v7 =	vmul.f32 $4.525483320e+01, v7  }
0xd5: {  	v33 =	vld.idx.msk [tilespmem:v2+s1+$0x1020 ss:$0x1], $0xffff;
	[tilespmem:v2+s1+$0x1810 ss:$0x1] =	vst.idx.msk $0xffff, v5;
	v3 =	vmul.f32 $4.525483320e+01, v3  }
0xd6: {  	v5 =	vld.idx.msk [tilespmem:v2+s1+$0x1420 ss:$0x1], $0xffff;
	[tilespmem:v2+s1+$0x1C10 ss:$0x1] =	vst.idx.msk $0xffff, v7;
	v6 =	vmul.f32 $4.525483320e+01, v6  }
0xd7: {  	v37 =	vld.idx.msk [tilespmem:v2+s1+$0x400 ss:$0x1], $0xffff;
	v8 =	vmul.f32 $4.525483320e+01, v8;
	[tilespmem:v2+s1+$0x2410 ss:$0x1] =	vst.idx.msk $0xffff, v3  }
0xd8: {  	v7 =	vld.idx.msk [tilespmem:v2+s1+$0x3010 ss:$0x1], $0xffff;
	v10 =	vmul.f32 $4.525483320e+01, v35;
	[tilespmem:v2+s1+$0x2010 ss:$0x1] =	vst.idx.msk $0xffff, v6  }
0xd9: {  	v3 =	vmul.f32 $4.525483320e+01, v4;
	v4 =	vld.idx.msk [tilespmem:v2+s1+$0x3800 ss:$0x1], $0xffff;
	[tilespmem:v2+s1+$0x2810 ss:$0x1] =	vst.idx.msk $0xffff, v8  }
0xda: {  	v6 =	vmul.f32 $4.525483320e+01, v34;
	v8 =	vld.idx.msk [tilespmem:v2+s1+$0x2420 ss:$0x1], $0xffff;
	[tilespmem:v2+s1+$0x810 ss:$0x1] =	vst.idx.msk $0xffff, v10  }
0xdb: {  	v9 =	vmul.f32 $4.525483320e+01, v33;
	[tilespmem:v2+s1+$0x2C00 ss:$0x1] =	vst.idx.msk $0xffff, v3;
	v3 =	vmul.f32 $4.525483320e+01, v5;
	v5 =	vld.idx.msk [tilespmem:v2+s1+$0x2820 ss:$0x1], $0xffff  }
0xdc: {  	[tilespmem:v2+s1+$0x10 ss:$0x1] =	vst.idx.msk $0xffff, v6;
	v6 =	vld.idx.msk [tilespmem:v2+s1+$0x1820 ss:$0x1], $0xffff  }
0xdd: {  	[tilespmem:v2+s1+$0x1020 ss:$0x1] =	vst.idx.msk $0xffff, v9;
	v7 =	vmul.f32 $4.525483320e+01, v7;
	v36 =	vld.idx.msk [tilespmem:v2+s1+$0x2C10 ss:$0x1], $0xffff  }
0xde: {  	[tilespmem:v2+s1+$0x1420 ss:$0x1] =	vst.idx.msk $0xffff, v3;
	v3 =	vmul.f32 $4.525483320e+01, v4;
	v4 =	vld.idx.msk [tilespmem:v2+s1+$0x3410 ss:$0x1], $0xffff  }
0xdf: {  	[tilespmem:v2+s1+$0x3010 ss:$0x1] =	vst.idx.msk $0xffff, v7;
	v7 =	vld.idx.msk [tilespmem:v2+s1+$0x1C20 ss:$0x1], $0xffff;
	v8 =	vmul.f32 $4.525483320e+01, v8  }
0xe0: {  	v39 =	vld.idx.msk [tilespmem:v2+s1+$0x1430 ss:$0x1], $0xffff;
	[tilespmem:v2+s1+$0x3800 ss:$0x1] =	vst.idx.msk $0xffff, v3;
	v5 =	vmul.f32 $4.525483320e+01, v5  }
0xe1: {  	v3 =	vld.idx.msk [tilespmem:v2+s1+$0x3020 ss:$0x1], $0xffff;
	v6 =	vmul.f32 $4.525483320e+01, v6;
	[tilespmem:v2+s1+$0x2420 ss:$0x1] =	vst.idx.msk $0xffff, v8  }
0xe2: {  	v8 =	vld.idx.msk [tilespmem:v2+s1+$0x20 ss:$0x1], $0xffff;
	v9 =	vmul.f32 $4.525483320e+01, v36;
	[tilespmem:v2+s1+$0x2820 ss:$0x1] =	vst.idx.msk $0xffff, v5  }
0xe3: {  	v50 =	vld.idx.msk [tilespmem:v2+s1+$0x2020 ss:$0x1], $0xffff;
	[tilespmem:v2+s1+$0x1820 ss:$0x1] =	vst.idx.msk $0xffff, v6;
	v4 =	vmul.f32 $4.525483320e+01, v4  }
0xe4: {  	v5 =	vld.idx.msk [tilespmem:v2+s1+$0x820 ss:$0x1], $0xffff;
	[tilespmem:v2+s1+$0x2C10 ss:$0x1] =	vst.idx.msk $0xffff, v9;
	v6 =	vmul.f32 $4.525483320e+01, v7  }
0xe5: {  	v38 =	vld.idx.msk [tilespmem:v2+s1+$0x2830 ss:$0x1], $0xffff;
	v10 =	vmul.f32 $4.525483320e+01, v39;
	[tilespmem:v2+s1+$0x3410 ss:$0x1] =	vst.idx.msk $0xffff, v4  }
0xe6: {  	v7 =	vld.idx.msk [tilespmem:v2+s1+$0x2C20 ss:$0x1], $0xffff;
	v3 =	vmul.f32 $4.525483320e+01, v3;
	[tilespmem:v2+s1+$0x1C20 ss:$0x1] =	vst.idx.msk $0xffff, v6  }
0xe7: {  	v4 =	vld.idx.msk [tilespmem:v2+s1+$0x1830 ss:$0x1], $0xffff;
	[tilespmem:v2+s1+$0x1430 ss:$0x1] =	vst.idx.msk $0xffff, v10;
	v8 =	vmul.f32 $4.525483320e+01, v8  }
0xe8: {  	v6 =	vmul.f32 $4.525483320e+01, v37;
	[tilespmem:v2+s1+$0x3020 ss:$0x1] =	vst.idx.msk $0xffff, v3;
	v3 =	vld.idx.msk [tilespmem:v2+s1+$0xC10 ss:$0x1], $0xffff  }
0xe9: {  	v5 =	vmul.f32 $4.525483320e+01, v5;
	[tilespmem:v2+s1+$0x20 ss:$0x1] =	vst.idx.msk $0xffff, v8;
	v8 =	vld.idx.msk [tilespmem:v2+s1+$0x3030 ss:$0x1], $0xffff  }
0xea: {  	[tilespmem:v2+s1+$0x400 ss:$0x1] =	vst.idx.msk $0xffff, v6;
	v6 =	vmul.f32 $4.525483320e+01, v38;
	v40 =	vld.idx.msk [tilespmem:v2+s1+$0x30 ss:$0x1], $0xffff  }
0xeb: {  	[tilespmem:v2+s1+$0x820 ss:$0x1] =	vst.idx.msk $0xffff, v5;
	v5 =	vmul.f32 $4.525483320e+01, v7;
	v7 =	vld.idx.msk [tilespmem:v2+s1+$0x1C30 ss:$0x1], $0xffff  }
0xec: {  	v4 =	vmul.f32 $4.525483320e+01, v4;
	[tilespmem:v2+s1+$0x2830 ss:$0x1] =	vst.idx.msk $0xffff, v6;
	v6 =	vld.idx.msk [tilespmem:v2+s1+$0x2430 ss:$0x1], $0xffff  }
0xed: {  	[tilespmem:v2+s1+$0x2C20 ss:$0x1] =	vst.idx.msk $0xffff, v5;
	v5 =	vld.idx.msk [tilespmem:v2+s1+$0x410 ss:$0x1], $0xffff;
	v3 =	vmul.f32 $4.525483320e+01, v3  }
0xee: {  	[tilespmem:v2+s1+$0x1830 ss:$0x1] =	vst.idx.msk $0xffff, v4;
	v4 =	vld.idx.msk [tilespmem:v2+s1+$0x2840 ss:$0x1], $0xffff;
	v8 =	vmul.f32 $4.525483320e+01, v8  }
0xef: {  	v41 =	vld.idx.msk [tilespmem:v2+s1+$0x2C30 ss:$0x1], $0xffff;
	v9 =	vmul.f32 $4.525483320e+01, v40;
	[tilespmem:v2+s1+$0xC10 ss:$0x1] =	vst.idx.msk $0xffff, v3  }
0xf0: {  	v3 =	vmul.f32 $4.525483320e+01, v7;
	v7 =	vld.idx.msk [tilespmem:v2+s1+$0x1840 ss:$0x1], $0xffff;
	[tilespmem:v2+s1+$0x3030 ss:$0x1] =	vst.idx.msk $0xffff, v8  }
0xf1: {  	v8 =	vld.idx.msk [tilespmem:v2+s1+$0xC20 ss:$0x1], $0xffff;
	v6 =	vmul.f32 $4.525483320e+01, v6;
	[tilespmem:v2+s1+$0x30 ss:$0x1] =	vst.idx.msk $0xffff, v9  }
0xf2: {  	v5 =	vmul.f32 $4.525483320e+01, v5;
	v42 =	vld.idx.msk [tilespmem:v2+s1+$0x3040 ss:$0x1], $0xffff;
	[tilespmem:v2+s1+$0x1C30 ss:$0x1] =	vst.idx.msk $0xffff, v3  }
0xf3: {  	v3 =	vld.idx.msk [tilespmem:v2+s1+$0x40 ss:$0x1], $0xffff;
	v4 =	vmul.f32 $4.525483320e+01, v4;
	[tilespmem:v2+s1+$0x2430 ss:$0x1] =	vst.idx.msk $0xffff, v6  }
0xf4: {  	v6 =	vld.idx.msk [tilespmem:v2+s1+$0x1440 ss:$0x1], $0xffff;
	v10 =	vmul.f32 $4.525483320e+01, v41;
	[tilespmem:v2+s1+$0x410 ss:$0x1] =	vst.idx.msk $0xffff, v5  }
0xf5: {  	v5 =	vmul.f32 $4.525483320e+01, v7;
	v7 =	vld.idx.msk [tilespmem:v2+s1+$0x2440 ss:$0x1], $0xffff;
	[tilespmem:v2+s1+$0x2840 ss:$0x1] =	vst.idx.msk $0xffff, v4  }
0xf6: {  	v4 =	vld.idx.msk [tilespmem:v2+s1+$0x3810 ss:$0x1], $0xffff;
	[tilespmem:v2+s1+$0x2C30 ss:$0x1] =	vst.idx.msk $0xffff, v10;
	v8 =	vmul.f32 $4.525483320e+01, v8  }
0xf7: {  	v43 =	vld.idx.msk [tilespmem:v2+s1+$0x420 ss:$0x1], $0xffff;
	[tilespmem:v2+s1+$0x1840 ss:$0x1] =	vst.idx.msk $0xffff, v5;
	v5 =	vmul.f32 $4.525483320e+01, v42  }
0xf8: {  	v44 =	vld.idx.msk [tilespmem:v2+s1+$0x2C40 ss:$0x1], $0xffff;
	v3 =	vmul.f32 $4.525483320e+01, v3;
	[tilespmem:v2+s1+$0xC20 ss:$0x1] =	vst.idx.msk $0xffff, v8  }
0xf9: {  	v45 =	vld.idx.msk [tilespmem:v2+s1+$0x1030 ss:$0x1], $0xffff;
	v6 =	vmul.f32 $4.525483320e+01, v6;
	[tilespmem:v2+s1+$0x3040 ss:$0x1] =	vst.idx.msk $0xffff, v5  }
0xfa: {  	v8 =	vld.idx.msk [tilespmem:v2+s1+$0x2850 ss:$0x1], $0xffff;
	[tilespmem:v2+s1+$0x40 ss:$0x1] =	vst.idx.msk $0xffff, v3;
	v3 =	vmul.f32 $4.525483320e+01, v7  }
0xfb: {  	v5 =	vld.idx.msk [tilespmem:v2+s1+$0xC30 ss:$0x1], $0xffff;
	v4 =	vmul.f32 $4.525483320e+01, v4;
	[tilespmem:v2+s1+$0x1440 ss:$0x1] =	vst.idx.msk $0xffff, v6  }
0xfc: {  	v7 =	vld.idx.msk [tilespmem:v2+s1+$0x3050 ss:$0x1], $0xffff;
	v10 =	vmul.f32 $4.525483320e+01, v43;
	[tilespmem:v2+s1+$0x2440 ss:$0x1] =	vst.idx.msk $0xffff, v3  }
0xfd: {  	v6 =	vld.idx.msk [tilespmem:v2+s1+$0x50 ss:$0x1], $0xffff;
	v9 =	vmul.f32 $4.525483320e+01, v44;
	[tilespmem:v2+s1+$0x3810 ss:$0x1] =	vst.idx.msk $0xffff, v4  }
0xfe: {  	v3 =	vld.idx.msk [tilespmem:v2+s1+$0x1850 ss:$0x1], $0xffff;
	[tilespmem:v2+s1+$0x420 ss:$0x1] =	vst.idx.msk $0xffff, v10;
	v10 =	vmul.f32 $4.525483320e+01, v45  }
0xff: {  	v4 =	vld.idx.msk [tilespmem:v2+s1+$0x3C00 ss:$0x1], $0xffff;
	v8 =	vmul.f32 $4.525483320e+01, v8;
	[tilespmem:v2+s1+$0x2C40 ss:$0x1] =	vst.idx.msk $0xffff, v9  }
0x100: {  	v46 =	vld.idx.msk [tilespmem:v2+s1+$0x430 ss:$0x1], $0xffff;
	v5 =	vmul.f32 $4.525483320e+01, v5;
	[tilespmem:v2+s1+$0x1030 ss:$0x1] =	vst.idx.msk $0xffff, v10  }
0x101: {  	[tilespmem:v2+s1+$0x2850 ss:$0x1] =	vst.idx.msk $0xffff, v8;
	v7 =	vmul.f32 $4.525483320e+01, v7;
	v8 =	vld.idx.msk [tilespmem:v2+s1+$0x2C50 ss:$0x1], $0xffff  }
0x102: {  	v6 =	vmul.f32 $4.525483320e+01, v6;
	[tilespmem:v2+s1+$0xC30 ss:$0x1] =	vst.idx.msk $0xffff, v5;
	v5 =	vld.idx.msk [tilespmem:v2+s1+$0x2450 ss:$0x1], $0xffff  }
0x103: {  	v3 =	vmul.f32 $4.525483320e+01, v3;
	[tilespmem:v2+s1+$0x3050 ss:$0x1] =	vst.idx.msk $0xffff, v7;
	v7 =	vld.idx.msk [tilespmem:v2+s1+$0xC40 ss:$0x1], $0xffff  }
0x104: {  	v4 =	vmul.f32 $4.525483320e+01, v4;
	[tilespmem:v2+s1+$0x50 ss:$0x1] =	vst.idx.msk $0xffff, v6;
	v6 =	vld.idx.msk [tilespmem:v2+s1+$0x3060 ss:$0x1], $0xffff  }
0x105: {  	v9 =	vmul.f32 $4.525483320e+01, v46;
	[tilespmem:v2+s1+$0x1850 ss:$0x1] =	vst.idx.msk $0xffff, v3;
	v3 =	vld.idx.msk [tilespmem:v2+s1+$0x60 ss:$0x1], $0xffff  }
0x106: {  	[tilespmem:v2+s1+$0x3C00 ss:$0x1] =	vst.idx.msk $0xffff, v4;
	v4 =	vld.idx.msk [tilespmem:v2+s1+$0x2860 ss:$0x1], $0xffff;
	v8 =	vmul.f32 $4.525483320e+01, v8  }
0x107: {  	v47 =	vld.idx.msk [tilespmem:v2+s1+$0x3C10 ss:$0x1], $0xffff;
	[tilespmem:v2+s1+$0x430 ss:$0x1] =	vst.idx.msk $0xffff, v9;
	v5 =	vmul.f32 $4.525483320e+01, v5  }
0x108: {  	v48 =	vld.idx.msk [tilespmem:v2+s1+$0x1040 ss:$0x1], $0xffff;
	v7 =	vmul.f32 $4.525483320e+01, v7;
	[tilespmem:v2+s1+$0x2C50 ss:$0x1] =	vst.idx.msk $0xffff, v8  }
0x109: {  	v8 =	vld.idx.msk [tilespmem:v2+s1+$0x440 ss:$0x1], $0xffff;
	[tilespmem:v2+s1+$0x2450 ss:$0x1] =	vst.idx.msk $0xffff, v5;
	v5 =	vmul.f32 $4.525483320e+01, v6  }
0x10a: {  	v6 =	vld.idx.msk [tilespmem:v2+s1+$0x3820 ss:$0x1], $0xffff;
	v3 =	vmul.f32 $4.525483320e+01, v3;
	[tilespmem:v2+s1+$0xC40 ss:$0x1] =	vst.idx.msk $0xffff, v7  }
0x10b: {  	v4 =	vmul.f32 $4.525483320e+01, v4;
	v7 =	vld.idx.msk [tilespmem:v2+s1+$0xC50 ss:$0x1], $0xffff;
	[tilespmem:v2+s1+$0x3060 ss:$0x1] =	vst.idx.msk $0xffff, v5  }
0x10c: {  	v5 =	vld.idx.msk [tilespmem:v2+s1+$0x830 ss:$0x1], $0xffff;
	[tilespmem:v2+s1+$0x60 ss:$0x1] =	vst.idx.msk $0xffff, v3;
	v3 =	vmul.f32 $4.525483320e+01, v47  }
0x10d: {  	v9 =	vmul.f32 $4.525483320e+01, v48;
	v49 =	vld.idx.msk [tilespmem:v2+s1+$0x2C60 ss:$0x1], $0xffff;
	[tilespmem:v2+s1+$0x2860 ss:$0x1] =	vst.idx.msk $0xffff, v4  }
0x10e: {  	v4 =	vld.idx.msk [tilespmem:v2+s1+$0x3420 ss:$0x1], $0xffff;
	[tilespmem:v2+s1+$0x3C10 ss:$0x1] =	vst.idx.msk $0xffff, v3;
	v3 =	vmul.f32 $4.525483320e+01, v8  }
0x10f: {  	[tilespmem:v2+s1+$0x1040 ss:$0x1] =	vst.idx.msk $0xffff, v9;
	v6 =	vmul.f32 $4.525483320e+01, v6;
	v8 =	vld.idx.msk [tilespmem:v2+s1+$0x3C20 ss:$0x1], $0xffff  }
0x110: {  	v51 =	vld.idx.msk [tilespmem:v2+s1+$0x1C40 ss:$0x1], $0xffff;
	[tilespmem:v2+s1+$0x440 ss:$0x1] =	vst.idx.msk $0xffff, v3;
	v3 =	vmul.f32 $4.525483320e+01, v7  }
0x111: {  	v7 =	vld.idx.msk [tilespmem:v2+s1+$0x1050 ss:$0x1], $0xffff;
	v5 =	vmul.f32 $4.525483320e+01, v5;
	[tilespmem:v2+s1+$0x3820 ss:$0x1] =	vst.idx.msk $0xffff, v6  }
0x112: {  	v6 =	vld.idx.msk [tilespmem:v2+s1+$0x450 ss:$0x1], $0xffff;
	[tilespmem:v2+s1+$0xC50 ss:$0x1] =	vst.idx.msk $0xffff, v3;
	v3 =	vmul.f32 $4.525483320e+01, v49  }
0x113: {  	v59 =	vld.idx.msk [tilespmem:v2+s1+$0x3070 ss:$0x1], $0xffff;
	v4 =	vmul.f32 $4.525483320e+01, v4;
	[tilespmem:v2+s1+$0x830 ss:$0x1] =	vst.idx.msk $0xffff, v5  }
0x114: {  	v5 =	vld.idx.msk [tilespmem:v2+s1+$0xC60 ss:$0x1], $0xffff;
	[tilespmem:v2+s1+$0x2C60 ss:$0x1] =	vst.idx.msk $0xffff, v3;
	v3 =	vmul.f32 $4.525483320e+01, v8  }
0x115: {  	v52 =	vld.idx.msk [tilespmem:v2+s1+$0x840 ss:$0x1], $0xffff;
	[tilespmem:v2+s1+$0x3420 ss:$0x1] =	vst.idx.msk $0xffff, v4;
	v8 =	vmul.f32 $4.525483320e+01, v50  }
0x116: {  	v4 =	vld.idx.msk [tilespmem:v2+s1+$0x3830 ss:$0x1], $0xffff;
	v7 =	vmul.f32 $4.525483320e+01, v7;
	[tilespmem:v2+s1+$0x3C20 ss:$0x1] =	vst.idx.msk $0xffff, v3  }
0x117: {  	v53 =	vld.idx.msk [tilespmem:v2+s1+$0x3430 ss:$0x1], $0xffff;
	v6 =	vmul.f32 $4.525483320e+01, v6;
	[tilespmem:v2+s1+$0x2020 ss:$0x1] =	vst.idx.msk $0xffff, v8  }
0x118: {  	v3 =	vld.idx.msk [tilespmem:v2+s1+$0x2460 ss:$0x1], $0xffff;
	[tilespmem:v2+s1+$0x1050 ss:$0x1] =	vst.idx.msk $0xffff, v7;
	v7 =	vmul.f32 $4.525483320e+01, v51  }
0x119: {  	v8 =	vld.idx.msk [tilespmem:v2+s1+$0x3C30 ss:$0x1], $0xffff;
	[tilespmem:v2+s1+$0x450 ss:$0x1] =	vst.idx.msk $0xffff, v6;
	v5 =	vmul.f32 $4.525483320e+01, v5  }
0x11a: {  	v6 =	vld.idx.msk [tilespmem:v2+s1+$0x2030 ss:$0x1], $0xffff;
	v9 =	vmul.f32 $4.525483320e+01, v52;
	[tilespmem:v2+s1+$0x1C40 ss:$0x1] =	vst.idx.msk $0xffff, v7  }
0x11b: {  	v4 =	vmul.f32 $4.525483320e+01, v4;
	v7 =	vld.idx.msk [tilespmem:v2+s1+$0x1060 ss:$0x1], $0xffff;
	[tilespmem:v2+s1+$0xC60 ss:$0x1] =	vst.idx.msk $0xffff, v5  }
0x11c: {  	v10 =	vmul.f32 $4.525483320e+01, v53;
	v5 =	vld.idx.msk [tilespmem:v2+s1+$0x1C50 ss:$0x1], $0xffff;
	[tilespmem:v2+s1+$0x840 ss:$0x1] =	vst.idx.msk $0xffff, v9  }
0x11d: {  	[tilespmem:v2+s1+$0x3830 ss:$0x1] =	vst.idx.msk $0xffff, v4;
	v3 =	vmul.f32 $4.525483320e+01, v3;
	v54 =	vld.idx.msk [tilespmem:v2+s1+$0xC70 ss:$0x1], $0xffff  }
0x11e: {  	[tilespmem:v2+s1+$0x3430 ss:$0x1] =	vst.idx.msk $0xffff, v10;
	v4 =	vmul.f32 $4.525483320e+01, v8;
	v8 =	vld.idx.msk [tilespmem:v2+s1+$0x850 ss:$0x1], $0xffff  }
0x11f: {  	[tilespmem:v2+s1+$0x2460 ss:$0x1] =	vst.idx.msk $0xffff, v3;
	v3 =	vld.idx.msk [tilespmem:v2+s1+$0x3840 ss:$0x1], $0xffff;
	v6 =	vmul.f32 $4.525483320e+01, v6  }
0x120: {  	[tilespmem:v2+s1+$0x3C30 ss:$0x1] =	vst.idx.msk $0xffff, v4;
	v4 =	vld.idx.msk [tilespmem:v2+s1+$0x1450 ss:$0x1], $0xffff;
	v7 =	vmul.f32 $4.525483320e+01, v7  }
0x121: {  	v55 =	vld.idx.msk [tilespmem:v2+s1+$0x3C40 ss:$0x1], $0xffff;
	v5 =	vmul.f32 $4.525483320e+01, v5;
	[tilespmem:v2+s1+$0x2030 ss:$0x1] =	vst.idx.msk $0xffff, v6  }
0x122: {  	v6 =	vld.idx.msk [tilespmem:v2+s1+$0x3440 ss:$0x1], $0xffff;
	v9 =	vmul.f32 $4.525483320e+01, v54;
	[tilespmem:v2+s1+$0x1060 ss:$0x1] =	vst.idx.msk $0xffff, v7  }
0x123: {  	v7 =	vld.idx.msk [tilespmem:v2+s1+$0x460 ss:$0x1], $0xffff;
	v8 =	vmul.f32 $4.525483320e+01, v8;
	[tilespmem:v2+s1+$0x1C50 ss:$0x1] =	vst.idx.msk $0xffff, v5  }
0x124: {  	v5 =	vld.idx.msk [tilespmem:v2+s1+$0x2040 ss:$0x1], $0xffff;
	[tilespmem:v2+s1+$0xC70 ss:$0x1] =	vst.idx.msk $0xffff, v9;
	v3 =	vmul.f32 $4.525483320e+01, v3  }
0x125: {  	v56 =	vld.idx.msk [tilespmem:v2+s1+$0x1C60 ss:$0x1], $0xffff;
	[tilespmem:v2+s1+$0x850 ss:$0x1] =	vst.idx.msk $0xffff, v8;
	v4 =	vmul.f32 $4.525483320e+01, v4  }
0x126: {  	v8 =	vld.idx.msk [tilespmem:v2+s1+$0x70 ss:$0x1], $0xffff;
	[tilespmem:v2+s1+$0x3840 ss:$0x1] =	vst.idx.msk $0xffff, v3;
	v3 =	vmul.f32 $4.525483320e+01, v55  }
0x127: {  	v57 =	vld.idx.msk [tilespmem:v2+s1+$0x860 ss:$0x1], $0xffff;
	[tilespmem:v2+s1+$0x1450 ss:$0x1] =	vst.idx.msk $0xffff, v4;
	v4 =	vmul.f32 $4.525483320e+01, v6  }
0x128: {  	v6 =	vld.idx.msk [tilespmem:v2+s1+$0x3850 ss:$0x1], $0xffff;
	v7 =	vmul.f32 $4.525483320e+01, v7;
	[tilespmem:v2+s1+$0x3C40 ss:$0x1] =	vst.idx.msk $0xffff, v3  }
0x129: {  	v3 =	vld.idx.msk [tilespmem:v2+s1+$0x2C70 ss:$0x1], $0xffff;
	v5 =	vmul.f32 $4.525483320e+01, v5;
	[tilespmem:v2+s1+$0x3440 ss:$0x1] =	vst.idx.msk $0xffff, v4  }
0x12a: {  	v58 =	vld.idx.msk [tilespmem:v2+s1+$0x1460 ss:$0x1], $0xffff;
	[tilespmem:v2+s1+$0x460 ss:$0x1] =	vst.idx.msk $0xffff, v7;
	v7 =	vmul.f32 $4.525483320e+01, v56  }
0x12b: {  	v4 =	vld.idx.msk [tilespmem:v2+s1+$0x3C50 ss:$0x1], $0xffff;
	v8 =	vmul.f32 $4.525483320e+01, v8;
	[tilespmem:v2+s1+$0x2040 ss:$0x1] =	vst.idx.msk $0xffff, v5  }
0x12c: {  	v5 =	vld.idx.msk [tilespmem:v2+s1+$0x3450 ss:$0x1], $0xffff;
	v10 =	vmul.f32 $4.525483320e+01, v57;
	[tilespmem:v2+s1+$0x1C60 ss:$0x1] =	vst.idx.msk $0xffff, v7  }
0x12d: {  	v7 =	vld.idx.msk [tilespmem:v2+s1+$0x2050 ss:$0x1], $0xffff;
	[tilespmem:v2+s1+$0x70 ss:$0x1] =	vst.idx.msk $0xffff, v8;
	v6 =	vmul.f32 $4.525483320e+01, v6  }
0x12e: {  	v8 =	vld.idx.msk [tilespmem:v2+s1+$0x1C70 ss:$0x1], $0xffff;
	[tilespmem:v2+s1+$0x860 ss:$0x1] =	vst.idx.msk $0xffff, v10;
	v3 =	vmul.f32 $4.525483320e+01, v3  }
0x12f: {  	v62 =	vld.idx.msk [tilespmem:v2+s1+$0x470 ss:$0x1], $0xffff;
	v9 =	vmul.f32 $4.525483320e+01, v58;
	[tilespmem:v2+s1+$0x3850 ss:$0x1] =	vst.idx.msk $0xffff, v6  }
0x130: {  	v4 =	vmul.f32 $4.525483320e+01, v4;
	v6 =	vld.idx.msk [tilespmem:v2+s1+$0x870 ss:$0x1], $0xffff;
	[tilespmem:v2+s1+$0x2C70 ss:$0x1] =	vst.idx.msk $0xffff, v3  }
0x131: {  	v3 =	vld.idx.msk [tilespmem:v2+s1+$0x3860 ss:$0x1], $0xffff;
	v5 =	vmul.f32 $4.525483320e+01, v5;
	[tilespmem:v2+s1+$0x1460 ss:$0x1] =	vst.idx.msk $0xffff, v9  }
0x132: {  	[tilespmem:v2+s1+$0x3C50 ss:$0x1] =	vst.idx.msk $0xffff, v4;
	v4 =	vld.idx.msk [tilespmem:v2+s1+$0x1860 ss:$0x1], $0xffff;
	v7 =	vmul.f32 $4.525483320e+01, v7  }
0x133: {  	v60 =	vld.idx.msk [tilespmem:v2+s1+$0x3C60 ss:$0x1], $0xffff;
	v8 =	vmul.f32 $4.525483320e+01, v8;
	[tilespmem:v2+s1+$0x3450 ss:$0x1] =	vst.idx.msk $0xffff, v5  }
0x134: {  	v61 =	vld.idx.msk [tilespmem:v2+s1+$0x1470 ss:$0x1], $0xffff;
	v5 =	vmul.f32 $4.525483320e+01, v59;
	[tilespmem:v2+s1+$0x2050 ss:$0x1] =	vst.idx.msk $0xffff, v7  }
0x135: {  	v7 =	vld.idx.msk [tilespmem:v2+s1+$0x3460 ss:$0x1], $0xffff;
	v6 =	vmul.f32 $4.525483320e+01, v6;
	[tilespmem:v2+s1+$0x1C70 ss:$0x1] =	vst.idx.msk $0xffff, v8  }
0x136: {  	v8 =	vld.idx.msk [tilespmem:v2+s1+$0x2060 ss:$0x1], $0xffff;
	[tilespmem:v2+s1+$0x3070 ss:$0x1] =	vst.idx.msk $0xffff, v5;
	v3 =	vmul.f32 $4.525483320e+01, v3  }
0x137: {  	v5 =	vld.idx.msk [tilespmem:v2+s1+$0x1070 ss:$0x1], $0xffff;
	[tilespmem:v2+s1+$0x870 ss:$0x1] =	vst.idx.msk $0xffff, v6;
	v4 =	vmul.f32 $4.525483320e+01, v4  }
0x138: {  	v6 =	vld.idx.msk [tilespmem:v2+s1+$0x2470 ss:$0x1], $0xffff;
	[tilespmem:v2+s1+$0x3860 ss:$0x1] =	vst.idx.msk $0xffff, v3;
	v3 =	vmul.f32 $4.525483320e+01, v60  }
0x139: {  	v10 =	vmul.f32 $4.525483320e+01, v61;
	[tilespmem:v2+s1+$0x1860 ss:$0x1] =	vst.idx.msk $0xffff, v4;
	v4 =	vld.idx.msk [tilespmem:v2+s1+$0x3870 ss:$0x1], $0xffff  }
0x13a: {  	v7 =	vmul.f32 $4.525483320e+01, v7;
	[tilespmem:v2+s1+$0x3C60 ss:$0x1] =	vst.idx.msk $0xffff, v3;
	v3 =	vld.idx.msk [tilespmem:v2+s1+$0x1870 ss:$0x1], $0xffff  }
0x13b: {  	[tilespmem:v2+s1+$0x1470 ss:$0x1] =	vst.idx.msk $0xffff, v10;
	v8 =	vmul.f32 $4.525483320e+01, v8  }
0x13c: {  	v5 =	vmul.f32 $4.525483320e+01, v5;
	[tilespmem:v2+s1+$0x3460 ss:$0x1] =	vst.idx.msk $0xffff, v7;
	v7 =	vld.idx.msk [tilespmem:v2+s1+$0x3C70 ss:$0x1], $0xffff  }
0x13d: {  	v63 =	vld.idx.msk [tilespmem:v2+s1+$0x2870 ss:$0x1], $0xffff;
	[tilespmem:v2+s1+$0x2060 ss:$0x1] =	vst.idx.msk $0xffff, v8;
	v8 =	vmul.f32 $4.525483320e+01, v62  }
0x13e: {  	v6 =	vmul.f32 $4.525483320e+01, v6;
	[tilespmem:v2+s1+$0x1070 ss:$0x1] =	vst.idx.msk $0xffff, v5;
	v5 =	vmul.f32 $4.525483320e+01, v4;
	v4 =	vld.idx.msk [tilespmem:v2+s1+$0x3470 ss:$0x1], $0xffff  }
0x13f: {  	[tilespmem:v2+s1+$0x470 ss:$0x1] =	vst.idx.msk $0xffff, v8;
	v8 =	vmul.f32 $4.525483320e+01, v3;
	v3 =	vld.idx.msk [tilespmem:v2+s1+$0x2070 ss:$0x1], $0xffff  }
0x140: {  	[tilespmem:v2+s1+$0x2470 ss:$0x1] =	vst.idx.msk $0xffff, v6  }
0x141: {  	[tilespmem:v2+s1+$0x3870 ss:$0x1] =	vst.idx.msk $0xffff, v5;
	v6 =	vmul.f32 $4.525483320e+01, v7  }
0x142: {  	s17 =	simm.s32 $0x1;
	v5 =	vmul.f32 $4.525483320e+01, v63;
	[tilespmem:v2+s1+$0x1870 ss:$0x1] =	vst.idx.msk $0xffff, v8  }
.LBB2_3:
0x143: {  	s18 =	sshll.u32 s17, $0x7;
	p0 =	sne.s32 s17, $0x7;
	s17 =	sadd.s32 $0x1, s17;
	v4 =	vmul.f32 $4.525483320e+01, v4;
	[tilespmem:v2+s1+$0x3C70 ss:$0x1] =	vst.idx.msk $0xffff, v6  }
0x144: {  	v3 =	vmul.f32 $4.525483320e+01, v3;
	s18 =	sand.u32 $0x3FFFFF80, s18;
	[tilespmem:v2+s1+$0x2870 ss:$0x1] =	vst.idx.msk $0xffff, v5  }
0x145: {  	v5 =	vld.idx.msk [tilespmem:v2+s18+$0x1800 ss:$0x1], $0xffff;
	[tilespmem:v2+s1+$0x3470 ss:$0x1] =	vst.idx.msk $0xffff, v4  }
0x146: {  	v4 =	vld.idx.msk [tilespmem:v2+s18+$0x1400 ss:$0x1], $0xffff;
	[tilespmem:v2+s1+$0x2070 ss:$0x1] =	vst.idx.msk $0xffff, v3;
	s1 =	smov.u32 s18  }
0x147: {  	v3 =	vld.idx.msk [tilespmem:v2+s1+$0x3400 ss:$0x1], $0xffff  }
0x148: {  	v6 =	vld.idx.msk [tilespmem:v2+s1+$0x3000 ss:$0x1], $0xffff  }
0x149: {  	v7 =	vld.idx.msk [tilespmem:v2+s1+$0x1000 ss:$0x1], $0xffff  }
0x14a: {  	v8 =	vld.idx.msk [tilespmem:v2+s1+$0xC00 ss:$0x1], $0xffff  }
0x14b: {  	v9 =	vld.idx.msk [tilespmem:v2+s1+$0x2800 ss:$0x1], $0xffff  }
0x14c: {  	v10 =	vld.idx.msk [tilespmem:v2+s1+$0x1C00 ss:$0x1], $0xffff  }
0x14d: {  	v3 =	vmul.f32 $4.525483320e+01, v3;
	v11 =	vld.idx.msk [tilespmem:v2+s1+$0x2000 ss:$0x1], $0xffff  }
0x14e: {  	v6 =	vmul.f32 $4.525483320e+01, v6;
	v12 =	vld.idx.msk [tilespmem:v2+s1+$0x2400 ss:$0x1], $0xffff  }
0x14f: {  	v7 =	vmul.f32 $4.525483320e+01, v7;
	v13 =	vld.idx.msk [tilespmem:v2+s1+$0x0 ss:$0x1], $0xffff;
	[tilespmem:v2+s1+$0x3400 ss:$0x1] =	vst.idx.msk $0xffff, v3  }
0x150: {  	v4 =	vmul.f32 $4.525483320e+01, v4;
	v3 =	vld.idx.msk [tilespmem:v2+s1+$0x800 ss:$0x1], $0xffff;
	[tilespmem:v2+s1+$0x3000 ss:$0x1] =	vst.idx.msk $0xffff, v6  }
0x151: {  	v5 =	vmul.f32 $4.525483320e+01, v5;
	v6 =	vld.idx.msk [tilespmem:v2+s1+$0x400 ss:$0x1], $0xffff;
	[tilespmem:v2+s1+$0x1000 ss:$0x1] =	vst.idx.msk $0xffff, v7  }
0x152: {  	v7 =	vld.idx.msk [tilespmem:v2+s1+$0x1010 ss:$0x1], $0xffff;
	[tilespmem:v2+s1+$0x1400 ss:$0x1] =	vst.idx.msk $0xffff, v4;
	v4 =	vmul.f32 $4.525483320e+01, v10  }
0x153: {  	v10 =	vld.idx.msk [tilespmem:v2+s1+$0x1410 ss:$0x1], $0xffff;
	[tilespmem:v2+s1+$0x1800 ss:$0x1] =	vst.idx.msk $0xffff, v5;
	v5 =	vmul.f32 $4.525483320e+01, v11  }
0x154: {  	v11 =	vld.idx.msk [tilespmem:v2+s1+$0x1810 ss:$0x1], $0xffff;
	[tilespmem:v2+s1+$0x1C00 ss:$0x1] =	vst.idx.msk $0xffff, v4;
	v4 =	vmul.f32 $4.525483320e+01, v12  }
0x155: {  	v12 =	vmul.f32 $4.525483320e+01, v13;
	v13 =	vld.idx.msk [tilespmem:v2+s1+$0x1C10 ss:$0x1], $0xffff;
	[tilespmem:v2+s1+$0x2000 ss:$0x1] =	vst.idx.msk $0xffff, v5;
	v5 =	vmul.f32 $4.525483320e+01, v9  }
0x156: {  	v3 =	vmul.f32 $4.525483320e+01, v3;
	v9 =	vld.idx.msk [tilespmem:v2+s1+$0x2010 ss:$0x1], $0xffff;
	[tilespmem:v2+s1+$0x2400 ss:$0x1] =	vst.idx.msk $0xffff, v4  }
0x157: {  	v4 =	vld.idx.msk [tilespmem:v2+s1+$0x2410 ss:$0x1], $0xffff;
	[tilespmem:v2+s1+$0x2800 ss:$0x1] =	vst.idx.msk $0xffff, v5  }
0x158: {  	[tilespmem:v2+s1+$0x800 ss:$0x1] =	vst.idx.msk $0xffff, v3;
	v3 =	vmul.f32 $4.525483320e+01, v7;
	v5 =	vld.idx.msk [tilespmem:v2+s1+$0x2810 ss:$0x1], $0xffff  }
0x159: {  	v7 =	vmul.f32 $4.525483320e+01, v10;
	v10 =	vld.idx.msk [tilespmem:v2+s1+$0x2C00 ss:$0x1], $0xffff  }
0x15a: {  	v11 =	vmul.f32 $4.525483320e+01, v11;
	[tilespmem:v2+s1+$0x0 ss:$0x1] =	vst.idx.msk $0xffff, v12;
	v12 =	vld.idx.msk [tilespmem:v2+s1+$0x3010 ss:$0x1], $0xffff  }
0x15b: {  	v8 =	vmul.f32 $4.525483320e+01, v8;
	v14 =	vld.idx.msk [tilespmem:v2+s1+$0x10 ss:$0x1], $0xffff;
	[tilespmem:v2+s1+$0x1010 ss:$0x1] =	vst.idx.msk $0xffff, v3;
	v3 =	vmul.f32 $4.525483320e+01, v13  }
0x15c: {  	v13 =	vld.idx.msk [tilespmem:v2+s1+$0x1020 ss:$0x1], $0xffff;
	[tilespmem:v2+s1+$0x1410 ss:$0x1] =	vst.idx.msk $0xffff, v7;
	v7 =	vmul.f32 $4.525483320e+01, v9  }
0x15d: {  	v4 =	vmul.f32 $4.525483320e+01, v4;
	[tilespmem:v2+s1+$0xC00 ss:$0x1] =	vst.idx.msk $0xffff, v8;
	v8 =	vld.idx.msk [tilespmem:v2+s1+$0x1420 ss:$0x1], $0xffff  }
0x15e: {  	v5 =	vmul.f32 $4.525483320e+01, v5;
	v9 =	vld.idx.msk [tilespmem:v2+s1+$0xC10 ss:$0x1], $0xffff;
	[tilespmem:v2+s1+$0x1810 ss:$0x1] =	vst.idx.msk $0xffff, v11  }
0x15f: {  	v6 =	vmul.f32 $4.525483320e+01, v6;
	[tilespmem:v2+s1+$0x1C10 ss:$0x1] =	vst.idx.msk $0xffff, v3;
	v3 =	vld.idx.msk [tilespmem:v2+s1+$0x3410 ss:$0x1], $0xffff  }
0x160: {  	[tilespmem:v2+s1+$0x2410 ss:$0x1] =	vst.idx.msk $0xffff, v4;
	v4 =	vmul.f32 $4.525483320e+01, v10;
	v10 =	vmul.f32 $4.525483320e+01, v12;
	v11 =	vld.idx.msk [tilespmem:v2+s1+$0x3800 ss:$0x1], $0xffff  }
0x161: {  	v12 =	vmul.f32 $4.525483320e+01, v14;
	v14 =	vld.idx.msk [tilespmem:v2+s1+$0x2420 ss:$0x1], $0xffff;
	[tilespmem:v2+s1+$0x2810 ss:$0x1] =	vst.idx.msk $0xffff, v5  }
0x162: {  	v13 =	vmul.f32 $4.525483320e+01, v13;
	v5 =	vld.idx.msk [tilespmem:v2+s1+$0x810 ss:$0x1], $0xffff;
	[tilespmem:v2+s1+$0x2010 ss:$0x1] =	vst.idx.msk $0xffff, v7  }
0x163: {  	v7 =	vmul.f32 $4.525483320e+01, v8;
	v8 =	vld.idx.msk [tilespmem:v2+s1+$0x2820 ss:$0x1], $0xffff;
	[tilespmem:v2+s1+$0x2C00 ss:$0x1] =	vst.idx.msk $0xffff, v4  }
0x164: {  	[tilespmem:v2+s1+$0x1020 ss:$0x1] =	vst.idx.msk $0xffff, v13;
	v4 =	vld.idx.msk [tilespmem:v2+s1+$0x2C10 ss:$0x1], $0xffff  }
0x165: {  	v13 =	vmul.f32 $4.525483320e+01, v3;
	[tilespmem:v2+s1+$0x10 ss:$0x1] =	vst.idx.msk $0xffff, v12;
	v12 =	vld.idx.msk [tilespmem:v2+s1+$0x1820 ss:$0x1], $0xffff  }
0x166: {  	[tilespmem:v2+s1+$0x1420 ss:$0x1] =	vst.idx.msk $0xffff, v7;
	v7 =	vmul.f32 $4.525483320e+01, v11;
	v3 =	vld.idx.msk [tilespmem:v2+s1+$0x3C00 ss:$0x1], $0xffff  }
0x167: {  	v14 =	vmul.f32 $4.525483320e+01, v14;
	v11 =	vld.idx.msk [tilespmem:v2+s1+$0x1C20 ss:$0x1], $0xffff;
	[tilespmem:v2+s1+$0x3010 ss:$0x1] =	vst.idx.msk $0xffff, v10  }
0x168: {  	v5 =	vmul.f32 $4.525483320e+01, v5;
	v10 =	vld.idx.msk [tilespmem:v2+s1+$0x3020 ss:$0x1], $0xffff;
	[tilespmem:v2+s1+$0x3800 ss:$0x1] =	vst.idx.msk $0xffff, v7  }
0x169: {  	v8 =	vmul.f32 $4.525483320e+01, v8;
	v7 =	vld.idx.msk [tilespmem:v2+s1+$0x20 ss:$0x1], $0xffff;
	[tilespmem:v2+s1+$0x2420 ss:$0x1] =	vst.idx.msk $0xffff, v14  }
0x16a: {  	v4 =	vmul.f32 $4.525483320e+01, v4;
	[tilespmem:v2+s1+$0x810 ss:$0x1] =	vst.idx.msk $0xffff, v5;
	v5 =	vld.idx.msk [tilespmem:v2+s1+$0x2430 ss:$0x1], $0xffff  }
0x16b: {  	v12 =	vmul.f32 $4.525483320e+01, v12;
	v14 =	vld.idx.msk [tilespmem:v2+s1+$0x820 ss:$0x1], $0xffff;
	[tilespmem:v2+s1+$0x2820 ss:$0x1] =	vst.idx.msk $0xffff, v8  }
0x16c: {  	v8 =	vld.idx.msk [tilespmem:v2+s1+$0x2830 ss:$0x1], $0xffff;
	[tilespmem:v2+s1+$0x2C10 ss:$0x1] =	vst.idx.msk $0xffff, v4  }
0x16d: {  	v4 =	vmul.f32 $4.525483320e+01, v11;
	[tilespmem:v2+s1+$0x1820 ss:$0x1] =	vst.idx.msk $0xffff, v12;
	v11 =	vld.idx.msk [tilespmem:v2+s1+$0x2C20 ss:$0x1], $0xffff  }
0x16e: {  	v10 =	vmul.f32 $4.525483320e+01, v10;
	v12 =	vld.idx.msk [tilespmem:v2+s1+$0x1830 ss:$0x1], $0xffff;
	[tilespmem:v2+s1+$0x3410 ss:$0x1] =	vst.idx.msk $0xffff, v13  }
0x16f: {  	v7 =	vmul.f32 $4.525483320e+01, v7;
	v13 =	vld.idx.msk [tilespmem:v2+s1+$0x1430 ss:$0x1], $0xffff;
	[tilespmem:v2+s1+$0x1C20 ss:$0x1] =	vst.idx.msk $0xffff, v4  }
0x170: {  	v4 =	vld.idx.msk [tilespmem:v2+s1+$0x1C30 ss:$0x1], $0xffff;
	[tilespmem:v2+s1+$0x3020 ss:$0x1] =	vst.idx.msk $0xffff, v10  }
0x171: {  	[tilespmem:v2+s1+$0x20 ss:$0x1] =	vst.idx.msk $0xffff, v7;
	v7 =	vmul.f32 $4.525483320e+01, v14;
	v10 =	vld.idx.msk [tilespmem:v2+s1+$0x3030 ss:$0x1], $0xffff  }
0x172: {  	v14 =	vld.idx.msk [tilespmem:v2+s1+$0x30 ss:$0x1], $0xffff;
	[tilespmem:v2+s1+$0x400 ss:$0x1] =	vst.idx.msk $0xffff, v6;
	v6 =	vmul.f32 $4.525483320e+01, v8  }
0x173: {  	[tilespmem:v2+s1+$0x820 ss:$0x1] =	vst.idx.msk $0xffff, v7;
	v7 =	vmul.f32 $4.525483320e+01, v11;
	v8 =	vld.idx.msk [tilespmem:v2+s1+$0x3810 ss:$0x1], $0xffff  }
0x174: {  	v12 =	vmul.f32 $4.525483320e+01, v12;
	v11 =	vld.idx.msk [tilespmem:v2+s1+$0x410 ss:$0x1], $0xffff;
	[tilespmem:v2+s1+$0x2830 ss:$0x1] =	vst.idx.msk $0xffff, v6  }
0x175: {  	v6 =	vmul.f32 $4.525483320e+01, v13;
	v13 =	vld.idx.msk [tilespmem:v2+s1+$0x2840 ss:$0x1], $0xffff;
	[tilespmem:v2+s1+$0x2C20 ss:$0x1] =	vst.idx.msk $0xffff, v7  }
0x176: {  	v7 =	vmul.f32 $4.525483320e+01, v9;
	v4 =	vmul.f32 $4.525483320e+01, v4;
	[tilespmem:v2+s1+$0x1830 ss:$0x1] =	vst.idx.msk $0xffff, v12;
	v9 =	vld.idx.msk [tilespmem:v2+s1+$0x2C30 ss:$0x1], $0xffff  }
0x177: {  	v10 =	vmul.f32 $4.525483320e+01, v10;
	[tilespmem:v2+s1+$0x1430 ss:$0x1] =	vst.idx.msk $0xffff, v6;
	v6 =	vld.idx.msk [tilespmem:v2+s1+$0x1840 ss:$0x1], $0xffff  }
0x178: {  	v12 =	vmul.f32 $4.525483320e+01, v14;
	[tilespmem:v2+s1+$0xC10 ss:$0x1] =	vst.idx.msk $0xffff, v7;
	v7 =	vld.idx.msk [tilespmem:v2+s1+$0x1440 ss:$0x1], $0xffff  }
0x179: {  	v5 =	vmul.f32 $4.525483320e+01, v5;
	v8 =	vmul.f32 $4.525483320e+01, v8;
	v14 =	vld.idx.msk [tilespmem:v2+s1+$0xC20 ss:$0x1], $0xffff;
	[tilespmem:v2+s1+$0x3030 ss:$0x1] =	vst.idx.msk $0xffff, v10  }
0x17a: {  	v10 =	vmul.f32 $4.525483320e+01, v11;
	[tilespmem:v2+s1+$0x30 ss:$0x1] =	vst.idx.msk $0xffff, v12;
	v11 =	vld.idx.msk [tilespmem:v2+s1+$0x3040 ss:$0x1], $0xffff  }
0x17b: {  	v12 =	vld.idx.msk [tilespmem:v2+s1+$0x40 ss:$0x1], $0xffff;
	[tilespmem:v2+s1+$0x1C30 ss:$0x1] =	vst.idx.msk $0xffff, v4;
	v4 =	vmul.f32 $4.525483320e+01, v13  }
0x17c: {  	[tilespmem:v2+s1+$0x2430 ss:$0x1] =	vst.idx.msk $0xffff, v5;
	v5 =	vmul.f32 $4.525483320e+01, v9  }
0x17d: {  	v6 =	vmul.f32 $4.525483320e+01, v6;
	[tilespmem:v2+s1+$0x410 ss:$0x1] =	vst.idx.msk $0xffff, v10;
	v9 =	vld.idx.msk [tilespmem:v2+s1+$0x2440 ss:$0x1], $0xffff  }
0x17e: {  	v7 =	vmul.f32 $4.525483320e+01, v7;
	v10 =	vld.idx.msk [tilespmem:v2+s1+$0x420 ss:$0x1], $0xffff;
	[tilespmem:v2+s1+$0x2840 ss:$0x1] =	vst.idx.msk $0xffff, v4  }
0x17f: {  	v4 =	vmul.f32 $4.525483320e+01, v14;
	v13 =	vld.idx.msk [tilespmem:v2+s1+$0x2850 ss:$0x1], $0xffff;
	[tilespmem:v2+s1+$0x2C30 ss:$0x1] =	vst.idx.msk $0xffff, v5  }
0x180: {  	[tilespmem:v2+s1+$0x1840 ss:$0x1] =	vst.idx.msk $0xffff, v6;
	v5 =	vld.idx.msk [tilespmem:v2+s1+$0x2C40 ss:$0x1], $0xffff;
	v6 =	vmul.f32 $4.525483320e+01, v11  }
0x181: {  	v11 =	vmul.f32 $4.525483320e+01, v12;
	[tilespmem:v2+s1+$0xC20 ss:$0x1] =	vst.idx.msk $0xffff, v4;
	v4 =	vld.idx.msk [tilespmem:v2+s1+$0x1030 ss:$0x1], $0xffff  }
0x182: {  	v12 =	vld.idx.msk [tilespmem:v2+s1+$0xC30 ss:$0x1], $0xffff;
	[tilespmem:v2+s1+$0x3040 ss:$0x1] =	vst.idx.msk $0xffff, v6  }
0x183: {  	v6 =	vmul.f32 $4.525483320e+01, v9;
	[tilespmem:v2+s1+$0x40 ss:$0x1] =	vst.idx.msk $0xffff, v11;
	v9 =	vld.idx.msk [tilespmem:v2+s1+$0x3050 ss:$0x1], $0xffff  }
0x184: {  	v11 =	vld.idx.msk [tilespmem:v2+s1+$0x50 ss:$0x1], $0xffff;
	[tilespmem:v2+s1+$0x1440 ss:$0x1] =	vst.idx.msk $0xffff, v7  }
0x185: {  	v7 =	vmul.f32 $4.525483320e+01, v10;
	v10 =	vld.idx.msk [tilespmem:v2+s1+$0x1850 ss:$0x1], $0xffff;
	[tilespmem:v2+s1+$0x2440 ss:$0x1] =	vst.idx.msk $0xffff, v6  }
0x186: {  	v5 =	vmul.f32 $4.525483320e+01, v5;
	v6 =	vld.idx.msk [tilespmem:v2+s1+$0x2450 ss:$0x1], $0xffff;
	[tilespmem:v2+s1+$0x3810 ss:$0x1] =	vst.idx.msk $0xffff, v8  }
0x187: {  	[tilespmem:v2+s1+$0x420 ss:$0x1] =	vst.idx.msk $0xffff, v7;
	v7 =	vmul.f32 $4.525483320e+01, v13;
	v8 =	vld.idx.msk [tilespmem:v2+s1+$0x3820 ss:$0x1], $0xffff  }
0x188: {  	v12 =	vmul.f32 $4.525483320e+01, v12;
	v13 =	vld.idx.msk [tilespmem:v2+s1+$0x430 ss:$0x1], $0xffff;
	[tilespmem:v2+s1+$0x2C40 ss:$0x1] =	vst.idx.msk $0xffff, v5  }
0x189: {  	[tilespmem:v2+s1+$0x2850 ss:$0x1] =	vst.idx.msk $0xffff, v7;
	v5 =	vld.idx.msk [tilespmem:v2+s1+$0x2C50 ss:$0x1], $0xffff;
	v7 =	vmul.f32 $4.525483320e+01, v9  }
0x18a: {  	v9 =	vmul.f32 $4.525483320e+01, v11;
	[tilespmem:v2+s1+$0xC30 ss:$0x1] =	vst.idx.msk $0xffff, v12;
	v11 =	vld.idx.msk [tilespmem:v2+s1+$0x2860 ss:$0x1], $0xffff  }
0x18b: {  	v10 =	vmul.f32 $4.525483320e+01, v10;
	v12 =	vld.idx.msk [tilespmem:v2+s1+$0xC40 ss:$0x1], $0xffff;
	[tilespmem:v2+s1+$0x3050 ss:$0x1] =	vst.idx.msk $0xffff, v7  }
0x18c: {  	v3 =	vmul.f32 $4.525483320e+01, v3;
	[tilespmem:v2+s1+$0x50 ss:$0x1] =	vst.idx.msk $0xffff, v9;
	v7 =	vld.idx.msk [tilespmem:v2+s1+$0x3060 ss:$0x1], $0xffff  }
0x18d: {  	v4 =	vmul.f32 $4.525483320e+01, v4;
	v8 =	vmul.f32 $4.525483320e+01, v8;
	v9 =	vld.idx.msk [tilespmem:v2+s1+$0x60 ss:$0x1], $0xffff;
	[tilespmem:v2+s1+$0x1850 ss:$0x1] =	vst.idx.msk $0xffff, v10  }
0x18e: {  	v10 =	vmul.f32 $4.525483320e+01, v13;
	v13 =	vld.idx.msk [tilespmem:v2+s1+$0x2020 ss:$0x1], $0xffff;
	[tilespmem:v2+s1+$0x3C00 ss:$0x1] =	vst.idx.msk $0xffff, v3  }
0x18f: {  	v3 =	vmul.f32 $4.525483320e+01, v5;
	[tilespmem:v2+s1+$0x1030 ss:$0x1] =	vst.idx.msk $0xffff, v4;
	v4 =	vld.idx.msk [tilespmem:v2+s1+$0x3C10 ss:$0x1], $0xffff  }
0x190: {  	v6 =	vmul.f32 $4.525483320e+01, v6;
	[tilespmem:v2+s1+$0x430 ss:$0x1] =	vst.idx.msk $0xffff, v10;
	v5 =	vld.idx.msk [tilespmem:v2+s1+$0x1040 ss:$0x1], $0xffff  }
0x191: {  	v12 =	vmul.f32 $4.525483320e+01, v12;
	v10 =	vld.idx.msk [tilespmem:v2+s1+$0x830 ss:$0x1], $0xffff;
	[tilespmem:v2+s1+$0x2C50 ss:$0x1] =	vst.idx.msk $0xffff, v3  }
0x192: {  	v3 =	vld.idx.msk [tilespmem:v2+s1+$0x440 ss:$0x1], $0xffff;
	[tilespmem:v2+s1+$0x2450 ss:$0x1] =	vst.idx.msk $0xffff, v6;
	v6 =	vmul.f32 $4.525483320e+01, v7  }
0x193: {  	v7 =	vmul.f32 $4.525483320e+01, v9;
	[tilespmem:v2+s1+$0xC40 ss:$0x1] =	vst.idx.msk $0xffff, v12;
	v9 =	vld.idx.msk [tilespmem:v2+s1+$0x2C60 ss:$0x1], $0xffff  }
0x194: {  	v11 =	vmul.f32 $4.525483320e+01, v11;
	v12 =	vld.idx.msk [tilespmem:v2+s1+$0xC50 ss:$0x1], $0xffff;
	[tilespmem:v2+s1+$0x3060 ss:$0x1] =	vst.idx.msk $0xffff, v6  }
0x195: {  	v4 =	vmul.f32 $4.525483320e+01, v4;
	[tilespmem:v2+s1+$0x60 ss:$0x1] =	vst.idx.msk $0xffff, v7;
	v6 =	vld.idx.msk [tilespmem:v2+s1+$0x2460 ss:$0x1], $0xffff  }
0x196: {  	v5 =	vmul.f32 $4.525483320e+01, v5;
	[tilespmem:v2+s1+$0x2860 ss:$0x1] =	vst.idx.msk $0xffff, v11;
	v7 =	vld.idx.msk [tilespmem:v2+s1+$0x3070 ss:$0x1], $0xffff  }
0x197: {  	v11 =	vld.idx.msk [tilespmem:v2+s1+$0x3420 ss:$0x1], $0xffff;
	[tilespmem:v2+s1+$0x3C10 ss:$0x1] =	vst.idx.msk $0xffff, v4  }
0x198: {  	v3 =	vmul.f32 $4.525483320e+01, v3;
	[tilespmem:v2+s1+$0x1040 ss:$0x1] =	vst.idx.msk $0xffff, v5;
	v4 =	vld.idx.msk [tilespmem:v2+s1+$0x3C20 ss:$0x1], $0xffff  }
0x199: {  	v5 =	vld.idx.msk [tilespmem:v2+s1+$0x1050 ss:$0x1], $0xffff  }
0x19a: {  	[tilespmem:v2+s1+$0x440 ss:$0x1] =	vst.idx.msk $0xffff, v3;
	v3 =	vmul.f32 $4.525483320e+01, v12;
	v12 =	vld.idx.msk [tilespmem:v2+s1+$0x1C40 ss:$0x1], $0xffff  }
0x19b: {  	v10 =	vmul.f32 $4.525483320e+01, v10;
	v14 =	vld.idx.msk [tilespmem:v2+s1+$0x450 ss:$0x1], $0xffff;
	[tilespmem:v2+s1+$0x3820 ss:$0x1] =	vst.idx.msk $0xffff, v8  }
0x19c: {  	v8 =	vmul.f32 $4.525483320e+01, v13;
	[tilespmem:v2+s1+$0xC50 ss:$0x1] =	vst.idx.msk $0xffff, v3;
	v3 =	vmul.f32 $4.525483320e+01, v9;
	v9 =	vld.idx.msk [tilespmem:v2+s1+$0x3830 ss:$0x1], $0xffff  }
0x19d: {  	v11 =	vmul.f32 $4.525483320e+01, v11;
	[tilespmem:v2+s1+$0x830 ss:$0x1] =	vst.idx.msk $0xffff, v10;
	v10 =	vld.idx.msk [tilespmem:v2+s1+$0xC60 ss:$0x1], $0xffff  }
0x19e: {  	v4 =	vmul.f32 $4.525483320e+01, v4;
	v13 =	vld.idx.msk [tilespmem:v2+s1+$0x840 ss:$0x1], $0xffff;
	[tilespmem:v2+s1+$0x2C60 ss:$0x1] =	vst.idx.msk $0xffff, v3;
	v3 =	vmul.f32 $4.525483320e+01, v7  }
0x19f: {  	v5 =	vmul.f32 $4.525483320e+01, v5;
	v7 =	vld.idx.msk [tilespmem:v2+s1+$0x70 ss:$0x1], $0xffff;
	[tilespmem:v2+s1+$0x3420 ss:$0x1] =	vst.idx.msk $0xffff, v11  }
0x1a0: {  	v11 =	vld.idx.msk [tilespmem:v2+s1+$0x3430 ss:$0x1], $0xffff;
	[tilespmem:v2+s1+$0x3C20 ss:$0x1] =	vst.idx.msk $0xffff, v4  }
0x1a1: {  	v4 =	vmul.f32 $4.525483320e+01, v14;
	[tilespmem:v2+s1+$0x2020 ss:$0x1] =	vst.idx.msk $0xffff, v8;
	v8 =	vld.idx.msk [tilespmem:v2+s1+$0x3C30 ss:$0x1], $0xffff  }
0x1a2: {  	v9 =	vmul.f32 $4.525483320e+01, v9;
	[tilespmem:v2+s1+$0x1050 ss:$0x1] =	vst.idx.msk $0xffff, v5;
	v5 =	vmul.f32 $4.525483320e+01, v12;
	v12 =	vld.idx.msk [tilespmem:v2+s1+$0x2030 ss:$0x1], $0xffff  }
0x1a3: {  	[tilespmem:v2+s1+$0x450 ss:$0x1] =	vst.idx.msk $0xffff, v4;
	v4 =	vmul.f32 $4.525483320e+01, v10;
	v10 =	vld.idx.msk [tilespmem:v2+s1+$0x1060 ss:$0x1], $0xffff  }
0x1a4: {  	v13 =	vmul.f32 $4.525483320e+01, v13;
	v14 =	vld.idx.msk [tilespmem:v2+s1+$0x460 ss:$0x1], $0xffff;
	[tilespmem:v2+s1+$0x1C40 ss:$0x1] =	vst.idx.msk $0xffff, v5  }
0x1a5: {  	[tilespmem:v2+s1+$0xC60 ss:$0x1] =	vst.idx.msk $0xffff, v4;
	v4 =	vld.idx.msk [tilespmem:v2+s1+$0x1C50 ss:$0x1], $0xffff  }
0x1a6: {  	v6 =	vmul.f32 $4.525483320e+01, v6;
	[tilespmem:v2+s1+$0x840 ss:$0x1] =	vst.idx.msk $0xffff, v13;
	v5 =	vld.idx.msk [tilespmem:v2+s1+$0xC70 ss:$0x1], $0xffff  }
0x1a7: {  	v11 =	vmul.f32 $4.525483320e+01, v11;
	v8 =	vmul.f32 $4.525483320e+01, v8;
	v13 =	vld.idx.msk [tilespmem:v2+s1+$0x850 ss:$0x1], $0xffff;
	[tilespmem:v2+s1+$0x3830 ss:$0x1] =	vst.idx.msk $0xffff, v9  }
0x1a8: {  	[tilespmem:v2+s1+$0x2460 ss:$0x1] =	vst.idx.msk $0xffff, v6;
	v6 =	vld.idx.msk [tilespmem:v2+s1+$0x3840 ss:$0x1], $0xffff  }
0x1a9: {  	v12 =	vmul.f32 $4.525483320e+01, v12;
	v9 =	vld.idx.msk [tilespmem:v2+s1+$0x1450 ss:$0x1], $0xffff;
	[tilespmem:v2+s1+$0x3C30 ss:$0x1] =	vst.idx.msk $0xffff, v8  }
0x1aa: {  	v8 =	vmul.f32 $4.525483320e+01, v10;
	[tilespmem:v2+s1+$0x3430 ss:$0x1] =	vst.idx.msk $0xffff, v11;
	v10 =	vld.idx.msk [tilespmem:v2+s1+$0x3C40 ss:$0x1], $0xffff  }
0x1ab: {  	v4 =	vmul.f32 $4.525483320e+01, v4;
	[tilespmem:v2+s1+$0x2030 ss:$0x1] =	vst.idx.msk $0xffff, v12;
	v11 =	vld.idx.msk [tilespmem:v2+s1+$0x3440 ss:$0x1], $0xffff  }
0x1ac: {  	v5 =	vmul.f32 $4.525483320e+01, v5;
	[tilespmem:v2+s1+$0x1060 ss:$0x1] =	vst.idx.msk $0xffff, v8;
	v8 =	vld.idx.msk [tilespmem:v2+s1+$0x2C70 ss:$0x1], $0xffff  }
0x1ad: {  	v12 =	vmul.f32 $4.525483320e+01, v13;
	[tilespmem:v2+s1+$0x1C50 ss:$0x1] =	vst.idx.msk $0xffff, v4;
	v4 =	vld.idx.msk [tilespmem:v2+s1+$0x2040 ss:$0x1], $0xffff  }
0x1ae: {  	v7 =	vmul.f32 $4.525483320e+01, v7;
	v6 =	vmul.f32 $4.525483320e+01, v6;
	[tilespmem:v2+s1+$0xC70 ss:$0x1] =	vst.idx.msk $0xffff, v5;
	v5 =	vld.idx.msk [tilespmem:v2+s1+$0x1C60 ss:$0x1], $0xffff  }
0x1af: {  	v9 =	vmul.f32 $4.525483320e+01, v9;
	[tilespmem:v2+s1+$0x850 ss:$0x1] =	vst.idx.msk $0xffff, v12;
	v12 =	vld.idx.msk [tilespmem:v2+s1+$0x1070 ss:$0x1], $0xffff  }
0x1b0: {  	v13 =	vld.idx.msk [tilespmem:v2+s1+$0x860 ss:$0x1], $0xffff;
	[tilespmem:v2+s1+$0x3840 ss:$0x1] =	vst.idx.msk $0xffff, v6;
	v6 =	vmul.f32 $4.525483320e+01, v10  }
0x1b1: {  	[tilespmem:v2+s1+$0x1450 ss:$0x1] =	vst.idx.msk $0xffff, v9;
	v9 =	vmul.f32 $4.525483320e+01, v11;
	v10 =	vld.idx.msk [tilespmem:v2+s1+$0x3850 ss:$0x1], $0xffff  }
0x1b2: {  	v11 =	vmul.f32 $4.525483320e+01, v14;
	v14 =	vld.idx.msk [tilespmem:v2+s1+$0x1460 ss:$0x1], $0xffff;
	[tilespmem:v2+s1+$0x3C40 ss:$0x1] =	vst.idx.msk $0xffff, v6  }
0x1b3: {  	v4 =	vmul.f32 $4.525483320e+01, v4;
	[tilespmem:v2+s1+$0x3440 ss:$0x1] =	vst.idx.msk $0xffff, v9;
	v6 =	vld.idx.msk [tilespmem:v2+s1+$0x3C50 ss:$0x1], $0xffff  }
0x1b4: {  	v5 =	vmul.f32 $4.525483320e+01, v5;
	[tilespmem:v2+s1+$0x460 ss:$0x1] =	vst.idx.msk $0xffff, v11;
	v9 =	vld.idx.msk [tilespmem:v2+s1+$0x3450 ss:$0x1], $0xffff  }
0x1b5: {  	v11 =	vld.idx.msk [tilespmem:v2+s1+$0x470 ss:$0x1], $0xffff;
	[tilespmem:v2+s1+$0x2040 ss:$0x1] =	vst.idx.msk $0xffff, v4  }
0x1b6: {  	v4 =	vmul.f32 $4.525483320e+01, v13;
	[tilespmem:v2+s1+$0x1C60 ss:$0x1] =	vst.idx.msk $0xffff, v5;
	v5 =	vld.idx.msk [tilespmem:v2+s1+$0x2050 ss:$0x1], $0xffff  }
0x1b7: {  	v10 =	vmul.f32 $4.525483320e+01, v10;
	[tilespmem:v2+s1+$0x70 ss:$0x1] =	vst.idx.msk $0xffff, v7;
	v7 =	vld.idx.msk [tilespmem:v2+s1+$0x1C70 ss:$0x1], $0xffff  }
0x1b8: {  	v8 =	vmul.f32 $4.525483320e+01, v8;
	[tilespmem:v2+s1+$0x860 ss:$0x1] =	vst.idx.msk $0xffff, v4;
	v4 =	vld.idx.msk [tilespmem:v2+s1+$0x2470 ss:$0x1], $0xffff  }
0x1b9: {  	v6 =	vmul.f32 $4.525483320e+01, v6;
	v13 =	vld.idx.msk [tilespmem:v2+s1+$0x870 ss:$0x1], $0xffff;
	[tilespmem:v2+s1+$0x3850 ss:$0x1] =	vst.idx.msk $0xffff, v10  }
0x1ba: {  	v10 =	vmul.f32 $4.525483320e+01, v14;
	[tilespmem:v2+s1+$0x2C70 ss:$0x1] =	vst.idx.msk $0xffff, v8;
	v8 =	vld.idx.msk [tilespmem:v2+s1+$0x3860 ss:$0x1], $0xffff  }
0x1bb: {  	v9 =	vmul.f32 $4.525483320e+01, v9;
	v14 =	vld.idx.msk [tilespmem:v2+s1+$0x1860 ss:$0x1], $0xffff;
	[tilespmem:v2+s1+$0x3C50 ss:$0x1] =	vst.idx.msk $0xffff, v6  }
0x1bc: {  	v5 =	vmul.f32 $4.525483320e+01, v5;
	[tilespmem:v2+s1+$0x1460 ss:$0x1] =	vst.idx.msk $0xffff, v10;
	v6 =	vld.idx.msk [tilespmem:v2+s1+$0x3C60 ss:$0x1], $0xffff  }
0x1bd: {  	v7 =	vmul.f32 $4.525483320e+01, v7;
	v10 =	vld.idx.msk [tilespmem:v2+s1+$0x1470 ss:$0x1], $0xffff;
	[tilespmem:v2+s1+$0x3450 ss:$0x1] =	vst.idx.msk $0xffff, v9  }
0x1be: {  	[tilespmem:v2+s1+$0x2050 ss:$0x1] =	vst.idx.msk $0xffff, v5;
	v5 =	vld.idx.msk [tilespmem:v2+s1+$0x3460 ss:$0x1], $0xffff  }
0x1bf: {  	v9 =	vmul.f32 $4.525483320e+01, v13;
	[tilespmem:v2+s1+$0x1C70 ss:$0x1] =	vst.idx.msk $0xffff, v7;
	v7 =	vld.idx.msk [tilespmem:v2+s1+$0x2060 ss:$0x1], $0xffff  }
0x1c0: {  	v13 =	vld.idx.msk [tilespmem:v2+s1+$0x2870 ss:$0x1], $0xffff;
	[tilespmem:v2+s1+$0x3070 ss:$0x1] =	vst.idx.msk $0xffff, v3;
	v3 =	vmul.f32 $4.525483320e+01, v8  }
0x1c1: {  	v8 =	vmul.f32 $4.525483320e+01, v11;
	[tilespmem:v2+s1+$0x870 ss:$0x1] =	vst.idx.msk $0xffff, v9;
	v9 =	vmul.f32 $4.525483320e+01, v14  }
0x1c2: {  	[tilespmem:v2+s1+$0x3860 ss:$0x1] =	vst.idx.msk $0xffff, v3;
	v3 =	vmul.f32 $4.525483320e+01, v6  }
0x1c3: {  	v6 =	vmul.f32 $4.525483320e+01, v10;
	[tilespmem:v2+s1+$0x1860 ss:$0x1] =	vst.idx.msk $0xffff, v9;
	v9 =	vld.idx.msk [tilespmem:v2+s1+$0x3870 ss:$0x1], $0xffff  }
0x1c4: {  	v5 =	vmul.f32 $4.525483320e+01, v5;
	v10 =	vld.idx.msk [tilespmem:v2+s1+$0x1870 ss:$0x1], $0xffff;
	[tilespmem:v2+s1+$0x3C60 ss:$0x1] =	vst.idx.msk $0xffff, v3  }
0x1c5: {  	v3 =	vmul.f32 $4.525483320e+01, v7;
	[tilespmem:v2+s1+$0x1470 ss:$0x1] =	vst.idx.msk $0xffff, v6;
	v6 =	vld.idx.msk [tilespmem:v2+s1+$0x3C70 ss:$0x1], $0xffff  }
0x1c6: {  	v7 =	vmul.f32 $4.525483320e+01, v12;
	[tilespmem:v2+s1+$0x3460 ss:$0x1] =	vst.idx.msk $0xffff, v5  }
0x1c7: {  	v5 =	vmul.f32 $4.525483320e+01, v4;
	[tilespmem:v2+s1+$0x2060 ss:$0x1] =	vst.idx.msk $0xffff, v3;
	v4 =	vld.idx.msk [tilespmem:v2+s1+$0x3470 ss:$0x1], $0xffff  }
.Ltmp0:
0x1c8: {  	[tilespmem:v2+s1+$0x1070 ss:$0x1] =	vst.idx.msk $0xffff, v7;
	v3 =	vld.idx.msk [tilespmem:v2+s1+$0x2070 ss:$0x1], $0xffff;
	(pc) =	sbr.rel @p0 .LBB2_3-.Ltmp0, $4  }
0x1c9: {  	[tilespmem:v2+s1+$0x2470 ss:$0x1] =	vst.idx.msk $0xffff, v5;
	v5 =	vmul.f32 $4.525483320e+01, v9  }
0x1ca: {  	v7 =	vmul.f32 $4.525483320e+01, v10;
	[tilespmem:v2+s1+$0x470 ss:$0x1] =	vst.idx.msk $0xffff, v8  }
0x1cb: {  	v6 =	vmul.f32 $4.525483320e+01, v6;
	[tilespmem:v2+s1+$0x3870 ss:$0x1] =	vst.idx.msk $0xffff, v5  }
0x1cc: {  	v5 =	vmul.f32 $4.525483320e+01, v13;
	[tilespmem:v2+s1+$0x1870 ss:$0x1] =	vst.idx.msk $0xffff, v7  }
0x1cd: {  	s17 =	sadd.s32 $0xFFFFFFFE, s30  }
0x1ce: {  	p0 =	sgt.u32 s17, $0x38  }
0x1cf: {  	s16 =	sand.u32 @!p0 $0xFF, s16  }
0x1d0: {  	p1 =	slt.u32 @!p0 s16, $0x2  }
0x1d1: {  	v4 =	vmul.f32 $4.525483320e+01, v4;
	[tilespmem:v2+s1+$0x3C70 ss:$0x1] =	vst.idx.msk $0xffff, v6;
	s16 =	simm.s32 @!p0 $0x5;
	p1 =	por !p1, p0  }
0x1d2: {  	v3 =	vmul.f32 $4.525483320e+01, v3;
	[tilespmem:v2+s1+$0x2870 ss:$0x1] =	vst.idx.msk $0xffff, v5;
	s16 =	simm.s32 @p1 $0xFFFFFFFE  }
0x1d3: {  	[tilespmem:v2+s1+$0x3470 ss:$0x1] =	vst.idx.msk $0xffff, v4;
	s16 =	sadd.s32 @!p0 s31, s16  }
0x1d4: {  	[tilespmem:v2+s1+$0x2070 ss:$0x1] =	vst.idx.msk $0xffff, v3;
	s1 =	sadd.s32 @!p0 $0x8, s16  }
0x1d5: {  	_ =	swait.ge @!p0 [sflag:s1], $0x4000  }
0x1d6: {  	s17 =	sshll.u32 @!p0 s30, $0x3;
	[sflag:s1] =	ssyncset.done @!p0 $0x0  }
0x1d7: {  	[sflag:s1] =	ssyncadd.s32 @!p0 $0xFFFFC000;
	s1 =	sand.u32 @!p0 $0x3FFFFFF8, s17  }
0x1d8: {  	v2 =	vld.msk @!p0 [tilespmem:s1+$0x28], $0xff;
	_ =	sdelay $0x4  }
0x1d9: {  	v3 =	vshll.u32 @!p0 v2, $0x4  }
0x1da: {  	v4 =	vlaneseq.u32 @!p0;
	v2 =	vand.u32 @!p0 $0x7, v2;
	v3 =	vand.u32 @!p0 $0xFFFFFF80, v3  }
0x1db: {  	v2 =	vor.u32 @!p0 v2, v3;
	v3 =	vand.u32 @!p0 $0x7, v4;
	v4 =	vshrl.u32 @!p0 v4, $0x3  }
0x1dc: {  	v2 =	vperm.xlane @!p0 v2, v3;
	v3 =	vmul.u32 @!p0 $0x8, v4;
	_ =	sdelay $0x1  }
0x1dd: {  	v2 =	vadd.s32 @!p0 v3, v2;
	_ =	sdelay $0x1  }
0x1de: {  	s1 =	sshll.u32 @!p0 s16, $0xE  }
0x1df: {  	s1 =	sand.u32 @!p0 $0x3FFFC000, s1  }
0x1e0: {  	vm1 =	vmmov @!p0 $0xffff;
	s18 =	simm.s32 @!p0 $0x0;
	s16 =	sadd.s32 @!p0 $0x1, s16;
	s17 =	sor.u32 @!p0 $0x200, s1  }
0x1e1: {  	[tilespmem:s17], [sflag:s16] =	stream.indirect_vreg.gather @!p0 [hbm4b:s2+s18], $0x80, v2, vm1, $0xb8;
	[tilespmem:$0x1C200] =	vst v63  }
0x1e2: {  	s17 =	sor.u32 @!p0 $0xA00, s1  }
0x1e3: {  	[tilespmem:s17], [sflag:s16] =	stream.indirect_vreg.gather @!p0 [hbm4b:s7+s18], $0x80, v2, vm1, $0xb8;
	[tilespmem:$0x1C200] =	vst v63  }
0x1e4: {  	s17 =	sor.u32 @!p0 $0x1200, s1  }
0x1e5: {  	[tilespmem:s17], [sflag:s16] =	stream.indirect_vreg.gather @!p0 [hbm4b:s8+s18], $0x80, v2, vm1, $0xb8;
	[tilespmem:$0x1C200] =	vst v63  }
0x1e6: {  	s17 =	sor.u32 @!p0 $0x1A00, s1  }
0x1e7: {  	[tilespmem:s17], [sflag:s16] =	stream.indirect_vreg.gather @!p0 [hbm4b:s9+s18], $0x80, v2, vm1, $0xb8;
	[tilespmem:$0x1C200] =	vst v63  }
0x1e8: {  	s17 =	sor.u32 @!p0 $0x2200, s1  }
0x1e9: {  	[tilespmem:s17], [sflag:s16] =	stream.indirect_vreg.gather @!p0 [hbm4b:s10+s18], $0x80, v2, vm1, $0xb8;
	[tilespmem:$0x1C200] =	vst v63  }
0x1ea: {  	s17 =	sor.u32 @!p0 $0x2A00, s1  }
0x1eb: {  	[tilespmem:s17], [sflag:s16] =	stream.indirect_vreg.gather @!p0 [hbm4b:s11+s18], $0x80, v2, vm1, $0xb8;
	[tilespmem:$0x1C200] =	vst v63  }
0x1ec: {  	s17 =	sor.u32 @!p0 $0x3200, s1  }
0x1ed: {  	[tilespmem:s17], [sflag:s16] =	stream.indirect_vreg.gather @!p0 [hbm4b:s12+s18], $0x80, v2, vm1, $0xb8;
	[tilespmem:$0x1C200] =	vst v63  }
0x1ee: {  	s1 =	sor.u32 @!p0 $0x3A00, s1  }
0x1ef: {  	[tilespmem:s1], [sflag:s16] =	stream.indirect_vreg.gather @!p0 [hbm4b:s13+s18], $0x80, v2, vm1, $0xb8;
	[tilespmem:$0x1C200] =	vst v63  }
0x1f0: {  	s18 =	sadd.s32 s5, s30;
	s30 =	sadd.s32 $0x1, s30  }
0x1f1: {  	p0 =	sne.s32 s30, $0x40  }
.Ltmp1:
0x1f2: {  	_ = 	snop;
	(pc) =	sbr.rel @p0 .LBB2_2-.Ltmp1, $4  }
0x1f3: {  	_ = 	snop  }
0x1f4: {  	s1 =	sshll.u32 s18, $0xB  }
0x1f5: {  	s31 =	sadd.s32 $0x8, s31;
	s1 =	sadd.s32 s3, s1  }
0x1f6: {  	[hbm4b:s1+s4] =	stream.linear.scatter [tilespmem:s0], [sflag:s31], $0x4000, $0x38;
	[tilespmem:$0x1C200] =	vst v63  }
0x1f7: {  	_ =	swait.ge [sflag:s21], $0x4000  }
0x1f8: {  	[sflag:s21] =	ssyncset.done $0x0  }
0x1f9: {  	[sflag:s21] =	ssyncadd.s32 $0xFFFFC000  }
0x1fa: {  	_ =	swait.ge [sflag:s22], $0x4000  }
0x1fb: {  	[sflag:s22] =	ssyncset.done $0x0  }
0x1fc: {  	[sflag:s22] =	ssyncadd.s32 $0xFFFFC000  }
0x1fd: {  	_ =	swait.ge [sflag:s23], $0x4000  }
0x1fe: {  	[sflag:s23] =	ssyncset.done $0x0  }
0x1ff: {  	[sflag:s23] =	ssyncadd.s32 $0xFFFFC000  }
0x200: {  	_ =	swait.ge [sflag:s24], $0x4000  }
0x201: {  	[sflag:s24] =	ssyncset.done $0x0  }
0x202: {  	[sflag:s24] =	ssyncadd.s32 $0xFFFFC000  }
0x203: {  	_ =	swait.ge [sflag:s25], $0x4000  }
0x204: {  	[sflag:s25] =	ssyncset.done $0x0  }
0x205: {  	s29 =	sadd.s32 $0x1, s29;
	[sflag:s25] =	ssyncadd.s32 $0xFFFFC000  }
0x206: {  	p0 =	sne.s32 s29, s14;
	_ =	swait.ge [sflag:s26], $0x4000  }
.Ltmp2:
0x207: {  	[sflag:s26] =	ssyncset.done $0x0;
	(pc) =	sbr.rel @p0 .LBB2_1-.Ltmp2, $4  }
0x208: {  	[sflag:s26] =	ssyncadd.s32 $0xFFFFC000  }
0x209: {  	_ =	swait.ge [sflag:s28], $0x4000  }
0x20a: {  	[sflag:s28] =	ssyncset.done $0x0  }
0x20b: {  	[sflag:s28] =	ssyncadd.s32 $0xFFFFC000  }
0x20c: {  	_ =	sfence.sel $0x180000  }
0x20d: {  	[bflag:$0x0] =	sbarrier.arrive $0xFFFF  }
0x20e: {  	_ =	strace $0x90000047  }
0x20f: {  	s0 =	stileid.u32;
	[bflag:$0x2] =	sbarrier.arrive $0xFFFF  }
0x210: {  	p0 =	sne.s32 s0, $0x0;
	s0 =	rddreg [dreg:$0x3]  }
0x211: {  	s0 =	sadd.s32 @!p0 $0x100000, s0  }
0x212: {  	[sflag:s0] =	ssyncadd.tile.s32 @!p0 $0x1;
	_ =	shalt  }
.Lfunc_end2:
_tile_overlayer_lowered:
.L_overlay_start_2:
0x213: {  	(tag) =	ssettag $0x2  }
0x214: {  	s0 =	rddreg [dreg:$0x0];
	s2 =	stileid.u32  }
0x215: {  	s1 =	rddreg [dreg:$0x1];
	p0 =	sne.s32 s2, $0x0  }
0x216: {  	s3 =	rddreg [dreg:$0x2];
	[bflag:$0x3] =	sbarrier.arrive $0xFFFF;
	s2 =	simm.s32 @!p0 $0x1C0F  }
0x217: {  	[timem:s3], [sflag:s2] =	dma.local @!p0 [hbm:s0], s1  }
0x218: {  	s0 =	simm.s32 @!p0 $0xF  }
0x219: {  	_ =	swait.ge @!p0 [sflag:s0], s1  }
0x21a: {  	s1 =	ssub.s32 @!p0 $0x0, s1;
	[sflag:s0] =	ssyncset.done @!p0 $0x0  }
0x21b: {  	[sflag:s0] =	ssyncadd.s32 @!p0 s1  }
0x21c: {  	[bflag:$0x3] =	sbarrier.arrive $0xFFFF  }
0x21d: {  	_ =	shalt  }

</sc_bundles>
